<compile_context>
chip_gen: v7x
topology: tpu7x:2x2x1
jax: 0.10.2.dev20260603
libtpu: 0.0.44.dev20260713+nightly
codegen_flags: <defaults>
</compile_context>

<pallas_src>
import functools

import jax
import jax.numpy as jnp
from jax import lax
from jax.experimental import pallas as pl
from jax.experimental.pallas import tpu as pltpu
from jax.experimental.pallas import tpu_sc as plsc

N = 10000
D = 128
E = 320000
NC = 2
NS = 16
CH = 128
TCH = 160
SPL = 120
DMAX = 120
E_PAD = NS * TCH * CH
N_PAD = 10112
RPT = N_PAD // NS
DCH = 160
CHD = 128


def _sc_mesh():
    return plsc.VectorSubcoreMesh(core_axis_name="c", subcore_axis_name="s")


def _sc_degree(idx2, zeros128, ones128):

    @functools.partial(
        pl.kernel,
        mesh=_sc_mesh(),
        out_type=jax.ShapeDtypeStruct((2 * N_PAD, D), jnp.float32),
        scratch_types=[
            pltpu.VMEM((DCH, CHD), jnp.int32),
            pltpu.VMEM((CHD, D), jnp.float32),
            pltpu.VMEM_SHARED((N_PAD, D), jnp.float32),
        ],
    )
    def k(idx_hbm, z_hbm, o_hbm, deg_hbm, idx_all, ones_v, acc):
        c = lax.axis_index("c")
        s = lax.axis_index("s")
        pltpu.sync_copy(z_hbm, acc.at[pl.ds(s * RPT, RPT)])
        pltpu.sync_copy(o_hbm, ones_v)
        pltpu.sync_copy(idx_hbm.at[c * NS + s], idx_all)
        plsc.subcore_barrier()

        def body(g, carry):
            pltpu.sync_copy(ones_v, acc.at[idx_all.at[g]], add=True)
            return carry

        lax.fori_loop(0, DCH, body, 0)
        plsc.subcore_barrier()
        pltpu.sync_copy(
            acc.at[pl.ds(s * RPT, RPT)],
            deg_hbm.at[pl.ds(c * N_PAD + s * RPT, RPT)],
        )

    return k(idx2, zeros128, ones128)


def _sc_scatter(hn, src_r, dst_r, zeros128):

    @functools.partial(
        pl.kernel,
        mesh=_sc_mesh(),
        out_type=jax.ShapeDtypeStruct((2 * N_PAD, D), jnp.float32),
        scratch_types=[
            pltpu.VMEM((DMAX, CH), jnp.int32),
            pltpu.VMEM((CH,), jnp.int32),
            pltpu.VMEM((CH,), jnp.int32),
            pltpu.VMEM((CH, D), jnp.float32),
            pltpu.VMEM((CH, D), jnp.float32),
            pltpu.SemaphoreType.DMA,
            pltpu.SemaphoreType.DMA,
            pltpu.SemaphoreType.DMA,
            pltpu.SemaphoreType.DMA,
            pltpu.VMEM_SHARED((N_PAD, D), jnp.float32),
        ],
    )
    def k(hn_hbm, src_hbm, dst_hbm, z_hbm, out_hbm,
          didx, ibuf0, ibuf1, rbuf0, rbuf1,
          isem0, isem1, rsem0, rsem1, acc):
        c = lax.axis_index("c")
        s = lax.axis_index("s")
        n = jnp.where(c == 0, SPL, TCH - SPL)
        cbase = c * SPL
        lbase = c * (SPL - (TCH - DMAX))
        pltpu.sync_copy(z_hbm, acc.at[pl.ds(s * RPT, RPT)])
        pltpu.sync_copy(dst_hbm.at[s, pl.ds(c * (TCH - DMAX), DMAX)], didx)
        plsc.subcore_barrier()

        def idx_start(g, ibuf, isem):
            pltpu.async_copy(src_hbm.at[s, cbase + g], ibuf, isem)

        def idx_wait(ibuf, isem):
            pltpu.make_async_copy(src_hbm.at[s, 0], ibuf, isem).wait()

        def gather_start(ibuf, rbuf, rsem):
            pltpu.async_copy(hn_hbm.at[ibuf], rbuf, rsem)

        def gather_wait(ibuf, rbuf, rsem):
            pltpu.make_async_copy(hn_hbm.at[ibuf], rbuf, rsem).wait()

        def scat(g, rbuf):
            pltpu.sync_copy(rbuf, acc.at[didx.at[lbase + g]], add=True)

        idx_start(0, ibuf0, isem0)
        idx_start(1, ibuf1, isem1)
        idx_wait(ibuf0, isem0)
        gather_start(ibuf0, rbuf0, rsem0)

        def body(i, carry):
            g = 2 * i
            idx_wait(ibuf1, isem1)
            gather_wait(ibuf0, rbuf0, rsem0)
            gather_start(ibuf1, rbuf1, rsem1)
            idx_start(g + 2, ibuf0, isem0)
            scat(g, rbuf0)
            idx_wait(ibuf0, isem0)
            gather_wait(ibuf1, rbuf1, rsem1)
            gather_start(ibuf0, rbuf0, rsem0)
            idx_start(g + 3, ibuf1, isem1)
            scat(g + 1, rbuf1)
            return carry

        lax.fori_loop(0, n // 2 - 1, body, 0)
        gl = n - 2
        idx_wait(ibuf1, isem1)
        gather_wait(ibuf0, rbuf0, rsem0)
        gather_start(ibuf1, rbuf1, rsem1)
        scat(gl, rbuf0)
        gather_wait(ibuf1, rbuf1, rsem1)
        scat(gl + 1, rbuf1)

        plsc.subcore_barrier()
        pltpu.sync_copy(
            acc.at[pl.ds(s * RPT, RPT)],
            out_hbm.at[pl.ds(c * N_PAD + s * RPT, RPT)],
        )

    return k(hn, src_r, dst_r, zeros128)


def _first_body(x_ref, w_ref, deg_ref, o_ref):
    nsrc = lax.rsqrt(jnp.maximum(deg_ref[:, 0:1], 1.0))
    o_ref[...] = (
        jnp.dot(x_ref[...], w_ref[...], preferred_element_type=jnp.float32)
        * nsrc
    )


def _tc_first(x, w, deg_out):
    return pl.pallas_call(
        _first_body,
        out_shape=jax.ShapeDtypeStruct((N, D), jnp.float32),
    )(x, w, deg_out)


def _mid_body(p0_ref, p1_ref, din_ref, dout_ref, b_ref, w_ref, o_ref):
    ndst = lax.rsqrt(jnp.maximum(din_ref[:, 0:1], 1.0))
    t = jnp.maximum((p0_ref[...] + p1_ref[...]) * ndst + b_ref[...], 0.0)
    nsrc = lax.rsqrt(jnp.maximum(dout_ref[:, 0:1], 1.0))
    o_ref[...] = (
        jnp.dot(t, w_ref[...], preferred_element_type=jnp.float32) * nsrc
    )


def _tc_mid(p0, p1, deg_in, deg_out, b, w):
    return pl.pallas_call(
        _mid_body,
        out_shape=jax.ShapeDtypeStruct((N, D), jnp.float32),
    )(p0, p1, deg_in, deg_out, b, w)


def _final_body(p0_ref, p1_ref, din_ref, b_ref, wm_ref, wa_ref, o_ref):
    ndst = lax.rsqrt(jnp.maximum(din_ref[:, 0:1], 1.0))
    t = jnp.maximum((p0_ref[...] + p1_ref[...]) * ndst + b_ref[...], 0.0)
    mx = jnp.max(t, axis=0, keepdims=True)
    sm = jnp.sum(t, axis=0, keepdims=True)
    o_ref[...] = wm_ref[...] * mx + (wa_ref[...] / N) * sm


def _tc_final(p0, p1, deg_in, b, wm, wa):
    return pl.pallas_call(
        _final_body,
        out_shape=jax.ShapeDtypeStruct((1, D), jnp.float32),
    )(p0, p1, deg_in, b, wm, wa)


def kernel(features, edge_index, W0, b0, W1, b1, W2, b2, pool_weight):
    src = edge_index[0]
    dst = edge_index[1]
    npad = E_PAD - E
    pad_sink = jnp.full((npad,), N, dtype=jnp.int32)
    pad_zero = jnp.zeros((npad,), dtype=jnp.int32)
    src_r = jnp.concatenate([src, pad_zero]).reshape(NS, TCH, CH)
    dst_r = jnp.concatenate([dst, pad_sink]).reshape(NS, TCH, CH)
    idx2 = jnp.concatenate(
        [src, pad_sink, dst, pad_sink]).reshape(2 * NS, DCH, CHD)
    ones128 = jnp.ones((CHD, D), jnp.float32)
    zeros128 = jnp.zeros((RPT, D), jnp.float32)

    deg = _sc_degree(idx2, zeros128, ones128)
    deg_out = deg[:N]
    deg_in = deg[N_PAD:N_PAD + N]

    hn = _tc_first(features, W0, deg_out)
    part = _sc_scatter(hn, src_r, dst_r, zeros128)
    p0, p1 = part[:N], part[N_PAD:N_PAD + N]
    hn = _tc_mid(p0, p1, deg_in, deg_out, b0.reshape(1, D), W1)
    part = _sc_scatter(hn, src_r, dst_r, zeros128)
    p0, p1 = part[:N], part[N_PAD:N_PAD + N]
    hn = _tc_mid(p0, p1, deg_in, deg_out, b1.reshape(1, D), W2)
    part = _sc_scatter(hn, src_r, dst_r, zeros128)
    p0, p1 = part[:N], part[N_PAD:N_PAD + N]

    w = jax.nn.softmax(pool_weight, axis=0)
    return _tc_final(
        p0, p1, deg_in, b2.reshape(1, D),
        w[0].reshape(1, 1), w[1].reshape(1, 1),
    )

# --- scband reference (transcript-rebuilt; emitter-appended) ---
"""Pipeline reference for scband-gcnencoder-43233140801622 (READ-ONLY COPY).

The authoritative reference and input builder live on the scoring server;
editing this copy changes nothing except your own understanding.
"""

import jax, jax.numpy as jnp
import numpy as np

N = 10000
E = 320000
D = 128


def setup_inputs(seed: int = 0) -> dict:
    key = jax.random.key(seed)
    ks = jax.random.split(key, 8)
    inp = {}
    inp["features"] = jax.random.normal(ks[0], (N, D), dtype=jnp.float32)
    inp["edge_index"] = jax.random.randint(ks[1], (2, E), 0, N, dtype=jnp.int32)
    for i in range(3):
        inp[f"W{i}"] = jax.random.normal(ks[2 + i], (D, D), dtype=jnp.float32) * (1.0 / np.sqrt(D))
        inp[f"b{i}"] = jnp.zeros((D,), dtype=jnp.float32)
    inp["pool_weight"] = jnp.array([0.5, 0.5], dtype=jnp.float32)
    return inp


def _gcn_layer(x, src, dst, W, b, n):
    # DGL GraphConv with norm='both': D_dst^{-1/2} A D_src^{-1/2} X W + b
    deg_out = jnp.bincount(src, length=n).astype(jnp.float32)
    deg_in = jnp.bincount(dst, length=n).astype(jnp.float32)
    norm_src = jnp.power(jnp.maximum(deg_out, 1.0), -0.5)
    norm_dst = jnp.power(jnp.maximum(deg_in, 1.0), -0.5)
    h = x @ W
    m = jnp.take(h, src, axis=0) * norm_src[src][:, None]
    agg = jax.ops.segment_sum(m, dst, num_segments=n)
    return agg * norm_dst[:, None] + b


def reference(features, edge_index, W0, b0, W1, b1, W2, b2, pool_weight):
    src = edge_index[0]
    dst = edge_index[1]
    n = features.shape[0]
    h = features
    for (W, b) in ((W0, b0), (W1, b1), (W2, b2)):
        h = _gcn_layer(h, src, dst, W, b, n)
        h = jax.nn.relu(h)
        # dropout rate = 0.0 -> identity (module uses eval-mode dropout)
    # whole batch is a single graph: readout over all nodes
    max_pooled = jnp.max(h, axis=0, keepdims=True)
    avg_pooled = jnp.mean(h, axis=0, keepdims=True)
    w = jax.nn.softmax(pool_weight, axis=0)
    graph_representation = w[0] * max_pooled + w[1] * avg_pooled
    return graph_representation

if __name__ == "__main__":
    import jax
    _d = setup_inputs()
    print(jax.jit(kernel)(*tuple(_d.values())))

</pallas_src>

<mosaic_0001>
#map = affine_map<(d0, d1) -> (0, 0)>
#map1 = affine_map<(d0, d1) -> (0, 0, 0)>
module attributes {stable_mosaic.version = 14 : i64} {
  func.func @k(%arg0: i32, %arg1: i32, %arg2: memref<10000x128xf32, #tpu.memory_space<hbm>>, %arg3: memref<16x160x128xi32, #tpu.memory_space<hbm>>, %arg4: memref<16x160x128xi32, #tpu.memory_space<hbm>>, %arg5: memref<632x128xf32, #tpu.memory_space<hbm>>, %arg6: memref<20224x128xf32, #tpu.memory_space<hbm>>, %arg7: memref<120x128xi32, #tpu.memory_space<vmem>>, %arg8: memref<128xi32, #tpu.memory_space<vmem>>, %arg9: memref<128xi32, #tpu.memory_space<vmem>>, %arg10: memref<128x128xf32, #tpu.memory_space<vmem>>, %arg11: memref<128x128xf32, #tpu.memory_space<vmem>>, %arg12: memref<!tpu.dma_semaphore, #tpu.memory_space<semaphore_mem>>, %arg13: memref<!tpu.dma_semaphore, #tpu.memory_space<semaphore_mem>>, %arg14: memref<!tpu.dma_semaphore, #tpu.memory_space<semaphore_mem>>, %arg15: memref<!tpu.dma_semaphore, #tpu.memory_space<semaphore_mem>>, %arg16: memref<10112x128xf32, #tpu.memory_space<vmem_shared>>) attributes {dimension_semantics = [#tpu.dimension_semantics<core_parallel>, #tpu.dimension_semantics<subcore_parallel>], iteration_bounds = array<i64: 2, 16>, scalar_prefetch = 0 : i64, scratch_operands = 10 : i64, tpu.core_type = #tpu.core_type<sc_vector_subcore>, window_params = [{transform_indices = #map}, {transform_indices = #map1}, {transform_indices = #map1}, {transform_indices = #map}, {transform_indices = #map}]} {
    %eq3A = arith.constant 0 : i32
    %eq3A_0 = arith.cmpi eq, %arg0, %eq3A : i32
    %jit3A = arith.constant 120 : i32
    %jit3A_1 = arith.constant 40 : i32
    %select_n3A = arith.select %eq3A_0, %jit3A, %jit3A_1 : i32
    %mul3A = arith.constant 120 : i32
    %mul3A_2 = arith.muli %arg0, %mul3A : i32
    %mul3A_3 = arith.constant 80 : i32
    %mul3A_4 = arith.muli %arg0, %mul3A_3 : i32
    %mul3A_5 = arith.constant 632 : i32
    %mul3A_6 = arith.muli %arg1, %mul3A_5 : i32
    "tpu.region"() ({
      %run_scoped3A = tpu.sem_alloc : memref<!tpu.dma_semaphore, #tpu.memory_space<semaphore_mem>>
      %dma_start3A_91 = arith.constant 0 : i32
      %dma_start3A_92 = tpu.memref_slice %arg16[%mul3A_6, %dma_start3A_91] : memref<10112x128xf32, #tpu.memory_space<vmem_shared>> -> memref<632x128xf32, #tpu.memory_space<vmem_shared>>
      tpu.enqueue_dma source(%arg5 : memref<632x128xf32, #tpu.memory_space<hbm>>) target(%dma_start3A_92 : memref<632x128xf32, #tpu.memory_space<vmem_shared>>) target_semaphore(%run_scoped3A : memref<!tpu.dma_semaphore, #tpu.memory_space<semaphore_mem>>)
      %dma_wait3A_93 = arith.constant 0 : i32
      %dma_wait3A_94 = tpu.memref_slice %arg16[%mul3A_6, %dma_wait3A_93] : memref<10112x128xf32, #tpu.memory_space<vmem_shared>> -> memref<632x128xf32, #tpu.memory_space<vmem_shared>>
      tpu.wait_dma2 semaphore(%run_scoped3A : memref<!tpu.dma_semaphore, #tpu.memory_space<semaphore_mem>>) src(%arg5 : memref<632x128xf32, #tpu.memory_space<hbm>>) dst(%dma_wait3A_94 : memref<632x128xf32, #tpu.memory_space<vmem_shared>>)
      tpu.yield
    }) : () -> ()
    %mul3A_7 = arith.constant 40 : i32
    %mul3A_8 = arith.muli %arg0, %mul3A_7 : i32
    "tpu.region"() ({
      %run_scoped3A = tpu.sem_alloc : memref<!tpu.dma_semaphore, #tpu.memory_space<semaphore_mem>>
      %dma_start3A_91 = arith.constant 0 : i32
      %dma_start3A_92 = tpu.memref_slice %arg4[%arg1, %mul3A_8, %dma_start3A_91] : memref<16x160x128xi32, #tpu.memory_space<hbm>> -> memref<1x120x128xi32, #tpu.memory_space<hbm>>
      %dma_start3A_93 = tpu.memref_squeeze %dma_start3A_92 : memref<1x120x128xi32, #tpu.memory_space<hbm>> -> memref<120x128xi32, #tpu.memory_space<hbm>>
      %dma_start3A_94 = arith.constant 0 : i32
      %dma_start3A_95 = tpu.memref_slice %arg4[%arg1, %mul3A_8, %dma_start3A_94] : memref<16x160x128xi32, #tpu.memory_space<hbm>> -> memref<1x120x128xi32, #tpu.memory_space<hbm>>
      %dma_start3A_96 = tpu.memref_squeeze %dma_start3A_95 : memref<1x120x128xi32, #tpu.memory_space<hbm>> -> memref<120x128xi32, #tpu.memory_space<hbm>>
      tpu.enqueue_dma source(%dma_start3A_96 : memref<120x128xi32, #tpu.memory_space<hbm>>) target(%arg7 : memref<120x128xi32, #tpu.memory_space<vmem>>) target_semaphore(%run_scoped3A : memref<!tpu.dma_semaphore, #tpu.memory_space<semaphore_mem>>)
      %dma_wait3A_97 = arith.constant 0 : i32
      %dma_wait3A_98 = tpu.memref_slice %arg4[%arg1, %mul3A_8, %dma_wait3A_97] : memref<16x160x128xi32, #tpu.memory_space<hbm>> -> memref<1x120x128xi32, #tpu.memory_space<hbm>>
      %dma_wait3A_99 = tpu.memref_squeeze %dma_wait3A_98 : memref<1x120x128xi32, #tpu.memory_space<hbm>> -> memref<120x128xi32, #tpu.memory_space<hbm>>
      %dma_wait3A_100 = arith.constant 0 : i32
      %dma_wait3A_101 = tpu.memref_slice %arg4[%arg1, %mul3A_8, %dma_wait3A_100] : memref<16x160x128xi32, #tpu.memory_space<hbm>> -> memref<1x120x128xi32, #tpu.memory_space<hbm>>
      %dma_wait3A_102 = tpu.memref_squeeze %dma_wait3A_101 : memref<1x120x128xi32, #tpu.memory_space<hbm>> -> memref<120x128xi32, #tpu.memory_space<hbm>>
      tpu.wait_dma2 semaphore(%run_scoped3A : memref<!tpu.dma_semaphore, #tpu.memory_space<semaphore_mem>>) src(%dma_wait3A_102 : memref<120x128xi32, #tpu.memory_space<hbm>>) dst(%arg7 : memref<120x128xi32, #tpu.memory_space<vmem>>)
      tpu.yield
    }) : () -> ()
    %barrier3A = arith.constant 0 : index
    tpu.barrier barrier_id(%barrier3A)
    %add3A = arith.constant 0 : i32
    %add3A_9 = arith.addi %mul3A_2, %add3A : i32
    %dma_start3A = arith.constant 0 : i32
    %dma_start3A_10 = tpu.memref_slice %arg3[%arg1, %add3A_9, %dma_start3A] : memref<16x160x128xi32, #tpu.memory_space<hbm>> -> memref<1x1x128xi32, #tpu.memory_space<hbm>>
    %dma_start3A_11 = tpu.memref_squeeze %dma_start3A_10 : memref<1x1x128xi32, #tpu.memory_space<hbm>> -> memref<128xi32, #tpu.memory_space<hbm>>
    %dma_start3A_12 = arith.constant 0 : i32
    %dma_start3A_13 = tpu.memref_slice %arg3[%arg1, %add3A_9, %dma_start3A_12] : memref<16x160x128xi32, #tpu.memory_space<hbm>> -> memref<1x1x128xi32, #tpu.memory_space<hbm>>
    %dma_start3A_14 = tpu.memref_squeeze %dma_start3A_13 : memref<1x1x128xi32, #tpu.memory_space<hbm>> -> memref<128xi32, #tpu.memory_space<hbm>>
    tpu.enqueue_dma source(%dma_start3A_14 : memref<128xi32, #tpu.memory_space<hbm>>) target(%arg8 : memref<128xi32, #tpu.memory_space<vmem>>) target_semaphore(%arg12 : memref<!tpu.dma_semaphore, #tpu.memory_space<semaphore_mem>>)
    %add3A_15 = arith.constant 1 : i32
    %add3A_16 = arith.addi %mul3A_2, %add3A_15 : i32
    %dma_start3A_17 = arith.constant 0 : i32
    %dma_start3A_18 = tpu.memref_slice %arg3[%arg1, %add3A_16, %dma_start3A_17] : memref<16x160x128xi32, #tpu.memory_space<hbm>> -> memref<1x1x128xi32, #tpu.memory_space<hbm>>
    %dma_start3A_19 = tpu.memref_squeeze %dma_start3A_18 : memref<1x1x128xi32, #tpu.memory_space<hbm>> -> memref<128xi32, #tpu.memory_space<hbm>>
    %dma_start3A_20 = arith.constant 0 : i32
    %dma_start3A_21 = tpu.memref_slice %arg3[%arg1, %add3A_16, %dma_start3A_20] : memref<16x160x128xi32, #tpu.memory_space<hbm>> -> memref<1x1x128xi32, #tpu.memory_space<hbm>>
    %dma_start3A_22 = tpu.memref_squeeze %dma_start3A_21 : memref<1x1x128xi32, #tpu.memory_space<hbm>> -> memref<128xi32, #tpu.memory_space<hbm>>
    tpu.enqueue_dma source(%dma_start3A_22 : memref<128xi32, #tpu.memory_space<hbm>>) target(%arg9 : memref<128xi32, #tpu.memory_space<vmem>>) target_semaphore(%arg13 : memref<!tpu.dma_semaphore, #tpu.memory_space<semaphore_mem>>)
    %dma_wait3A = arith.constant 0 : i32
    %dma_wait3A_23 = arith.constant 0 : i32
    %dma_wait3A_24 = tpu.memref_slice %arg3[%arg1, %dma_wait3A, %dma_wait3A_23] : memref<16x160x128xi32, #tpu.memory_space<hbm>> -> memref<1x1x128xi32, #tpu.memory_space<hbm>>
    %dma_wait3A_25 = tpu.memref_squeeze %dma_wait3A_24 : memref<1x1x128xi32, #tpu.memory_space<hbm>> -> memref<128xi32, #tpu.memory_space<hbm>>
    %dma_wait3A_26 = arith.constant 0 : i32
    %dma_wait3A_27 = tpu.memref_slice %arg3[%arg1, %dma_wait3A, %dma_wait3A_26] : memref<16x160x128xi32, #tpu.memory_space<hbm>> -> memref<1x1x128xi32, #tpu.memory_space<hbm>>
    %dma_wait3A_28 = tpu.memref_squeeze %dma_wait3A_27 : memref<1x1x128xi32, #tpu.memory_space<hbm>> -> memref<128xi32, #tpu.memory_space<hbm>>
    tpu.wait_dma2 semaphore(%arg12 : memref<!tpu.dma_semaphore, #tpu.memory_space<semaphore_mem>>) src(%dma_wait3A_28 : memref<128xi32, #tpu.memory_space<hbm>>) dst(%arg8 : memref<128xi32, #tpu.memory_space<vmem>>)
    %dma_start3A_29 = arith.constant 0 : i32
    %dma_start3A_30 = arith.constant 0 : i32
    %dma_start3A_31 = tpu.memref_slice %arg2[%dma_start3A_29, %dma_start3A_30] : memref<10000x128xf32, #tpu.memory_space<hbm>> -> memref<10000x128xf32, #tpu.memory_space<hbm>>
    tpu.enqueue_indirect_dma source(%dma_start3A_31 : memref<10000x128xf32, #tpu.memory_space<hbm>>) target(%arg10 : memref<128x128xf32, #tpu.memory_space<vmem>>) offsets(%arg8 : memref<128xi32, #tpu.memory_space<vmem>>) semaphore(%arg14 : memref<!tpu.dma_semaphore, #tpu.memory_space<semaphore_mem>>)
    %jit3A_32 = arith.constant 2 : i32
    %div3A = arith.divsi %select_n3A, %jit3A_32 : i32
    %sign3A = arith.constant 0 : i32
    %sign3A_33 = arith.cmpi sgt, %select_n3A, %sign3A : i32
    %sign3A_34 = arith.extui %sign3A_33 : i1 to i32
    %sign3A_35 = arith.constant 0 : i32
    %sign3A_36 = arith.cmpi slt, %select_n3A, %sign3A_35 : i32
    %sign3A_37 = arith.extui %sign3A_36 : i1 to i32
    %sign3A_38 = arith.subi %sign3A_34, %sign3A_37 : i32
    %sign3A_39 = arith.constant 0 : i32
    %sign3A_40 = arith.cmpi sgt, %jit3A_32, %sign3A_39 : i32
    %sign3A_41 = arith.extui %sign3A_40 : i1 to i32
    %sign3A_42 = arith.constant 0 : i32
    %sign3A_43 = arith.cmpi slt, %jit3A_32, %sign3A_42 : i32
    %sign3A_44 = arith.extui %sign3A_43 : i1 to i32
    %sign3A_45 = arith.subi %sign3A_41, %sign3A_44 : i32
    %ne3A = arith.cmpi ne, %sign3A_38, %sign3A_45 : i32
    %rem3A = arith.remsi %select_n3A, %jit3A_32 : i32
    %ne3A_46 = arith.constant 0 : i32
    %ne3A_47 = arith.cmpi ne, %rem3A, %ne3A_46 : i32
    %and3A = arith.andi %ne3A, %ne3A_47 : i1
    %sub3A = arith.constant 1 : i32
    %sub3A_48 = arith.subi %div3A, %sub3A : i32
    %select_n3A_49 = arith.select %and3A, %sub3A_48, %div3A : i32
    %sub3A_50 = arith.constant 1 : i32
    %sub3A_51 = arith.subi %select_n3A_49, %sub3A_50 : i32
    %while3A = arith.constant 0 : i32
    %while3A_52 = arith.constant 0 : i32
    %while3A_53 = arith.subi %sub3A_51, %while3A_52 : i32
    %while3A_54 = arith.addi %while3A_52, %while3A_53 : i32
    %while3A_55 = arith.constant 1 : i32
    %while3A_56 = arith.divsi %while3A_53, %while3A_55 : i32
    %while3A_57 = arith.muli %while3A_56, %while3A_55 : i32
    %while3A_58 = arith.addi %while3A_52, %while3A_57 : i32
    %while3A_59 = arith.constant 1 : i32
    scf.for %while3A_91 = %while3A_52 to %while3A_58 step %while3A_59  : i32 {
      %mul3A_92 = arith.constant 2 : i32
      %mul3A_93 = arith.muli %mul3A_92, %while3A_91 : i32
      %dma_wait3A_94 = arith.constant 0 : i32
      %dma_wait3A_95 = arith.constant 0 : i32
      %dma_wait3A_96 = tpu.memref_slice %arg3[%arg1, %dma_wait3A_94, %dma_wait3A_95] : memref<16x160x128xi32, #tpu.memory_space<hbm>> -> memref<1x1x128xi32, #tpu.memory_space<hbm>>
      %dma_wait3A_97 = tpu.memref_squeeze %dma_wait3A_96 : memref<1x1x128xi32, #tpu.memory_space<hbm>> -> memref<128xi32, #tpu.memory_space<hbm>>
      %dma_wait3A_98 = arith.constant 0 : i32
      %dma_wait3A_99 = tpu.memref_slice %arg3[%arg1, %dma_wait3A_94, %dma_wait3A_98] : memref<16x160x128xi32, #tpu.memory_space<hbm>> -> memref<1x1x128xi32, #tpu.memory_space<hbm>>
      %dma_wait3A_100 = tpu.memref_squeeze %dma_wait3A_99 : memref<1x1x128xi32, #tpu.memory_space<hbm>> -> memref<128xi32, #tpu.memory_space<hbm>>
      tpu.wait_dma2 semaphore(%arg13 : memref<!tpu.dma_semaphore, #tpu.memory_space<semaphore_mem>>) src(%dma_wait3A_100 : memref<128xi32, #tpu.memory_space<hbm>>) dst(%arg9 : memref<128xi32, #tpu.memory_space<vmem>>)
      %dma_wait3A_101 = arith.constant 0 : i32
      %dma_wait3A_102 = arith.constant 0 : i32
      %dma_wait3A_103 = tpu.memref_slice %arg2[%dma_wait3A_101, %dma_wait3A_102] : memref<10000x128xf32, #tpu.memory_space<hbm>> -> memref<10000x128xf32, #tpu.memory_space<hbm>>
      tpu.wait_indirect_dma semaphore(%arg14 : memref<!tpu.dma_semaphore, #tpu.memory_space<semaphore_mem>>) src(%dma_wait3A_103 : memref<10000x128xf32, #tpu.memory_space<hbm>>) dst(%arg10 : memref<128x128xf32, #tpu.memory_space<vmem>>)
      %dma_start3A_104 = arith.constant 0 : i32
      %dma_start3A_105 = arith.constant 0 : i32
      %dma_start3A_106 = tpu.memref_slice %arg2[%dma_start3A_104, %dma_start3A_105] : memref<10000x128xf32, #tpu.memory_space<hbm>> -> memref<10000x128xf32, #tpu.memory_space<hbm>>
      tpu.enqueue_indirect_dma source(%dma_start3A_106 : memref<10000x128xf32, #tpu.memory_space<hbm>>) target(%arg11 : memref<128x128xf32, #tpu.memory_space<vmem>>) offsets(%arg9 : memref<128xi32, #tpu.memory_space<vmem>>) semaphore(%arg15 : memref<!tpu.dma_semaphore, #tpu.memory_space<semaphore_mem>>)
      %add3A_107 = arith.constant 2 : i32
      %add3A_108 = arith.addi %mul3A_93, %add3A_107 : i32
      %add3A_109 = arith.addi %mul3A_2, %add3A_108 : i32
      %dma_start3A_110 = arith.constant 0 : i32
      %dma_start3A_111 = tpu.memref_slice %arg3[%arg1, %add3A_109, %dma_start3A_110] : memref<16x160x128xi32, #tpu.memory_space<hbm>> -> memref<1x1x128xi32, #tpu.memory_space<hbm>>
      %dma_start3A_112 = tpu.memref_squeeze %dma_start3A_111 : memref<1x1x128xi32, #tpu.memory_space<hbm>> -> memref<128xi32, #tpu.memory_space<hbm>>
      %dma_start3A_113 = arith.constant 0 : i32
      %dma_start3A_114 = tpu.memref_slice %arg3[%arg1, %add3A_109, %dma_start3A_113] : memref<16x160x128xi32, #tpu.memory_space<hbm>> -> memref<1x1x128xi32, #tpu.memory_space<hbm>>
      %dma_start3A_115 = tpu.memref_squeeze %dma_start3A_114 : memref<1x1x128xi32, #tpu.memory_space<hbm>> -> memref<128xi32, #tpu.memory_space<hbm>>
      tpu.enqueue_dma source(%dma_start3A_115 : memref<128xi32, #tpu.memory_space<hbm>>) target(%arg8 : memref<128xi32, #tpu.memory_space<vmem>>) target_semaphore(%arg12 : memref<!tpu.dma_semaphore, #tpu.memory_space<semaphore_mem>>)
      %add3A_116 = arith.addi %mul3A_4, %mul3A_93 : i32
      "tpu.region"() ({
        %run_scoped3A = tpu.sem_alloc : memref<!tpu.dma_semaphore, #tpu.memory_space<semaphore_mem>>
        %dma_start3A_142 = arith.constant 0 : i32
        %dma_start3A_143 = tpu.memref_slice %arg7[%add3A_116, %dma_start3A_142] : memref<120x128xi32, #tpu.memory_space<vmem>> -> memref<1x128xi32, #tpu.memory_space<vmem>>
        %dma_start3A_144 = tpu.memref_squeeze %dma_start3A_143 : memref<1x128xi32, #tpu.memory_space<vmem>> -> memref<128xi32, #tpu.memory_space<vmem>>
        %dma_start3A_145 = arith.constant 0 : i32
        %dma_start3A_146 = arith.constant 0 : i32
        %dma_start3A_147 = tpu.memref_slice %arg16[%dma_start3A_145, %dma_start3A_146] : memref<10112x128xf32, #tpu.memory_space<vmem_shared>> -> memref<10112x128xf32, #tpu.memory_space<vmem_shared>>
        tpu.enqueue_indirect_dma source(%arg10 : memref<128x128xf32, #tpu.memory_space<vmem>>) target(%dma_start3A_147 : memref<10112x128xf32, #tpu.memory_space<vmem_shared>>) offsets(%dma_start3A_144 : memref<128xi32, #tpu.memory_space<vmem>>) semaphore(%run_scoped3A : memref<!tpu.dma_semaphore, #tpu.memory_space<semaphore_mem>>) {add = true}
        %dma_wait3A_148 = arith.constant 0 : i32
        %dma_wait3A_149 = tpu.memref_slice %arg7[%add3A_116, %dma_wait3A_148] : memref<120x128xi32, #tpu.memory_space<vmem>> -> memref<1x128xi32, #tpu.memory_space<vmem>>
        %dma_wait3A_150 = tpu.memref_squeeze %dma_wait3A_149 : memref<1x128xi32, #tpu.memory_space<vmem>> -> memref<128xi32, #tpu.memory_space<vmem>>
        %dma_wait3A_151 = arith.constant 0 : i32
        %dma_wait3A_152 = arith.constant 0 : i32
        %dma_wait3A_153 = tpu.memref_slice %arg16[%dma_wait3A_151, %dma_wait3A_152] : memref<10112x128xf32, #tpu.memory_space<vmem_shared>> -> memref<10112x128xf32, #tpu.memory_space<vmem_shared>>
        tpu.wait_indirect_dma semaphore(%run_scoped3A : memref<!tpu.dma_semaphore, #tpu.memory_space<semaphore_mem>>) src(%arg10 : memref<128x128xf32, #tpu.memory_space<vmem>>) dst(%dma_wait3A_153 : memref<10112x128xf32, #tpu.memory_space<vmem_shared>>)
        tpu.yield
      }) : () -> ()
      %dma_wait3A_117 = arith.constant 0 : i32
      %dma_wait3A_118 = arith.constant 0 : i32
      %dma_wait3A_119 = tpu.memref_slice %arg3[%arg1, %dma_wait3A_117, %dma_wait3A_118] : memref<16x160x128xi32, #tpu.memory_space<hbm>> -> memref<1x1x128xi32, #tpu.memory_space<hbm>>
      %dma_wait3A_120 = tpu.memref_squeeze %dma_wait3A_119 : memref<1x1x128xi32, #tpu.memory_space<hbm>> -> memref<128xi32, #tpu.memory_space<hbm>>
      %dma_wait3A_121 = arith.constant 0 : i32
      %dma_wait3A_122 = tpu.memref_slice %arg3[%arg1, %dma_wait3A_117, %dma_wait3A_121] : memref<16x160x128xi32, #tpu.memory_space<hbm>> -> memref<1x1x128xi32, #tpu.memory_space<hbm>>
      %dma_wait3A_123 = tpu.memref_squeeze %dma_wait3A_122 : memref<1x1x128xi32, #tpu.memory_space<hbm>> -> memref<128xi32, #tpu.memory_space<hbm>>
      tpu.wait_dma2 semaphore(%arg12 : memref<!tpu.dma_semaphore, #tpu.memory_space<semaphore_mem>>) src(%dma_wait3A_123 : memref<128xi32, #tpu.memory_space<hbm>>) dst(%arg8 : memref<128xi32, #tpu.memory_space<vmem>>)
      %dma_wait3A_124 = arith.constant 0 : i32
      %dma_wait3A_125 = arith.constant 0 : i32
      %dma_wait3A_126 = tpu.memref_slice %arg2[%dma_wait3A_124, %dma_wait3A_125] : memref<10000x128xf32, #tpu.memory_space<hbm>> -> memref<10000x128xf32, #tpu.memory_space<hbm>>
      tpu.wait_indirect_dma semaphore(%arg15 : memref<!tpu.dma_semaphore, #tpu.memory_space<semaphore_mem>>) src(%dma_wait3A_126 : memref<10000x128xf32, #tpu.memory_space<hbm>>) dst(%arg11 : memref<128x128xf32, #tpu.memory_space<vmem>>)
      %dma_start3A_127 = arith.constant 0 : i32
      %dma_start3A_128 = arith.constant 0 : i32
      %dma_start3A_129 = tpu.memref_slice %arg2[%dma_start3A_127, %dma_start3A_128] : memref<10000x128xf32, #tpu.memory_space<hbm>> -> memref<10000x128xf32, #tpu.memory_space<hbm>>
      tpu.enqueue_indirect_dma source(%dma_start3A_129 : memref<10000x128xf32, #tpu.memory_space<hbm>>) target(%arg10 : memref<128x128xf32, #tpu.memory_space<vmem>>) offsets(%arg8 : memref<128xi32, #tpu.memory_space<vmem>>) semaphore(%arg14 : memref<!tpu.dma_semaphore, #tpu.memory_space<semaphore_mem>>)
      %add3A_130 = arith.constant 3 : i32
      %add3A_131 = arith.addi %mul3A_93, %add3A_130 : i32
      %add3A_132 = arith.addi %mul3A_2, %add3A_131 : i32
      %dma_start3A_133 = arith.constant 0 : i32
      %dma_start3A_134 = tpu.memref_slice %arg3[%arg1, %add3A_132, %dma_start3A_133] : memref<16x160x128xi32, #tpu.memory_space<hbm>> -> memref<1x1x128xi32, #tpu.memory_space<hbm>>
      %dma_start3A_135 = tpu.memref_squeeze %dma_start3A_134 : memref<1x1x128xi32, #tpu.memory_space<hbm>> -> memref<128xi32, #tpu.memory_space<hbm>>
      %dma_start3A_136 = arith.constant 0 : i32
      %dma_start3A_137 = tpu.memref_slice %arg3[%arg1, %add3A_132, %dma_start3A_136] : memref<16x160x128xi32, #tpu.memory_space<hbm>> -> memref<1x1x128xi32, #tpu.memory_space<hbm>>
      %dma_start3A_138 = tpu.memref_squeeze %dma_start3A_137 : memref<1x1x128xi32, #tpu.memory_space<hbm>> -> memref<128xi32, #tpu.memory_space<hbm>>
      tpu.enqueue_dma source(%dma_start3A_138 : memref<128xi32, #tpu.memory_space<hbm>>) target(%arg9 : memref<128xi32, #tpu.memory_space<vmem>>) target_semaphore(%arg13 : memref<!tpu.dma_semaphore, #tpu.memory_space<semaphore_mem>>)
      %add3A_139 = arith.constant 1 : i32
      %add3A_140 = arith.addi %mul3A_93, %add3A_139 : i32
      %add3A_141 = arith.addi %mul3A_4, %add3A_140 : i32
      "tpu.region"() ({
        %run_scoped3A = tpu.sem_alloc : memref<!tpu.dma_semaphore, #tpu.memory_space<semaphore_mem>>
        %dma_start3A_142 = arith.constant 0 : i32
        %dma_start3A_143 = tpu.memref_slice %arg7[%add3A_141, %dma_start3A_142] : memref<120x128xi32, #tpu.memory_space<vmem>> -> memref<1x128xi32, #tpu.memory_space<vmem>>
        %dma_start3A_144 = tpu.memref_squeeze %dma_start3A_143 : memref<1x128xi32, #tpu.memory_space<vmem>> -> memref<128xi32, #tpu.memory_space<vmem>>
        %dma_start3A_145 = arith.constant 0 : i32
        %dma_start3A_146 = arith.constant 0 : i32
        %dma_start3A_147 = tpu.memref_slice %arg16[%dma_start3A_145, %dma_start3A_146] : memref<10112x128xf32, #tpu.memory_space<vmem_shared>> -> memref<10112x128xf32, #tpu.memory_space<vmem_shared>>
        tpu.enqueue_indirect_dma source(%arg11 : memref<128x128xf32, #tpu.memory_space<vmem>>) target(%dma_start3A_147 : memref<10112x128xf32, #tpu.memory_space<vmem_shared>>) offsets(%dma_start3A_144 : memref<128xi32, #tpu.memory_space<vmem>>) semaphore(%run_scoped3A : memref<!tpu.dma_semaphore, #tpu.memory_space<semaphore_mem>>) {add = true}
        %dma_wait3A_148 = arith.constant 0 : i32
        %dma_wait3A_149 = tpu.memref_slice %arg7[%add3A_141, %dma_wait3A_148] : memref<120x128xi32, #tpu.memory_space<vmem>> -> memref<1x128xi32, #tpu.memory_space<vmem>>
        %dma_wait3A_150 = tpu.memref_squeeze %dma_wait3A_149 : memref<1x128xi32, #tpu.memory_space<vmem>> -> memref<128xi32, #tpu.memory_space<vmem>>
        %dma_wait3A_151 = arith.constant 0 : i32
        %dma_wait3A_152 = arith.constant 0 : i32
        %dma_wait3A_153 = tpu.memref_slice %arg16[%dma_wait3A_151, %dma_wait3A_152] : memref<10112x128xf32, #tpu.memory_space<vmem_shared>> -> memref<10112x128xf32, #tpu.memory_space<vmem_shared>>
        tpu.wait_indirect_dma semaphore(%run_scoped3A : memref<!tpu.dma_semaphore, #tpu.memory_space<semaphore_mem>>) src(%arg11 : memref<128x128xf32, #tpu.memory_space<vmem>>) dst(%dma_wait3A_153 : memref<10112x128xf32, #tpu.memory_space<vmem_shared>>)
        tpu.yield
      }) : () -> ()
    }
    %while3A_60 = arith.constant 1 : i32
    scf.for %while3A_91 = %while3A_58 to %while3A_54 step %while3A_60  : i32 {
      %mul3A_92 = arith.constant 2 : i32
      %mul3A_93 = arith.muli %mul3A_92, %while3A_91 : i32
      %dma_wait3A_94 = arith.constant 0 : i32
      %dma_wait3A_95 = arith.constant 0 : i32
      %dma_wait3A_96 = tpu.memref_slice %arg3[%arg1, %dma_wait3A_94, %dma_wait3A_95] : memref<16x160x128xi32, #tpu.memory_space<hbm>> -> memref<1x1x128xi32, #tpu.memory_space<hbm>>
      %dma_wait3A_97 = tpu.memref_squeeze %dma_wait3A_96 : memref<1x1x128xi32, #tpu.memory_space<hbm>> -> memref<128xi32, #tpu.memory_space<hbm>>
      %dma_wait3A_98 = arith.constant 0 : i32
      %dma_wait3A_99 = tpu.memref_slice %arg3[%arg1, %dma_wait3A_94, %dma_wait3A_98] : memref<16x160x128xi32, #tpu.memory_space<hbm>> -> memref<1x1x128xi32, #tpu.memory_space<hbm>>
      %dma_wait3A_100 = tpu.memref_squeeze %dma_wait3A_99 : memref<1x1x128xi32, #tpu.memory_space<hbm>> -> memref<128xi32, #tpu.memory_space<hbm>>
      tpu.wait_dma2 semaphore(%arg13 : memref<!tpu.dma_semaphore, #tpu.memory_space<semaphore_mem>>) src(%dma_wait3A_100 : memref<128xi32, #tpu.memory_space<hbm>>) dst(%arg9 : memref<128xi32, #tpu.memory_space<vmem>>)
      %dma_wait3A_101 = arith.constant 0 : i32
      %dma_wait3A_102 = arith.constant 0 : i32
      %dma_wait3A_103 = tpu.memref_slice %arg2[%dma_wait3A_101, %dma_wait3A_102] : memref<10000x128xf32, #tpu.memory_space<hbm>> -> memref<10000x128xf32, #tpu.memory_space<hbm>>
      tpu.wait_indirect_dma semaphore(%arg14 : memref<!tpu.dma_semaphore, #tpu.memory_space<semaphore_mem>>) src(%dma_wait3A_103 : memref<10000x128xf32, #tpu.memory_space<hbm>>) dst(%arg10 : memref<128x128xf32, #tpu.memory_space<vmem>>)
      %dma_start3A_104 = arith.constant 0 : i32
      %dma_start3A_105 = arith.constant 0 : i32
      %dma_start3A_106 = tpu.memref_slice %arg2[%dma_start3A_104, %dma_start3A_105] : memref<10000x128xf32, #tpu.memory_space<hbm>> -> memref<10000x128xf32, #tpu.memory_space<hbm>>
      tpu.enqueue_indirect_dma source(%dma_start3A_106 : memref<10000x128xf32, #tpu.memory_space<hbm>>) target(%arg11 : memref<128x128xf32, #tpu.memory_space<vmem>>) offsets(%arg9 : memref<128xi32, #tpu.memory_space<vmem>>) semaphore(%arg15 : memref<!tpu.dma_semaphore, #tpu.memory_space<semaphore_mem>>)
      %add3A_107 = arith.constant 2 : i32
      %add3A_108 = arith.addi %mul3A_93, %add3A_107 : i32
      %add3A_109 = arith.addi %mul3A_2, %add3A_108 : i32
      %dma_start3A_110 = arith.constant 0 : i32
      %dma_start3A_111 = tpu.memref_slice %arg3[%arg1, %add3A_109, %dma_start3A_110] : memref<16x160x128xi32, #tpu.memory_space<hbm>> -> memref<1x1x128xi32, #tpu.memory_space<hbm>>
      %dma_start3A_112 = tpu.memref_squeeze %dma_start3A_111 : memref<1x1x128xi32, #tpu.memory_space<hbm>> -> memref<128xi32, #tpu.memory_space<hbm>>
      %dma_start3A_113 = arith.constant 0 : i32
      %dma_start3A_114 = tpu.memref_slice %arg3[%arg1, %add3A_109, %dma_start3A_113] : memref<16x160x128xi32, #tpu.memory_space<hbm>> -> memref<1x1x128xi32, #tpu.memory_space<hbm>>
      %dma_start3A_115 = tpu.memref_squeeze %dma_start3A_114 : memref<1x1x128xi32, #tpu.memory_space<hbm>> -> memref<128xi32, #tpu.memory_space<hbm>>
      tpu.enqueue_dma source(%dma_start3A_115 : memref<128xi32, #tpu.memory_space<hbm>>) target(%arg8 : memref<128xi32, #tpu.memory_space<vmem>>) target_semaphore(%arg12 : memref<!tpu.dma_semaphore, #tpu.memory_space<semaphore_mem>>)
      %add3A_116 = arith.addi %mul3A_4, %mul3A_93 : i32
      "tpu.region"() ({
        %run_scoped3A = tpu.sem_alloc : memref<!tpu.dma_semaphore, #tpu.memory_space<semaphore_mem>>
        %dma_start3A_142 = arith.constant 0 : i32
        %dma_start3A_143 = tpu.memref_slice %arg7[%add3A_116, %dma_start3A_142] : memref<120x128xi32, #tpu.memory_space<vmem>> -> memref<1x128xi32, #tpu.memory_space<vmem>>
        %dma_start3A_144 = tpu.memref_squeeze %dma_start3A_143 : memref<1x128xi32, #tpu.memory_space<vmem>> -> memref<128xi32, #tpu.memory_space<vmem>>
        %dma_start3A_145 = arith.constant 0 : i32
        %dma_start3A_146 = arith.constant 0 : i32
        %dma_start3A_147 = tpu.memref_slice %arg16[%dma_start3A_145, %dma_start3A_146] : memref<10112x128xf32, #tpu.memory_space<vmem_shared>> -> memref<10112x128xf32, #tpu.memory_space<vmem_shared>>
        tpu.enqueue_indirect_dma source(%arg10 : memref<128x128xf32, #tpu.memory_space<vmem>>) target(%dma_start3A_147 : memref<10112x128xf32, #tpu.memory_space<vmem_shared>>) offsets(%dma_start3A_144 : memref<128xi32, #tpu.memory_space<vmem>>) semaphore(%run_scoped3A : memref<!tpu.dma_semaphore, #tpu.memory_space<semaphore_mem>>) {add = true}
        %dma_wait3A_148 = arith.constant 0 : i32
        %dma_wait3A_149 = tpu.memref_slice %arg7[%add3A_116, %dma_wait3A_148] : memref<120x128xi32, #tpu.memory_space<vmem>> -> memref<1x128xi32, #tpu.memory_space<vmem>>
        %dma_wait3A_150 = tpu.memref_squeeze %dma_wait3A_149 : memref<1x128xi32, #tpu.memory_space<vmem>> -> memref<128xi32, #tpu.memory_space<vmem>>
        %dma_wait3A_151 = arith.constant 0 : i32
        %dma_wait3A_152 = arith.constant 0 : i32
        %dma_wait3A_153 = tpu.memref_slice %arg16[%dma_wait3A_151, %dma_wait3A_152] : memref<10112x128xf32, #tpu.memory_space<vmem_shared>> -> memref<10112x128xf32, #tpu.memory_space<vmem_shared>>
        tpu.wait_indirect_dma semaphore(%run_scoped3A : memref<!tpu.dma_semaphore, #tpu.memory_space<semaphore_mem>>) src(%arg10 : memref<128x128xf32, #tpu.memory_space<vmem>>) dst(%dma_wait3A_153 : memref<10112x128xf32, #tpu.memory_space<vmem_shared>>)
        tpu.yield
      }) : () -> ()
      %dma_wait3A_117 = arith.constant 0 : i32
      %dma_wait3A_118 = arith.constant 0 : i32
      %dma_wait3A_119 = tpu.memref_slice %arg3[%arg1, %dma_wait3A_117, %dma_wait3A_118] : memref<16x160x128xi32, #tpu.memory_space<hbm>> -> memref<1x1x128xi32, #tpu.memory_space<hbm>>
      %dma_wait3A_120 = tpu.memref_squeeze %dma_wait3A_119 : memref<1x1x128xi32, #tpu.memory_space<hbm>> -> memref<128xi32, #tpu.memory_space<hbm>>
      %dma_wait3A_121 = arith.constant 0 : i32
      %dma_wait3A_122 = tpu.memref_slice %arg3[%arg1, %dma_wait3A_117, %dma_wait3A_121] : memref<16x160x128xi32, #tpu.memory_space<hbm>> -> memref<1x1x128xi32, #tpu.memory_space<hbm>>
      %dma_wait3A_123 = tpu.memref_squeeze %dma_wait3A_122 : memref<1x1x128xi32, #tpu.memory_space<hbm>> -> memref<128xi32, #tpu.memory_space<hbm>>
      tpu.wait_dma2 semaphore(%arg12 : memref<!tpu.dma_semaphore, #tpu.memory_space<semaphore_mem>>) src(%dma_wait3A_123 : memref<128xi32, #tpu.memory_space<hbm>>) dst(%arg8 : memref<128xi32, #tpu.memory_space<vmem>>)
      %dma_wait3A_124 = arith.constant 0 : i32
      %dma_wait3A_125 = arith.constant 0 : i32
      %dma_wait3A_126 = tpu.memref_slice %arg2[%dma_wait3A_124, %dma_wait3A_125] : memref<10000x128xf32, #tpu.memory_space<hbm>> -> memref<10000x128xf32, #tpu.memory_space<hbm>>
      tpu.wait_indirect_dma semaphore(%arg15 : memref<!tpu.dma_semaphore, #tpu.memory_space<semaphore_mem>>) src(%dma_wait3A_126 : memref<10000x128xf32, #tpu.memory_space<hbm>>) dst(%arg11 : memref<128x128xf32, #tpu.memory_space<vmem>>)
      %dma_start3A_127 = arith.constant 0 : i32
      %dma_start3A_128 = arith.constant 0 : i32
      %dma_start3A_129 = tpu.memref_slice %arg2[%dma_start3A_127, %dma_start3A_128] : memref<10000x128xf32, #tpu.memory_space<hbm>> -> memref<10000x128xf32, #tpu.memory_space<hbm>>
      tpu.enqueue_indirect_dma source(%dma_start3A_129 : memref<10000x128xf32, #tpu.memory_space<hbm>>) target(%arg10 : memref<128x128xf32, #tpu.memory_space<vmem>>) offsets(%arg8 : memref<128xi32, #tpu.memory_space<vmem>>) semaphore(%arg14 : memref<!tpu.dma_semaphore, #tpu.memory_space<semaphore_mem>>)
      %add3A_130 = arith.constant 3 : i32
      %add3A_131 = arith.addi %mul3A_93, %add3A_130 : i32
      %add3A_132 = arith.addi %mul3A_2, %add3A_131 : i32
      %dma_start3A_133 = arith.constant 0 : i32
      %dma_start3A_134 = tpu.memref_slice %arg3[%arg1, %add3A_132, %dma_start3A_133] : memref<16x160x128xi32, #tpu.memory_space<hbm>> -> memref<1x1x128xi32, #tpu.memory_space<hbm>>
      %dma_start3A_135 = tpu.memref_squeeze %dma_start3A_134 : memref<1x1x128xi32, #tpu.memory_space<hbm>> -> memref<128xi32, #tpu.memory_space<hbm>>
      %dma_start3A_136 = arith.constant 0 : i32
      %dma_start3A_137 = tpu.memref_slice %arg3[%arg1, %add3A_132, %dma_start3A_136] : memref<16x160x128xi32, #tpu.memory_space<hbm>> -> memref<1x1x128xi32, #tpu.memory_space<hbm>>
      %dma_start3A_138 = tpu.memref_squeeze %dma_start3A_137 : memref<1x1x128xi32, #tpu.memory_space<hbm>> -> memref<128xi32, #tpu.memory_space<hbm>>
      tpu.enqueue_dma source(%dma_start3A_138 : memref<128xi32, #tpu.memory_space<hbm>>) target(%arg9 : memref<128xi32, #tpu.memory_space<vmem>>) target_semaphore(%arg13 : memref<!tpu.dma_semaphore, #tpu.memory_space<semaphore_mem>>)
      %add3A_139 = arith.constant 1 : i32
      %add3A_140 = arith.addi %mul3A_93, %add3A_139 : i32
      %add3A_141 = arith.addi %mul3A_4, %add3A_140 : i32
      "tpu.region"() ({
        %run_scoped3A = tpu.sem_alloc : memref<!tpu.dma_semaphore, #tpu.memory_space<semaphore_mem>>
        %dma_start3A_142 = arith.constant 0 : i32
        %dma_start3A_143 = tpu.memref_slice %arg7[%add3A_141, %dma_start3A_142] : memref<120x128xi32, #tpu.memory_space<vmem>> -> memref<1x128xi32, #tpu.memory_space<vmem>>
        %dma_start3A_144 = tpu.memref_squeeze %dma_start3A_143 : memref<1x128xi32, #tpu.memory_space<vmem>> -> memref<128xi32, #tpu.memory_space<vmem>>
        %dma_start3A_145 = arith.constant 0 : i32
        %dma_start3A_146 = arith.constant 0 : i32
        %dma_start3A_147 = tpu.memref_slice %arg16[%dma_start3A_145, %dma_start3A_146] : memref<10112x128xf32, #tpu.memory_space<vmem_shared>> -> memref<10112x128xf32, #tpu.memory_space<vmem_shared>>
        tpu.enqueue_indirect_dma source(%arg11 : memref<128x128xf32, #tpu.memory_space<vmem>>) target(%dma_start3A_147 : memref<10112x128xf32, #tpu.memory_space<vmem_shared>>) offsets(%dma_start3A_144 : memref<128xi32, #tpu.memory_space<vmem>>) semaphore(%run_scoped3A : memref<!tpu.dma_semaphore, #tpu.memory_space<semaphore_mem>>) {add = true}
        %dma_wait3A_148 = arith.constant 0 : i32
        %dma_wait3A_149 = tpu.memref_slice %arg7[%add3A_141, %dma_wait3A_148] : memref<120x128xi32, #tpu.memory_space<vmem>> -> memref<1x128xi32, #tpu.memory_space<vmem>>
        %dma_wait3A_150 = tpu.memref_squeeze %dma_wait3A_149 : memref<1x128xi32, #tpu.memory_space<vmem>> -> memref<128xi32, #tpu.memory_space<vmem>>
        %dma_wait3A_151 = arith.constant 0 : i32
        %dma_wait3A_152 = arith.constant 0 : i32
        %dma_wait3A_153 = tpu.memref_slice %arg16[%dma_wait3A_151, %dma_wait3A_152] : memref<10112x128xf32, #tpu.memory_space<vmem_shared>> -> memref<10112x128xf32, #tpu.memory_space<vmem_shared>>
        tpu.wait_indirect_dma semaphore(%run_scoped3A : memref<!tpu.dma_semaphore, #tpu.memory_space<semaphore_mem>>) src(%arg11 : memref<128x128xf32, #tpu.memory_space<vmem>>) dst(%dma_wait3A_153 : memref<10112x128xf32, #tpu.memory_space<vmem_shared>>)
        tpu.yield
      }) : () -> ()
    }
    %sub3A_61 = arith.constant 2 : i32
    %sub3A_62 = arith.subi %select_n3A, %sub3A_61 : i32
    %dma_wait3A_63 = arith.constant 0 : i32
    %dma_wait3A_64 = arith.constant 0 : i32
    %dma_wait3A_65 = tpu.memref_slice %arg3[%arg1, %dma_wait3A_63, %dma_wait3A_64] : memref<16x160x128xi32, #tpu.memory_space<hbm>> -> memref<1x1x128xi32, #tpu.memory_space<hbm>>
    %dma_wait3A_66 = tpu.memref_squeeze %dma_wait3A_65 : memref<1x1x128xi32, #tpu.memory_space<hbm>> -> memref<128xi32, #tpu.memory_space<hbm>>
    %dma_wait3A_67 = arith.constant 0 : i32
    %dma_wait3A_68 = tpu.memref_slice %arg3[%arg1, %dma_wait3A_63, %dma_wait3A_67] : memref<16x160x128xi32, #tpu.memory_space<hbm>> -> memref<1x1x128xi32, #tpu.memory_space<hbm>>
    %dma_wait3A_69 = tpu.memref_squeeze %dma_wait3A_68 : memref<1x1x128xi32, #tpu.memory_space<hbm>> -> memref<128xi32, #tpu.memory_space<hbm>>
    tpu.wait_dma2 semaphore(%arg13 : memref<!tpu.dma_semaphore, #tpu.memory_space<semaphore_mem>>) src(%dma_wait3A_69 : memref<128xi32, #tpu.memory_space<hbm>>) dst(%arg9 : memref<128xi32, #tpu.memory_space<vmem>>)
    %dma_wait3A_70 = arith.constant 0 : i32
    %dma_wait3A_71 = arith.constant 0 : i32
    %dma_wait3A_72 = tpu.memref_slice %arg2[%dma_wait3A_70, %dma_wait3A_71] : memref<10000x128xf32, #tpu.memory_space<hbm>> -> memref<10000x128xf32, #tpu.memory_space<hbm>>
    tpu.wait_indirect_dma semaphore(%arg14 : memref<!tpu.dma_semaphore, #tpu.memory_space<semaphore_mem>>) src(%dma_wait3A_72 : memref<10000x128xf32, #tpu.memory_space<hbm>>) dst(%arg10 : memref<128x128xf32, #tpu.memory_space<vmem>>)
    %dma_start3A_73 = arith.constant 0 : i32
    %dma_start3A_74 = arith.constant 0 : i32
    %dma_start3A_75 = tpu.memref_slice %arg2[%dma_start3A_73, %dma_start3A_74] : memref<10000x128xf32, #tpu.memory_space<hbm>> -> memref<10000x128xf32, #tpu.memory_space<hbm>>
    tpu.enqueue_indirect_dma source(%dma_start3A_75 : memref<10000x128xf32, #tpu.memory_space<hbm>>) target(%arg11 : memref<128x128xf32, #tpu.memory_space<vmem>>) offsets(%arg9 : memref<128xi32, #tpu.memory_space<vmem>>) semaphore(%arg15 : memref<!tpu.dma_semaphore, #tpu.memory_space<semaphore_mem>>)
    %add3A_76 = arith.addi %mul3A_4, %sub3A_62 : i32
    "tpu.region"() ({
      %run_scoped3A = tpu.sem_alloc : memref<!tpu.dma_semaphore, #tpu.memory_space<semaphore_mem>>
      %dma_start3A_91 = arith.constant 0 : i32
      %dma_start3A_92 = tpu.memref_slice %arg7[%add3A_76, %dma_start3A_91] : memref<120x128xi32, #tpu.memory_space<vmem>> -> memref<1x128xi32, #tpu.memory_space<vmem>>
      %dma_start3A_93 = tpu.memref_squeeze %dma_start3A_92 : memref<1x128xi32, #tpu.memory_space<vmem>> -> memref<128xi32, #tpu.memory_space<vmem>>
      %dma_start3A_94 = arith.constant 0 : i32
      %dma_start3A_95 = arith.constant 0 : i32
      %dma_start3A_96 = tpu.memref_slice %arg16[%dma_start3A_94, %dma_start3A_95] : memref<10112x128xf32, #tpu.memory_space<vmem_shared>> -> memref<10112x128xf32, #tpu.memory_space<vmem_shared>>
      tpu.enqueue_indirect_dma source(%arg10 : memref<128x128xf32, #tpu.memory_space<vmem>>) target(%dma_start3A_96 : memref<10112x128xf32, #tpu.memory_space<vmem_shared>>) offsets(%dma_start3A_93 : memref<128xi32, #tpu.memory_space<vmem>>) semaphore(%run_scoped3A : memref<!tpu.dma_semaphore, #tpu.memory_space<semaphore_mem>>) {add = true}
      %dma_wait3A_97 = arith.constant 0 : i32
      %dma_wait3A_98 = tpu.memref_slice %arg7[%add3A_76, %dma_wait3A_97] : memref<120x128xi32, #tpu.memory_space<vmem>> -> memref<1x128xi32, #tpu.memory_space<vmem>>
      %dma_wait3A_99 = tpu.memref_squeeze %dma_wait3A_98 : memref<1x128xi32, #tpu.memory_space<vmem>> -> memref<128xi32, #tpu.memory_space<vmem>>
      %dma_wait3A_100 = arith.constant 0 : i32
      %dma_wait3A_101 = arith.constant 0 : i32
      %dma_wait3A_102 = tpu.memref_slice %arg16[%dma_wait3A_100, %dma_wait3A_101] : memref<10112x128xf32, #tpu.memory_space<vmem_shared>> -> memref<10112x128xf32, #tpu.memory_space<vmem_shared>>
      tpu.wait_indirect_dma semaphore(%run_scoped3A : memref<!tpu.dma_semaphore, #tpu.memory_space<semaphore_mem>>) src(%arg10 : memref<128x128xf32, #tpu.memory_space<vmem>>) dst(%dma_wait3A_102 : memref<10112x128xf32, #tpu.memory_space<vmem_shared>>)
      tpu.yield
    }) : () -> ()
    %dma_wait3A_77 = arith.constant 0 : i32
    %dma_wait3A_78 = arith.constant 0 : i32
    %dma_wait3A_79 = tpu.memref_slice %arg2[%dma_wait3A_77, %dma_wait3A_78] : memref<10000x128xf32, #tpu.memory_space<hbm>> -> memref<10000x128xf32, #tpu.memory_space<hbm>>
    tpu.wait_indirect_dma semaphore(%arg15 : memref<!tpu.dma_semaphore, #tpu.memory_space<semaphore_mem>>) src(%dma_wait3A_79 : memref<10000x128xf32, #tpu.memory_space<hbm>>) dst(%arg11 : memref<128x128xf32, #tpu.memory_space<vmem>>)
    %add3A_80 = arith.constant 1 : i32
    %add3A_81 = arith.addi %sub3A_62, %add3A_80 : i32
    %add3A_82 = arith.addi %mul3A_4, %add3A_81 : i32
    "tpu.region"() ({
      %run_scoped3A = tpu.sem_alloc : memref<!tpu.dma_semaphore, #tpu.memory_space<semaphore_mem>>
      %dma_start3A_91 = arith.constant 0 : i32
      %dma_start3A_92 = tpu.memref_slice %arg7[%add3A_82, %dma_start3A_91] : memref<120x128xi32, #tpu.memory_space<vmem>> -> memref<1x128xi32, #tpu.memory_space<vmem>>
      %dma_start3A_93 = tpu.memref_squeeze %dma_start3A_92 : memref<1x128xi32, #tpu.memory_space<vmem>> -> memref<128xi32, #tpu.memory_space<vmem>>
      %dma_start3A_94 = arith.constant 0 : i32
      %dma_start3A_95 = arith.constant 0 : i32
      %dma_start3A_96 = tpu.memref_slice %arg16[%dma_start3A_94, %dma_start3A_95] : memref<10112x128xf32, #tpu.memory_space<vmem_shared>> -> memref<10112x128xf32, #tpu.memory_space<vmem_shared>>
      tpu.enqueue_indirect_dma source(%arg11 : memref<128x128xf32, #tpu.memory_space<vmem>>) target(%dma_start3A_96 : memref<10112x128xf32, #tpu.memory_space<vmem_shared>>) offsets(%dma_start3A_93 : memref<128xi32, #tpu.memory_space<vmem>>) semaphore(%run_scoped3A : memref<!tpu.dma_semaphore, #tpu.memory_space<semaphore_mem>>) {add = true}
      %dma_wait3A_97 = arith.constant 0 : i32
      %dma_wait3A_98 = tpu.memref_slice %arg7[%add3A_82, %dma_wait3A_97] : memref<120x128xi32, #tpu.memory_space<vmem>> -> memref<1x128xi32, #tpu.memory_space<vmem>>
      %dma_wait3A_99 = tpu.memref_squeeze %dma_wait3A_98 : memref<1x128xi32, #tpu.memory_space<vmem>> -> memref<128xi32, #tpu.memory_space<vmem>>
      %dma_wait3A_100 = arith.constant 0 : i32
      %dma_wait3A_101 = arith.constant 0 : i32
      %dma_wait3A_102 = tpu.memref_slice %arg16[%dma_wait3A_100, %dma_wait3A_101] : memref<10112x128xf32, #tpu.memory_space<vmem_shared>> -> memref<10112x128xf32, #tpu.memory_space<vmem_shared>>
      tpu.wait_indirect_dma semaphore(%run_scoped3A : memref<!tpu.dma_semaphore, #tpu.memory_space<semaphore_mem>>) src(%arg11 : memref<128x128xf32, #tpu.memory_space<vmem>>) dst(%dma_wait3A_102 : memref<10112x128xf32, #tpu.memory_space<vmem_shared>>)
      tpu.yield
    }) : () -> ()
    %barrier3A_83 = arith.constant 0 : index
    tpu.barrier barrier_id(%barrier3A_83)
    %mul3A_84 = arith.constant 632 : i32
    %mul3A_85 = arith.muli %arg1, %mul3A_84 : i32
    %mul3A_86 = arith.constant 10112 : i32
    %mul3A_87 = arith.muli %arg0, %mul3A_86 : i32
    %mul3A_88 = arith.constant 632 : i32
    %mul3A_89 = arith.muli %arg1, %mul3A_88 : i32
    %add3A_90 = arith.addi %mul3A_87, %mul3A_89 : i32
    "tpu.region"() ({
      %run_scoped3A = tpu.sem_alloc : memref<!tpu.dma_semaphore, #tpu.memory_space<semaphore_mem>>
      %dma_start3A_91 = arith.constant 0 : i32
      %dma_start3A_92 = tpu.memref_slice %arg6[%add3A_90, %dma_start3A_91] : memref<20224x128xf32, #tpu.memory_space<hbm>> -> memref<632x128xf32, #tpu.memory_space<hbm>>
      %dma_start3A_93 = arith.constant 0 : i32
      %dma_start3A_94 = tpu.memref_slice %arg16[%mul3A_85, %dma_start3A_93] : memref<10112x128xf32, #tpu.memory_space<vmem_shared>> -> memref<632x128xf32, #tpu.memory_space<vmem_shared>>
      tpu.enqueue_dma source(%dma_start3A_94 : memref<632x128xf32, #tpu.memory_space<vmem_shared>>) target(%dma_start3A_92 : memref<632x128xf32, #tpu.memory_space<hbm>>) target_semaphore(%run_scoped3A : memref<!tpu.dma_semaphore, #tpu.memory_space<semaphore_mem>>)
      %dma_wait3A_95 = arith.constant 0 : i32
      %dma_wait3A_96 = tpu.memref_slice %arg6[%add3A_90, %dma_wait3A_95] : memref<20224x128xf32, #tpu.memory_space<hbm>> -> memref<632x128xf32, #tpu.memory_space<hbm>>
      %dma_wait3A_97 = arith.constant 0 : i32
      %dma_wait3A_98 = tpu.memref_slice %arg16[%mul3A_85, %dma_wait3A_97] : memref<10112x128xf32, #tpu.memory_space<vmem_shared>> -> memref<632x128xf32, #tpu.memory_space<vmem_shared>>
      tpu.wait_dma2 semaphore(%run_scoped3A : memref<!tpu.dma_semaphore, #tpu.memory_space<semaphore_mem>>) src(%dma_wait3A_98 : memref<632x128xf32, #tpu.memory_space<vmem_shared>>) dst(%dma_wait3A_96 : memref<632x128xf32, #tpu.memory_space<hbm>>)
      tpu.yield
    }) : () -> ()
    return
  }
}

#map = affine_map<(d0, d1) -> (0, 0, 0)>
#map1 = affine_map<(d0, d1) -> (0, 0)>
module attributes {stable_mosaic.version = 14 : i64} {
  func.func @k(%arg0: i32, %arg1: i32, %arg2: memref<32x160x128xi32, #tpu.memory_space<hbm>>, %arg3: memref<632x128xf32, #tpu.memory_space<hbm>>, %arg4: memref<128x128xf32, #tpu.memory_space<hbm>>, %arg5: memref<20224x128xf32, #tpu.memory_space<hbm>>, %arg6: memref<160x128xi32, #tpu.memory_space<vmem>>, %arg7: memref<128x128xf32, #tpu.memory_space<vmem>>, %arg8: memref<10112x128xf32, #tpu.memory_space<vmem_shared>>) attributes {dimension_semantics = [#tpu.dimension_semantics<core_parallel>, #tpu.dimension_semantics<subcore_parallel>], iteration_bounds = array<i64: 2, 16>, scalar_prefetch = 0 : i64, scratch_operands = 3 : i64, tpu.core_type = #tpu.core_type<sc_vector_subcore>, window_params = [{transform_indices = #map}, {transform_indices = #map1}, {transform_indices = #map1}, {transform_indices = #map1}]} {
    %mul3A = arith.constant 632 : i32
    %mul3A_0 = arith.muli %arg1, %mul3A : i32
    "tpu.region"() ({
      %run_scoped3A = tpu.sem_alloc : memref<!tpu.dma_semaphore, #tpu.memory_space<semaphore_mem>>
      %dma_start3A = arith.constant 0 : i32
      %dma_start3A_16 = tpu.memref_slice %arg8[%mul3A_0, %dma_start3A] : memref<10112x128xf32, #tpu.memory_space<vmem_shared>> -> memref<632x128xf32, #tpu.memory_space<vmem_shared>>
      tpu.enqueue_dma source(%arg3 : memref<632x128xf32, #tpu.memory_space<hbm>>) target(%dma_start3A_16 : memref<632x128xf32, #tpu.memory_space<vmem_shared>>) target_semaphore(%run_scoped3A : memref<!tpu.dma_semaphore, #tpu.memory_space<semaphore_mem>>)
      %dma_wait3A = arith.constant 0 : i32
      %dma_wait3A_17 = tpu.memref_slice %arg8[%mul3A_0, %dma_wait3A] : memref<10112x128xf32, #tpu.memory_space<vmem_shared>> -> memref<632x128xf32, #tpu.memory_space<vmem_shared>>
      tpu.wait_dma2 semaphore(%run_scoped3A : memref<!tpu.dma_semaphore, #tpu.memory_space<semaphore_mem>>) src(%arg3 : memref<632x128xf32, #tpu.memory_space<hbm>>) dst(%dma_wait3A_17 : memref<632x128xf32, #tpu.memory_space<vmem_shared>>)
      tpu.yield
    }) : () -> ()
    "tpu.region"() ({
      %run_scoped3A = tpu.sem_alloc : memref<!tpu.dma_semaphore, #tpu.memory_space<semaphore_mem>>
      tpu.enqueue_dma source(%arg4 : memref<128x128xf32, #tpu.memory_space<hbm>>) target(%arg7 : memref<128x128xf32, #tpu.memory_space<vmem>>) target_semaphore(%run_scoped3A : memref<!tpu.dma_semaphore, #tpu.memory_space<semaphore_mem>>)
      tpu.wait_dma2 semaphore(%run_scoped3A : memref<!tpu.dma_semaphore, #tpu.memory_space<semaphore_mem>>) src(%arg4 : memref<128x128xf32, #tpu.memory_space<hbm>>) dst(%arg7 : memref<128x128xf32, #tpu.memory_space<vmem>>)
      tpu.yield
    }) : () -> ()
    %mul3A_1 = arith.constant 16 : i32
    %mul3A_2 = arith.muli %arg0, %mul3A_1 : i32
    %add3A = arith.addi %mul3A_2, %arg1 : i32
    "tpu.region"() ({
      %run_scoped3A = tpu.sem_alloc : memref<!tpu.dma_semaphore, #tpu.memory_space<semaphore_mem>>
      %dma_start3A = arith.constant 0 : i32
      %dma_start3A_16 = arith.constant 0 : i32
      %dma_start3A_17 = tpu.memref_slice %arg2[%add3A, %dma_start3A, %dma_start3A_16] : memref<32x160x128xi32, #tpu.memory_space<hbm>> -> memref<1x160x128xi32, #tpu.memory_space<hbm>>
      %dma_start3A_18 = tpu.memref_squeeze %dma_start3A_17 : memref<1x160x128xi32, #tpu.memory_space<hbm>> -> memref<160x128xi32, #tpu.memory_space<hbm>>
      %dma_start3A_19 = arith.constant 0 : i32
      %dma_start3A_20 = arith.constant 0 : i32
      %dma_start3A_21 = tpu.memref_slice %arg2[%add3A, %dma_start3A_19, %dma_start3A_20] : memref<32x160x128xi32, #tpu.memory_space<hbm>> -> memref<1x160x128xi32, #tpu.memory_space<hbm>>
      %dma_start3A_22 = tpu.memref_squeeze %dma_start3A_21 : memref<1x160x128xi32, #tpu.memory_space<hbm>> -> memref<160x128xi32, #tpu.memory_space<hbm>>
      tpu.enqueue_dma source(%dma_start3A_22 : memref<160x128xi32, #tpu.memory_space<hbm>>) target(%arg6 : memref<160x128xi32, #tpu.memory_space<vmem>>) target_semaphore(%run_scoped3A : memref<!tpu.dma_semaphore, #tpu.memory_space<semaphore_mem>>)
      %dma_wait3A = arith.constant 0 : i32
      %dma_wait3A_23 = arith.constant 0 : i32
      %dma_wait3A_24 = tpu.memref_slice %arg2[%add3A, %dma_wait3A, %dma_wait3A_23] : memref<32x160x128xi32, #tpu.memory_space<hbm>> -> memref<1x160x128xi32, #tpu.memory_space<hbm>>
      %dma_wait3A_25 = tpu.memref_squeeze %dma_wait3A_24 : memref<1x160x128xi32, #tpu.memory_space<hbm>> -> memref<160x128xi32, #tpu.memory_space<hbm>>
      %dma_wait3A_26 = arith.constant 0 : i32
      %dma_wait3A_27 = arith.constant 0 : i32
      %dma_wait3A_28 = tpu.memref_slice %arg2[%add3A, %dma_wait3A_26, %dma_wait3A_27] : memref<32x160x128xi32, #tpu.memory_space<hbm>> -> memref<1x160x128xi32, #tpu.memory_space<hbm>>
      %dma_wait3A_29 = tpu.memref_squeeze %dma_wait3A_28 : memref<1x160x128xi32, #tpu.memory_space<hbm>> -> memref<160x128xi32, #tpu.memory_space<hbm>>
      tpu.wait_dma2 semaphore(%run_scoped3A : memref<!tpu.dma_semaphore, #tpu.memory_space<semaphore_mem>>) src(%dma_wait3A_29 : memref<160x128xi32, #tpu.memory_space<hbm>>) dst(%arg6 : memref<160x128xi32, #tpu.memory_space<vmem>>)
      tpu.yield
    }) : () -> ()
    %barrier3A = arith.constant 0 : index
    tpu.barrier barrier_id(%barrier3A)
    %scan3A = arith.constant 0 : i32
    %scan3A_3 = arith.constant 0 : i32
    %scan3A_4 = arith.constant 160 : i32
    %scan3A_5 = arith.addi %scan3A_3, %scan3A_4 : i32
    %scan3A_6 = arith.constant 1 : i32
    scf.for %scan3A_16 = %scan3A_3 to %scan3A_5 step %scan3A_6  : i32 {
      "tpu.region"() ({
        %run_scoped3A = tpu.sem_alloc : memref<!tpu.dma_semaphore, #tpu.memory_space<semaphore_mem>>
        %dma_start3A = arith.constant 0 : i32
        %dma_start3A_17 = tpu.memref_slice %arg6[%scan3A_16, %dma_start3A] : memref<160x128xi32, #tpu.memory_space<vmem>> -> memref<1x128xi32, #tpu.memory_space<vmem>>
        %dma_start3A_18 = tpu.memref_squeeze %dma_start3A_17 : memref<1x128xi32, #tpu.memory_space<vmem>> -> memref<128xi32, #tpu.memory_space<vmem>>
        %dma_start3A_19 = arith.constant 0 : i32
        %dma_start3A_20 = arith.constant 0 : i32
        %dma_start3A_21 = tpu.memref_slice %arg8[%dma_start3A_19, %dma_start3A_20] : memref<10112x128xf32, #tpu.memory_space<vmem_shared>> -> memref<10112x128xf32, #tpu.memory_space<vmem_shared>>
        tpu.enqueue_indirect_dma source(%arg7 : memref<128x128xf32, #tpu.memory_space<vmem>>) target(%dma_start3A_21 : memref<10112x128xf32, #tpu.memory_space<vmem_shared>>) offsets(%dma_start3A_18 : memref<128xi32, #tpu.memory_space<vmem>>) semaphore(%run_scoped3A : memref<!tpu.dma_semaphore, #tpu.memory_space<semaphore_mem>>) {add = true}
        %dma_wait3A = arith.constant 0 : i32
        %dma_wait3A_22 = tpu.memref_slice %arg6[%scan3A_16, %dma_wait3A] : memref<160x128xi32, #tpu.memory_space<vmem>> -> memref<1x128xi32, #tpu.memory_space<vmem>>
        %dma_wait3A_23 = tpu.memref_squeeze %dma_wait3A_22 : memref<1x128xi32, #tpu.memory_space<vmem>> -> memref<128xi32, #tpu.memory_space<vmem>>
        %dma_wait3A_24 = arith.constant 0 : i32
        %dma_wait3A_25 = arith.constant 0 : i32
        %dma_wait3A_26 = tpu.memref_slice %arg8[%dma_wait3A_24, %dma_wait3A_25] : memref<10112x128xf32, #tpu.memory_space<vmem_shared>> -> memref<10112x128xf32, #tpu.memory_space<vmem_shared>>
        tpu.wait_indirect_dma semaphore(%run_scoped3A : memref<!tpu.dma_semaphore, #tpu.memory_space<semaphore_mem>>) src(%arg7 : memref<128x128xf32, #tpu.memory_space<vmem>>) dst(%dma_wait3A_26 : memref<10112x128xf32, #tpu.memory_space<vmem_shared>>)
        tpu.yield
      }) : () -> ()
    }
    %scan3A_7 = arith.constant 160 : i32
    %barrier3A_8 = arith.constant 0 : index
    tpu.barrier barrier_id(%barrier3A_8)
    %mul3A_9 = arith.constant 632 : i32
    %mul3A_10 = arith.muli %arg1, %mul3A_9 : i32
    %mul3A_11 = arith.constant 10112 : i32
    %mul3A_12 = arith.muli %arg0, %mul3A_11 : i32
    %mul3A_13 = arith.constant 632 : i32
    %mul3A_14 = arith.muli %arg1, %mul3A_13 : i32
    %add3A_15 = arith.addi %mul3A_12, %mul3A_14 : i32
    "tpu.region"() ({
      %run_scoped3A = tpu.sem_alloc : memref<!tpu.dma_semaphore, #tpu.memory_space<semaphore_mem>>
      %dma_start3A = arith.constant 0 : i32
      %dma_start3A_16 = tpu.memref_slice %arg5[%add3A_15, %dma_start3A] : memref<20224x128xf32, #tpu.memory_space<hbm>> -> memref<632x128xf32, #tpu.memory_space<hbm>>
      %dma_start3A_17 = arith.constant 0 : i32
      %dma_start3A_18 = tpu.memref_slice %arg8[%mul3A_10, %dma_start3A_17] : memref<10112x128xf32, #tpu.memory_space<vmem_shared>> -> memref<632x128xf32, #tpu.memory_space<vmem_shared>>
      tpu.enqueue_dma source(%dma_start3A_18 : memref<632x128xf32, #tpu.memory_space<vmem_shared>>) target(%dma_start3A_16 : memref<632x128xf32, #tpu.memory_space<hbm>>) target_semaphore(%run_scoped3A : memref<!tpu.dma_semaphore, #tpu.memory_space<semaphore_mem>>)
      %dma_wait3A = arith.constant 0 : i32
      %dma_wait3A_19 = tpu.memref_slice %arg5[%add3A_15, %dma_wait3A] : memref<20224x128xf32, #tpu.memory_space<hbm>> -> memref<632x128xf32, #tpu.memory_space<hbm>>
      %dma_wait3A_20 = arith.constant 0 : i32
      %dma_wait3A_21 = tpu.memref_slice %arg8[%mul3A_10, %dma_wait3A_20] : memref<10112x128xf32, #tpu.memory_space<vmem_shared>> -> memref<632x128xf32, #tpu.memory_space<vmem_shared>>
      tpu.wait_dma2 semaphore(%run_scoped3A : memref<!tpu.dma_semaphore, #tpu.memory_space<semaphore_mem>>) src(%dma_wait3A_21 : memref<632x128xf32, #tpu.memory_space<vmem_shared>>) dst(%dma_wait3A_19 : memref<632x128xf32, #tpu.memory_space<hbm>>)
      tpu.yield
    }) : () -> ()
    return
  }
}

#map = affine_map<(d0, d1) -> (0, 0)>
#map1 = affine_map<(d0, d1) -> (0, 0, 0)>
module attributes {stable_mosaic.version = 14 : i64} {
  func.func @k(%arg0: i32, %arg1: i32, %arg2: memref<10000x128xf32, #tpu.memory_space<hbm>>, %arg3: memref<16x160x128xi32, #tpu.memory_space<hbm>>, %arg4: memref<16x160x128xi32, #tpu.memory_space<hbm>>, %arg5: memref<632x128xf32, #tpu.memory_space<hbm>>, %arg6: memref<20224x128xf32, #tpu.memory_space<hbm>>, %arg7: memref<120x128xi32, #tpu.memory_space<vmem>>, %arg8: memref<128xi32, #tpu.memory_space<vmem>>, %arg9: memref<128xi32, #tpu.memory_space<vmem>>, %arg10: memref<128x128xf32, #tpu.memory_space<vmem>>, %arg11: memref<128x128xf32, #tpu.memory_space<vmem>>, %arg12: memref<!tpu.dma_semaphore, #tpu.memory_space<semaphore_mem>>, %arg13: memref<!tpu.dma_semaphore, #tpu.memory_space<semaphore_mem>>, %arg14: memref<!tpu.dma_semaphore, #tpu.memory_space<semaphore_mem>>, %arg15: memref<!tpu.dma_semaphore, #tpu.memory_space<semaphore_mem>>, %arg16: memref<10112x128xf32, #tpu.memory_space<vmem_shared>>) attributes {dimension_semantics = [#tpu.dimension_semantics<core_parallel>, #tpu.dimension_semantics<subcore_parallel>], iteration_bounds = array<i64: 2, 16>, scalar_prefetch = 0 : i64, scratch_operands = 10 : i64, tpu.core_type = #tpu.core_type<sc_vector_subcore>, window_params = [{transform_indices = #map}, {transform_indices = #map1}, {transform_indices = #map1}, {transform_indices = #map}, {transform_indices = #map}]} {
    %eq3A = arith.constant 0 : i32
    %eq3A_0 = arith.cmpi eq, %arg0, %eq3A : i32
    %jit3A = arith.constant 120 : i32
    %jit3A_1 = arith.constant 40 : i32
    %select_n3A = arith.select %eq3A_0, %jit3A, %jit3A_1 : i32
    %mul3A = arith.constant 120 : i32
    %mul3A_2 = arith.muli %arg0, %mul3A : i32
    %mul3A_3 = arith.constant 80 : i32
    %mul3A_4 = arith.muli %arg0, %mul3A_3 : i32
    %mul3A_5 = arith.constant 632 : i32
    %mul3A_6 = arith.muli %arg1, %mul3A_5 : i32
    "tpu.region"() ({
      %run_scoped3A = tpu.sem_alloc : memref<!tpu.dma_semaphore, #tpu.memory_space<semaphore_mem>>
      %dma_start3A_91 = arith.constant 0 : i32
      %dma_start3A_92 = tpu.memref_slice %arg16[%mul3A_6, %dma_start3A_91] : memref<10112x128xf32, #tpu.memory_space<vmem_shared>> -> memref<632x128xf32, #tpu.memory_space<vmem_shared>>
      tpu.enqueue_dma source(%arg5 : memref<632x128xf32, #tpu.memory_space<hbm>>) target(%dma_start3A_92 : memref<632x128xf32, #tpu.memory_space<vmem_shared>>) target_semaphore(%run_scoped3A : memref<!tpu.dma_semaphore, #tpu.memory_space<semaphore_mem>>)
      %dma_wait3A_93 = arith.constant 0 : i32
      %dma_wait3A_94 = tpu.memref_slice %arg16[%mul3A_6, %dma_wait3A_93] : memref<10112x128xf32, #tpu.memory_space<vmem_shared>> -> memref<632x128xf32, #tpu.memory_space<vmem_shared>>
      tpu.wait_dma2 semaphore(%run_scoped3A : memref<!tpu.dma_semaphore, #tpu.memory_space<semaphore_mem>>) src(%arg5 : memref<632x128xf32, #tpu.memory_space<hbm>>) dst(%dma_wait3A_94 : memref<632x128xf32, #tpu.memory_space<vmem_shared>>)
      tpu.yield
    }) : () -> ()
    %mul3A_7 = arith.constant 40 : i32
    %mul3A_8 = arith.muli %arg0, %mul3A_7 : i32
    "tpu.region"() ({
      %run_scoped3A = tpu.sem_alloc : memref<!tpu.dma_semaphore, #tpu.memory_space<semaphore_mem>>
      %dma_start3A_91 = arith.constant 0 : i32
      %dma_start3A_92 = tpu.memref_slice %arg4[%arg1, %mul3A_8, %dma_start3A_91] : memref<16x160x128xi32, #tpu.memory_space<hbm>> -> memref<1x120x128xi32, #tpu.memory_space<hbm>>
      %dma_start3A_93 = tpu.memref_squeeze %dma_start3A_92 : memref<1x120x128xi32, #tpu.memory_space<hbm>> -> memref<120x128xi32, #tpu.memory_space<hbm>>
      %dma_start3A_94 = arith.constant 0 : i32
      %dma_start3A_95 = tpu.memref_slice %arg4[%arg1, %mul3A_8, %dma_start3A_94] : memref<16x160x128xi32, #tpu.memory_space<hbm>> -> memref<1x120x128xi32, #tpu.memory_space<hbm>>
      %dma_start3A_96 = tpu.memref_squeeze %dma_start3A_95 : memref<1x120x128xi32, #tpu.memory_space<hbm>> -> memref<120x128xi32, #tpu.memory_space<hbm>>
      tpu.enqueue_dma source(%dma_start3A_96 : memref<120x128xi32, #tpu.memory_space<hbm>>) target(%arg7 : memref<120x128xi32, #tpu.memory_space<vmem>>) target_semaphore(%run_scoped3A : memref<!tpu.dma_semaphore, #tpu.memory_space<semaphore_mem>>)
      %dma_wait3A_97 = arith.constant 0 : i32
      %dma_wait3A_98 = tpu.memref_slice %arg4[%arg1, %mul3A_8, %dma_wait3A_97] : memref<16x160x128xi32, #tpu.memory_space<hbm>> -> memref<1x120x128xi32, #tpu.memory_space<hbm>>
      %dma_wait3A_99 = tpu.memref_squeeze %dma_wait3A_98 : memref<1x120x128xi32, #tpu.memory_space<hbm>> -> memref<120x128xi32, #tpu.memory_space<hbm>>
      %dma_wait3A_100 = arith.constant 0 : i32
      %dma_wait3A_101 = tpu.memref_slice %arg4[%arg1, %mul3A_8, %dma_wait3A_100] : memref<16x160x128xi32, #tpu.memory_space<hbm>> -> memref<1x120x128xi32, #tpu.memory_space<hbm>>
      %dma_wait3A_102 = tpu.memref_squeeze %dma_wait3A_101 : memref<1x120x128xi32, #tpu.memory_space<hbm>> -> memref<120x128xi32, #tpu.memory_space<hbm>>
      tpu.wait_dma2 semaphore(%run_scoped3A : memref<!tpu.dma_semaphore, #tpu.memory_space<semaphore_mem>>) src(%dma_wait3A_102 : memref<120x128xi32, #tpu.memory_space<hbm>>) dst(%arg7 : memref<120x128xi32, #tpu.memory_space<vmem>>)
      tpu.yield
    }) : () -> ()
    %barrier3A = arith.constant 0 : index
    tpu.barrier barrier_id(%barrier3A)
    %add3A = arith.constant 0 : i32
    %add3A_9 = arith.addi %mul3A_2, %add3A : i32
    %dma_start3A = arith.constant 0 : i32
    %dma_start3A_10 = tpu.memref_slice %arg3[%arg1, %add3A_9, %dma_start3A] : memref<16x160x128xi32, #tpu.memory_space<hbm>> -> memref<1x1x128xi32, #tpu.memory_space<hbm>>
    %dma_start3A_11 = tpu.memref_squeeze %dma_start3A_10 : memref<1x1x128xi32, #tpu.memory_space<hbm>> -> memref<128xi32, #tpu.memory_space<hbm>>
    %dma_start3A_12 = arith.constant 0 : i32
    %dma_start3A_13 = tpu.memref_slice %arg3[%arg1, %add3A_9, %dma_start3A_12] : memref<16x160x128xi32, #tpu.memory_space<hbm>> -> memref<1x1x128xi32, #tpu.memory_space<hbm>>
    %dma_start3A_14 = tpu.memref_squeeze %dma_start3A_13 : memref<1x1x128xi32, #tpu.memory_space<hbm>> -> memref<128xi32, #tpu.memory_space<hbm>>
    tpu.enqueue_dma source(%dma_start3A_14 : memref<128xi32, #tpu.memory_space<hbm>>) target(%arg8 : memref<128xi32, #tpu.memory_space<vmem>>) target_semaphore(%arg12 : memref<!tpu.dma_semaphore, #tpu.memory_space<semaphore_mem>>)
    %add3A_15 = arith.constant 1 : i32
    %add3A_16 = arith.addi %mul3A_2, %add3A_15 : i32
    %dma_start3A_17 = arith.constant 0 : i32
    %dma_start3A_18 = tpu.memref_slice %arg3[%arg1, %add3A_16, %dma_start3A_17] : memref<16x160x128xi32, #tpu.memory_space<hbm>> -> memref<1x1x128xi32, #tpu.memory_space<hbm>>
    %dma_start3A_19 = tpu.memref_squeeze %dma_start3A_18 : memref<1x1x128xi32, #tpu.memory_space<hbm>> -> memref<128xi32, #tpu.memory_space<hbm>>
    %dma_start3A_20 = arith.constant 0 : i32
    %dma_start3A_21 = tpu.memref_slice %arg3[%arg1, %add3A_16, %dma_start3A_20] : memref<16x160x128xi32, #tpu.memory_space<hbm>> -> memref<1x1x128xi32, #tpu.memory_space<hbm>>
    %dma_start3A_22 = tpu.memref_squeeze %dma_start3A_21 : memref<1x1x128xi32, #tpu.memory_space<hbm>> -> memref<128xi32, #tpu.memory_space<hbm>>
    tpu.enqueue_dma source(%dma_start3A_22 : memref<128xi32, #tpu.memory_space<hbm>>) target(%arg9 : memref<128xi32, #tpu.memory_space<vmem>>) target_semaphore(%arg13 : memref<!tpu.dma_semaphore, #tpu.memory_space<semaphore_mem>>)
    %dma_wait3A = arith.constant 0 : i32
    %dma_wait3A_23 = arith.constant 0 : i32
    %dma_wait3A_24 = tpu.memref_slice %arg3[%arg1, %dma_wait3A, %dma_wait3A_23] : memref<16x160x128xi32, #tpu.memory_space<hbm>> -> memref<1x1x128xi32, #tpu.memory_space<hbm>>
    %dma_wait3A_25 = tpu.memref_squeeze %dma_wait3A_24 : memref<1x1x128xi32, #tpu.memory_space<hbm>> -> memref<128xi32, #tpu.memory_space<hbm>>
    %dma_wait3A_26 = arith.constant 0 : i32
    %dma_wait3A_27 = tpu.memref_slice %arg3[%arg1, %dma_wait3A, %dma_wait3A_26] : memref<16x160x128xi32, #tpu.memory_space<hbm>> -> memref<1x1x128xi32, #tpu.memory_space<hbm>>
    %dma_wait3A_28 = tpu.memref_squeeze %dma_wait3A_27 : memref<1x1x128xi32, #tpu.memory_space<hbm>> -> memref<128xi32, #tpu.memory_space<hbm>>
    tpu.wait_dma2 semaphore(%arg12 : memref<!tpu.dma_semaphore, #tpu.memory_space<semaphore_mem>>) src(%dma_wait3A_28 : memref<128xi32, #tpu.memory_space<hbm>>) dst(%arg8 : memref<128xi32, #tpu.memory_space<vmem>>)
    %dma_start3A_29 = arith.constant 0 : i32
    %dma_start3A_30 = arith.constant 0 : i32
    %dma_start3A_31 = tpu.memref_slice %arg2[%dma_start3A_29, %dma_start3A_30] : memref<10000x128xf32, #tpu.memory_space<hbm>> -> memref<10000x128xf32, #tpu.memory_space<hbm>>
    tpu.enqueue_indirect_dma source(%dma_start3A_31 : memref<10000x128xf32, #tpu.memory_space<hbm>>) target(%arg10 : memref<128x128xf32, #tpu.memory_space<vmem>>) offsets(%arg8 : memref<128xi32, #tpu.memory_space<vmem>>) semaphore(%arg14 : memref<!tpu.dma_semaphore, #tpu.memory_space<semaphore_mem>>)
    %jit3A_32 = arith.constant 2 : i32
    %div3A = arith.divsi %select_n3A, %jit3A_32 : i32
    %sign3A = arith.constant 0 : i32
    %sign3A_33 = arith.cmpi sgt, %select_n3A, %sign3A : i32
    %sign3A_34 = arith.extui %sign3A_33 : i1 to i32
    %sign3A_35 = arith.constant 0 : i32
    %sign3A_36 = arith.cmpi slt, %select_n3A, %sign3A_35 : i32
    %sign3A_37 = arith.extui %sign3A_36 : i1 to i32
    %sign3A_38 = arith.subi %sign3A_34, %sign3A_37 : i32
    %sign3A_39 = arith.constant 0 : i32
    %sign3A_40 = arith.cmpi sgt, %jit3A_32, %sign3A_39 : i32
    %sign3A_41 = arith.extui %sign3A_40 : i1 to i32
    %sign3A_42 = arith.constant 0 : i32
    %sign3A_43 = arith.cmpi slt, %jit3A_32, %sign3A_42 : i32
    %sign3A_44 = arith.extui %sign3A_43 : i1 to i32
    %sign3A_45 = arith.subi %sign3A_41, %sign3A_44 : i32
    %ne3A = arith.cmpi ne, %sign3A_38, %sign3A_45 : i32
    %rem3A = arith.remsi %select_n3A, %jit3A_32 : i32
    %ne3A_46 = arith.constant 0 : i32
    %ne3A_47 = arith.cmpi ne, %rem3A, %ne3A_46 : i32
    %and3A = arith.andi %ne3A, %ne3A_47 : i1
    %sub3A = arith.constant 1 : i32
    %sub3A_48 = arith.subi %div3A, %sub3A : i32
    %select_n3A_49 = arith.select %and3A, %sub3A_48, %div3A : i32
    %sub3A_50 = arith.constant 1 : i32
    %sub3A_51 = arith.subi %select_n3A_49, %sub3A_50 : i32
    %while3A = arith.constant 0 : i32
    %while3A_52 = arith.constant 0 : i32
    %while3A_53 = arith.subi %sub3A_51, %while3A_52 : i32
    %while3A_54 = arith.addi %while3A_52, %while3A_53 : i32
    %while3A_55 = arith.constant 1 : i32
    %while3A_56 = arith.divsi %while3A_53, %while3A_55 : i32
    %while3A_57 = arith.muli %while3A_56, %while3A_55 : i32
    %while3A_58 = arith.addi %while3A_52, %while3A_57 : i32
    %while3A_59 = arith.constant 1 : i32
    scf.for %while3A_91 = %while3A_52 to %while3A_58 step %while3A_59  : i32 {
      %mul3A_92 = arith.constant 2 : i32
      %mul3A_93 = arith.muli %mul3A_92, %while3A_91 : i32
      %dma_wait3A_94 = arith.constant 0 : i32
      %dma_wait3A_95 = arith.constant 0 : i32
      %dma_wait3A_96 = tpu.memref_slice %arg3[%arg1, %dma_wait3A_94, %dma_wait3A_95] : memref<16x160x128xi32, #tpu.memory_space<hbm>> -> memref<1x1x128xi32, #tpu.memory_space<hbm>>
      %dma_wait3A_97 = tpu.memref_squeeze %dma_wait3A_96 : memref<1x1x128xi32, #tpu.memory_space<hbm>> -> memref<128xi32, #tpu.memory_space<hbm>>
      %dma_wait3A_98 = arith.constant 0 : i32
      %dma_wait3A_99 = tpu.memref_slice %arg3[%arg1, %dma_wait3A_94, %dma_wait3A_98] : memref<16x160x128xi32, #tpu.memory_space<hbm>> -> memref<1x1x128xi32, #tpu.memory_space<hbm>>
      %dma_wait3A_100 = tpu.memref_squeeze %dma_wait3A_99 : memref<1x1x128xi32, #tpu.memory_space<hbm>> -> memref<128xi32, #tpu.memory_space<hbm>>
      tpu.wait_dma2 semaphore(%arg13 : memref<!tpu.dma_semaphore, #tpu.memory_space<semaphore_mem>>) src(%dma_wait3A_100 : memref<128xi32, #tpu.memory_space<hbm>>) dst(%arg9 : memref<128xi32, #tpu.memory_space<vmem>>)
      %dma_wait3A_101 = arith.constant 0 : i32
      %dma_wait3A_102 = arith.constant 0 : i32
      %dma_wait3A_103 = tpu.memref_slice %arg2[%dma_wait3A_101, %dma_wait3A_102] : memref<10000x128xf32, #tpu.memory_space<hbm>> -> memref<10000x128xf32, #tpu.memory_space<hbm>>
      tpu.wait_indirect_dma semaphore(%arg14 : memref<!tpu.dma_semaphore, #tpu.memory_space<semaphore_mem>>) src(%dma_wait3A_103 : memref<10000x128xf32, #tpu.memory_space<hbm>>) dst(%arg10 : memref<128x128xf32, #tpu.memory_space<vmem>>)
      %dma_start3A_104 = arith.constant 0 : i32
      %dma_start3A_105 = arith.constant 0 : i32
      %dma_start3A_106 = tpu.memref_slice %arg2[%dma_start3A_104, %dma_start3A_105] : memref<10000x128xf32, #tpu.memory_space<hbm>> -> memref<10000x128xf32, #tpu.memory_space<hbm>>
      tpu.enqueue_indirect_dma source(%dma_start3A_106 : memref<10000x128xf32, #tpu.memory_space<hbm>>) target(%arg11 : memref<128x128xf32, #tpu.memory_space<vmem>>) offsets(%arg9 : memref<128xi32, #tpu.memory_space<vmem>>) semaphore(%arg15 : memref<!tpu.dma_semaphore, #tpu.memory_space<semaphore_mem>>)
      %add3A_107 = arith.constant 2 : i32
      %add3A_108 = arith.addi %mul3A_93, %add3A_107 : i32
      %add3A_109 = arith.addi %mul3A_2, %add3A_108 : i32
      %dma_start3A_110 = arith.constant 0 : i32
      %dma_start3A_111 = tpu.memref_slice %arg3[%arg1, %add3A_109, %dma_start3A_110] : memref<16x160x128xi32, #tpu.memory_space<hbm>> -> memref<1x1x128xi32, #tpu.memory_space<hbm>>
      %dma_start3A_112 = tpu.memref_squeeze %dma_start3A_111 : memref<1x1x128xi32, #tpu.memory_space<hbm>> -> memref<128xi32, #tpu.memory_space<hbm>>
      %dma_start3A_113 = arith.constant 0 : i32
      %dma_start3A_114 = tpu.memref_slice %arg3[%arg1, %add3A_109, %dma_start3A_113] : memref<16x160x128xi32, #tpu.memory_space<hbm>> -> memref<1x1x128xi32, #tpu.memory_space<hbm>>
      %dma_start3A_115 = tpu.memref_squeeze %dma_start3A_114 : memref<1x1x128xi32, #tpu.memory_space<hbm>> -> memref<128xi32, #tpu.memory_space<hbm>>
      tpu.enqueue_dma source(%dma_start3A_115 : memref<128xi32, #tpu.memory_space<hbm>>) target(%arg8 : memref<128xi32, #tpu.memory_space<vmem>>) target_semaphore(%arg12 : memref<!tpu.dma_semaphore, #tpu.memory_space<semaphore_mem>>)
      %add3A_116 = arith.addi %mul3A_4, %mul3A_93 : i32
      "tpu.region"() ({
        %run_scoped3A = tpu.sem_alloc : memref<!tpu.dma_semaphore, #tpu.memory_space<semaphore_mem>>
        %dma_start3A_142 = arith.constant 0 : i32
        %dma_start3A_143 = tpu.memref_slice %arg7[%add3A_116, %dma_start3A_142] : memref<120x128xi32, #tpu.memory_space<vmem>> -> memref<1x128xi32, #tpu.memory_space<vmem>>
        %dma_start3A_144 = tpu.memref_squeeze %dma_start3A_143 : memref<1x128xi32, #tpu.memory_space<vmem>> -> memref<128xi32, #tpu.memory_space<vmem>>
        %dma_start3A_145 = arith.constant 0 : i32
        %dma_start3A_146 = arith.constant 0 : i32
        %dma_start3A_147 = tpu.memref_slice %arg16[%dma_start3A_145, %dma_start3A_146] : memref<10112x128xf32, #tpu.memory_space<vmem_shared>> -> memref<10112x128xf32, #tpu.memory_space<vmem_shared>>
        tpu.enqueue_indirect_dma source(%arg10 : memref<128x128xf32, #tpu.memory_space<vmem>>) target(%dma_start3A_147 : memref<10112x128xf32, #tpu.memory_space<vmem_shared>>) offsets(%dma_start3A_144 : memref<128xi32, #tpu.memory_space<vmem>>) semaphore(%run_scoped3A : memref<!tpu.dma_semaphore, #tpu.memory_space<semaphore_mem>>) {add = true}
        %dma_wait3A_148 = arith.constant 0 : i32
        %dma_wait3A_149 = tpu.memref_slice %arg7[%add3A_116, %dma_wait3A_148] : memref<120x128xi32, #tpu.memory_space<vmem>> -> memref<1x128xi32, #tpu.memory_space<vmem>>
        %dma_wait3A_150 = tpu.memref_squeeze %dma_wait3A_149 : memref<1x128xi32, #tpu.memory_space<vmem>> -> memref<128xi32, #tpu.memory_space<vmem>>
        %dma_wait3A_151 = arith.constant 0 : i32
        %dma_wait3A_152 = arith.constant 0 : i32
        %dma_wait3A_153 = tpu.memref_slice %arg16[%dma_wait3A_151, %dma_wait3A_152] : memref<10112x128xf32, #tpu.memory_space<vmem_shared>> -> memref<10112x128xf32, #tpu.memory_space<vmem_shared>>
        tpu.wait_indirect_dma semaphore(%run_scoped3A : memref<!tpu.dma_semaphore, #tpu.memory_space<semaphore_mem>>) src(%arg10 : memref<128x128xf32, #tpu.memory_space<vmem>>) dst(%dma_wait3A_153 : memref<10112x128xf32, #tpu.memory_space<vmem_shared>>)
        tpu.yield
      }) : () -> ()
      %dma_wait3A_117 = arith.constant 0 : i32
      %dma_wait3A_118 = arith.constant 0 : i32
      %dma_wait3A_119 = tpu.memref_slice %arg3[%arg1, %dma_wait3A_117, %dma_wait3A_118] : memref<16x160x128xi32, #tpu.memory_space<hbm>> -> memref<1x1x128xi32, #tpu.memory_space<hbm>>
      %dma_wait3A_120 = tpu.memref_squeeze %dma_wait3A_119 : memref<1x1x128xi32, #tpu.memory_space<hbm>> -> memref<128xi32, #tpu.memory_space<hbm>>
      %dma_wait3A_121 = arith.constant 0 : i32
      %dma_wait3A_122 = tpu.memref_slice %arg3[%arg1, %dma_wait3A_117, %dma_wait3A_121] : memref<16x160x128xi32, #tpu.memory_space<hbm>> -> memref<1x1x128xi32, #tpu.memory_space<hbm>>
      %dma_wait3A_123 = tpu.memref_squeeze %dma_wait3A_122 : memref<1x1x128xi32, #tpu.memory_space<hbm>> -> memref<128xi32, #tpu.memory_space<hbm>>
      tpu.wait_dma2 semaphore(%arg12 : memref<!tpu.dma_semaphore, #tpu.memory_space<semaphore_mem>>) src(%dma_wait3A_123 : memref<128xi32, #tpu.memory_space<hbm>>) dst(%arg8 : memref<128xi32, #tpu.memory_space<vmem>>)
      %dma_wait3A_124 = arith.constant 0 : i32
      %dma_wait3A_125 = arith.constant 0 : i32
      %dma_wait3A_126 = tpu.memref_slice %arg2[%dma_wait3A_124, %dma_wait3A_125] : memref<10000x128xf32, #tpu.memory_space<hbm>> -> memref<10000x128xf32, #tpu.memory_space<hbm>>
      tpu.wait_indirect_dma semaphore(%arg15 : memref<!tpu.dma_semaphore, #tpu.memory_space<semaphore_mem>>) src(%dma_wait3A_126 : memref<10000x128xf32, #tpu.memory_space<hbm>>) dst(%arg11 : memref<128x128xf32, #tpu.memory_space<vmem>>)
      %dma_start3A_127 = arith.constant 0 : i32
      %dma_start3A_128 = arith.constant 0 : i32
      %dma_start3A_129 = tpu.memref_slice %arg2[%dma_start3A_127, %dma_start3A_128] : memref<10000x128xf32, #tpu.memory_space<hbm>> -> memref<10000x128xf32, #tpu.memory_space<hbm>>
      tpu.enqueue_indirect_dma source(%dma_start3A_129 : memref<10000x128xf32, #tpu.memory_space<hbm>>) target(%arg10 : memref<128x128xf32, #tpu.memory_space<vmem>>) offsets(%arg8 : memref<128xi32, #tpu.memory_space<vmem>>) semaphore(%arg14 : memref<!tpu.dma_semaphore, #tpu.memory_space<semaphore_mem>>)
      %add3A_130 = arith.constant 3 : i32
      %add3A_131 = arith.addi %mul3A_93, %add3A_130 : i32
      %add3A_132 = arith.addi %mul3A_2, %add3A_131 : i32
      %dma_start3A_133 = arith.constant 0 : i32
      %dma_start3A_134 = tpu.memref_slice %arg3[%arg1, %add3A_132, %dma_start3A_133] : memref<16x160x128xi32, #tpu.memory_space<hbm>> -> memref<1x1x128xi32, #tpu.memory_space<hbm>>
      %dma_start3A_135 = tpu.memref_squeeze %dma_start3A_134 : memref<1x1x128xi32, #tpu.memory_space<hbm>> -> memref<128xi32, #tpu.memory_space<hbm>>
      %dma_start3A_136 = arith.constant 0 : i32
      %dma_start3A_137 = tpu.memref_slice %arg3[%arg1, %add3A_132, %dma_start3A_136] : memref<16x160x128xi32, #tpu.memory_space<hbm>> -> memref<1x1x128xi32, #tpu.memory_space<hbm>>
      %dma_start3A_138 = tpu.memref_squeeze %dma_start3A_137 : memref<1x1x128xi32, #tpu.memory_space<hbm>> -> memref<128xi32, #tpu.memory_space<hbm>>
      tpu.enqueue_dma source(%dma_start3A_138 : memref<128xi32, #tpu.memory_space<hbm>>) target(%arg9 : memref<128xi32, #tpu.memory_space<vmem>>) target_semaphore(%arg13 : memref<!tpu.dma_semaphore, #tpu.memory_space<semaphore_mem>>)
      %add3A_139 = arith.constant 1 : i32
      %add3A_140 = arith.addi %mul3A_93, %add3A_139 : i32
      %add3A_141 = arith.addi %mul3A_4, %add3A_140 : i32
      "tpu.region"() ({
        %run_scoped3A = tpu.sem_alloc : memref<!tpu.dma_semaphore, #tpu.memory_space<semaphore_mem>>
        %dma_start3A_142 = arith.constant 0 : i32
        %dma_start3A_143 = tpu.memref_slice %arg7[%add3A_141, %dma_start3A_142] : memref<120x128xi32, #tpu.memory_space<vmem>> -> memref<1x128xi32, #tpu.memory_space<vmem>>
        %dma_start3A_144 = tpu.memref_squeeze %dma_start3A_143 : memref<1x128xi32, #tpu.memory_space<vmem>> -> memref<128xi32, #tpu.memory_space<vmem>>
        %dma_start3A_145 = arith.constant 0 : i32
        %dma_start3A_146 = arith.constant 0 : i32
        %dma_start3A_147 = tpu.memref_slice %arg16[%dma_start3A_145, %dma_start3A_146] : memref<10112x128xf32, #tpu.memory_space<vmem_shared>> -> memref<10112x128xf32, #tpu.memory_space<vmem_shared>>
        tpu.enqueue_indirect_dma source(%arg11 : memref<128x128xf32, #tpu.memory_space<vmem>>) target(%dma_start3A_147 : memref<10112x128xf32, #tpu.memory_space<vmem_shared>>) offsets(%dma_start3A_144 : memref<128xi32, #tpu.memory_space<vmem>>) semaphore(%run_scoped3A : memref<!tpu.dma_semaphore, #tpu.memory_space<semaphore_mem>>) {add = true}
        %dma_wait3A_148 = arith.constant 0 : i32
        %dma_wait3A_149 = tpu.memref_slice %arg7[%add3A_141, %dma_wait3A_148] : memref<120x128xi32, #tpu.memory_space<vmem>> -> memref<1x128xi32, #tpu.memory_space<vmem>>
        %dma_wait3A_150 = tpu.memref_squeeze %dma_wait3A_149 : memref<1x128xi32, #tpu.memory_space<vmem>> -> memref<128xi32, #tpu.memory_space<vmem>>
        %dma_wait3A_151 = arith.constant 0 : i32
        %dma_wait3A_152 = arith.constant 0 : i32
        %dma_wait3A_153 = tpu.memref_slice %arg16[%dma_wait3A_151, %dma_wait3A_152] : memref<10112x128xf32, #tpu.memory_space<vmem_shared>> -> memref<10112x128xf32, #tpu.memory_space<vmem_shared>>
        tpu.wait_indirect_dma semaphore(%run_scoped3A : memref<!tpu.dma_semaphore, #tpu.memory_space<semaphore_mem>>) src(%arg11 : memref<128x128xf32, #tpu.memory_space<vmem>>) dst(%dma_wait3A_153 : memref<10112x128xf32, #tpu.memory_space<vmem_shared>>)
        tpu.yield
      }) : () -> ()
    }
    %while3A_60 = arith.constant 1 : i32
    scf.for %while3A_91 = %while3A_58 to %while3A_54 step %while3A_60  : i32 {
      %mul3A_92 = arith.constant 2 : i32
      %mul3A_93 = arith.muli %mul3A_92, %while3A_91 : i32
      %dma_wait3A_94 = arith.constant 0 : i32
      %dma_wait3A_95 = arith.constant 0 : i32
      %dma_wait3A_96 = tpu.memref_slice %arg3[%arg1, %dma_wait3A_94, %dma_wait3A_95] : memref<16x160x128xi32, #tpu.memory_space<hbm>> -> memref<1x1x128xi32, #tpu.memory_space<hbm>>
      %dma_wait3A_97 = tpu.memref_squeeze %dma_wait3A_96 : memref<1x1x128xi32, #tpu.memory_space<hbm>> -> memref<128xi32, #tpu.memory_space<hbm>>
      %dma_wait3A_98 = arith.constant 0 : i32
      %dma_wait3A_99 = tpu.memref_slice %arg3[%arg1, %dma_wait3A_94, %dma_wait3A_98] : memref<16x160x128xi32, #tpu.memory_space<hbm>> -> memref<1x1x128xi32, #tpu.memory_space<hbm>>
      %dma_wait3A_100 = tpu.memref_squeeze %dma_wait3A_99 : memref<1x1x128xi32, #tpu.memory_space<hbm>> -> memref<128xi32, #tpu.memory_space<hbm>>
      tpu.wait_dma2 semaphore(%arg13 : memref<!tpu.dma_semaphore, #tpu.memory_space<semaphore_mem>>) src(%dma_wait3A_100 : memref<128xi32, #tpu.memory_space<hbm>>) dst(%arg9 : memref<128xi32, #tpu.memory_space<vmem>>)
      %dma_wait3A_101 = arith.constant 0 : i32
      %dma_wait3A_102 = arith.constant 0 : i32
      %dma_wait3A_103 = tpu.memref_slice %arg2[%dma_wait3A_101, %dma_wait3A_102] : memref<10000x128xf32, #tpu.memory_space<hbm>> -> memref<10000x128xf32, #tpu.memory_space<hbm>>
      tpu.wait_indirect_dma semaphore(%arg14 : memref<!tpu.dma_semaphore, #tpu.memory_space<semaphore_mem>>) src(%dma_wait3A_103 : memref<10000x128xf32, #tpu.memory_space<hbm>>) dst(%arg10 : memref<128x128xf32, #tpu.memory_space<vmem>>)
      %dma_start3A_104 = arith.constant 0 : i32
      %dma_start3A_105 = arith.constant 0 : i32
      %dma_start3A_106 = tpu.memref_slice %arg2[%dma_start3A_104, %dma_start3A_105] : memref<10000x128xf32, #tpu.memory_space<hbm>> -> memref<10000x128xf32, #tpu.memory_space<hbm>>
      tpu.enqueue_indirect_dma source(%dma_start3A_106 : memref<10000x128xf32, #tpu.memory_space<hbm>>) target(%arg11 : memref<128x128xf32, #tpu.memory_space<vmem>>) offsets(%arg9 : memref<128xi32, #tpu.memory_space<vmem>>) semaphore(%arg15 : memref<!tpu.dma_semaphore, #tpu.memory_space<semaphore_mem>>)
      %add3A_107 = arith.constant 2 : i32
      %add3A_108 = arith.addi %mul3A_93, %add3A_107 : i32
      %add3A_109 = arith.addi %mul3A_2, %add3A_108 : i32
      %dma_start3A_110 = arith.constant 0 : i32
      %dma_start3A_111 = tpu.memref_slice %arg3[%arg1, %add3A_109, %dma_start3A_110] : memref<16x160x128xi32, #tpu.memory_space<hbm>> -> memref<1x1x128xi32, #tpu.memory_space<hbm>>
      %dma_start3A_112 = tpu.memref_squeeze %dma_start3A_111 : memref<1x1x128xi32, #tpu.memory_space<hbm>> -> memref<128xi32, #tpu.memory_space<hbm>>
      %dma_start3A_113 = arith.constant 0 : i32
      %dma_start3A_114 = tpu.memref_slice %arg3[%arg1, %add3A_109, %dma_start3A_113] : memref<16x160x128xi32, #tpu.memory_space<hbm>> -> memref<1x1x128xi32, #tpu.memory_space<hbm>>
      %dma_start3A_115 = tpu.memref_squeeze %dma_start3A_114 : memref<1x1x128xi32, #tpu.memory_space<hbm>> -> memref<128xi32, #tpu.memory_space<hbm>>
      tpu.enqueue_dma source(%dma_start3A_115 : memref<128xi32, #tpu.memory_space<hbm>>) target(%arg8 : memref<128xi32, #tpu.memory_space<vmem>>) target_semaphore(%arg12 : memref<!tpu.dma_semaphore, #tpu.memory_space<semaphore_mem>>)
      %add3A_116 = arith.addi %mul3A_4, %mul3A_93 : i32
      "tpu.region"() ({
        %run_scoped3A = tpu.sem_alloc : memref<!tpu.dma_semaphore, #tpu.memory_space<semaphore_mem>>
        %dma_start3A_142 = arith.constant 0 : i32
        %dma_start3A_143 = tpu.memref_slice %arg7[%add3A_116, %dma_start3A_142] : memref<120x128xi32, #tpu.memory_space<vmem>> -> memref<1x128xi32, #tpu.memory_space<vmem>>
        %dma_start3A_144 = tpu.memref_squeeze %dma_start3A_143 : memref<1x128xi32, #tpu.memory_space<vmem>> -> memref<128xi32, #tpu.memory_space<vmem>>
        %dma_start3A_145 = arith.constant 0 : i32
        %dma_start3A_146 = arith.constant 0 : i32
        %dma_start3A_147 = tpu.memref_slice %arg16[%dma_start3A_145, %dma_start3A_146] : memref<10112x128xf32, #tpu.memory_space<vmem_shared>> -> memref<10112x128xf32, #tpu.memory_space<vmem_shared>>
        tpu.enqueue_indirect_dma source(%arg10 : memref<128x128xf32, #tpu.memory_space<vmem>>) target(%dma_start3A_147 : memref<10112x128xf32, #tpu.memory_space<vmem_shared>>) offsets(%dma_start3A_144 : memref<128xi32, #tpu.memory_space<vmem>>) semaphore(%run_scoped3A : memref<!tpu.dma_semaphore, #tpu.memory_space<semaphore_mem>>) {add = true}
        %dma_wait3A_148 = arith.constant 0 : i32
        %dma_wait3A_149 = tpu.memref_slice %arg7[%add3A_116, %dma_wait3A_148] : memref<120x128xi32, #tpu.memory_space<vmem>> -> memref<1x128xi32, #tpu.memory_space<vmem>>
        %dma_wait3A_150 = tpu.memref_squeeze %dma_wait3A_149 : memref<1x128xi32, #tpu.memory_space<vmem>> -> memref<128xi32, #tpu.memory_space<vmem>>
        %dma_wait3A_151 = arith.constant 0 : i32
        %dma_wait3A_152 = arith.constant 0 : i32
        %dma_wait3A_153 = tpu.memref_slice %arg16[%dma_wait3A_151, %dma_wait3A_152] : memref<10112x128xf32, #tpu.memory_space<vmem_shared>> -> memref<10112x128xf32, #tpu.memory_space<vmem_shared>>
        tpu.wait_indirect_dma semaphore(%run_scoped3A : memref<!tpu.dma_semaphore, #tpu.memory_space<semaphore_mem>>) src(%arg10 : memref<128x128xf32, #tpu.memory_space<vmem>>) dst(%dma_wait3A_153 : memref<10112x128xf32, #tpu.memory_space<vmem_shared>>)
        tpu.yield
      }) : () -> ()
      %dma_wait3A_117 = arith.constant 0 : i32
      %dma_wait3A_118 = arith.constant 0 : i32
      %dma_wait3A_119 = tpu.memref_slice %arg3[%arg1, %dma_wait3A_117, %dma_wait3A_118] : memref<16x160x128xi32, #tpu.memory_space<hbm>> -> memref<1x1x128xi32, #tpu.memory_space<hbm>>
      %dma_wait3A_120 = tpu.memref_squeeze %dma_wait3A_119 : memref<1x1x128xi32, #tpu.memory_space<hbm>> -> memref<128xi32, #tpu.memory_space<hbm>>
      %dma_wait3A_121 = arith.constant 0 : i32
      %dma_wait3A_122 = tpu.memref_slice %arg3[%arg1, %dma_wait3A_117, %dma_wait3A_121] : memref<16x160x128xi32, #tpu.memory_space<hbm>> -> memref<1x1x128xi32, #tpu.memory_space<hbm>>
      %dma_wait3A_123 = tpu.memref_squeeze %dma_wait3A_122 : memref<1x1x128xi32, #tpu.memory_space<hbm>> -> memref<128xi32, #tpu.memory_space<hbm>>
      tpu.wait_dma2 semaphore(%arg12 : memref<!tpu.dma_semaphore, #tpu.memory_space<semaphore_mem>>) src(%dma_wait3A_123 : memref<128xi32, #tpu.memory_space<hbm>>) dst(%arg8 : memref<128xi32, #tpu.memory_space<vmem>>)
      %dma_wait3A_124 = arith.constant 0 : i32
      %dma_wait3A_125 = arith.constant 0 : i32
      %dma_wait3A_126 = tpu.memref_slice %arg2[%dma_wait3A_124, %dma_wait3A_125] : memref<10000x128xf32, #tpu.memory_space<hbm>> -> memref<10000x128xf32, #tpu.memory_space<hbm>>
      tpu.wait_indirect_dma semaphore(%arg15 : memref<!tpu.dma_semaphore, #tpu.memory_space<semaphore_mem>>) src(%dma_wait3A_126 : memref<10000x128xf32, #tpu.memory_space<hbm>>) dst(%arg11 : memref<128x128xf32, #tpu.memory_space<vmem>>)
      %dma_start3A_127 = arith.constant 0 : i32
      %dma_start3A_128 = arith.constant 0 : i32
      %dma_start3A_129 = tpu.memref_slice %arg2[%dma_start3A_127, %dma_start3A_128] : memref<10000x128xf32, #tpu.memory_space<hbm>> -> memref<10000x128xf32, #tpu.memory_space<hbm>>
      tpu.enqueue_indirect_dma source(%dma_start3A_129 : memref<10000x128xf32, #tpu.memory_space<hbm>>) target(%arg10 : memref<128x128xf32, #tpu.memory_space<vmem>>) offsets(%arg8 : memref<128xi32, #tpu.memory_space<vmem>>) semaphore(%arg14 : memref<!tpu.dma_semaphore, #tpu.memory_space<semaphore_mem>>)
      %add3A_130 = arith.constant 3 : i32
      %add3A_131 = arith.addi %mul3A_93, %add3A_130 : i32
      %add3A_132 = arith.addi %mul3A_2, %add3A_131 : i32
      %dma_start3A_133 = arith.constant 0 : i32
      %dma_start3A_134 = tpu.memref_slice %arg3[%arg1, %add3A_132, %dma_start3A_133] : memref<16x160x128xi32, #tpu.memory_space<hbm>> -> memref<1x1x128xi32, #tpu.memory_space<hbm>>
      %dma_start3A_135 = tpu.memref_squeeze %dma_start3A_134 : memref<1x1x128xi32, #tpu.memory_space<hbm>> -> memref<128xi32, #tpu.memory_space<hbm>>
      %dma_start3A_136 = arith.constant 0 : i32
      %dma_start3A_137 = tpu.memref_slice %arg3[%arg1, %add3A_132, %dma_start3A_136] : memref<16x160x128xi32, #tpu.memory_space<hbm>> -> memref<1x1x128xi32, #tpu.memory_space<hbm>>
      %dma_start3A_138 = tpu.memref_squeeze %dma_start3A_137 : memref<1x1x128xi32, #tpu.memory_space<hbm>> -> memref<128xi32, #tpu.memory_space<hbm>>
      tpu.enqueue_dma source(%dma_start3A_138 : memref<128xi32, #tpu.memory_space<hbm>>) target(%arg9 : memref<128xi32, #tpu.memory_space<vmem>>) target_semaphore(%arg13 : memref<!tpu.dma_semaphore, #tpu.memory_space<semaphore_mem>>)
      %add3A_139 = arith.constant 1 : i32
      %add3A_140 = arith.addi %mul3A_93, %add3A_139 : i32
      %add3A_141 = arith.addi %mul3A_4, %add3A_140 : i32
      "tpu.region"() ({
        %run_scoped3A = tpu.sem_alloc : memref<!tpu.dma_semaphore, #tpu.memory_space<semaphore_mem>>
        %dma_start3A_142 = arith.constant 0 : i32
        %dma_start3A_143 = tpu.memref_slice %arg7[%add3A_141, %dma_start3A_142] : memref<120x128xi32, #tpu.memory_space<vmem>> -> memref<1x128xi32, #tpu.memory_space<vmem>>
        %dma_start3A_144 = tpu.memref_squeeze %dma_start3A_143 : memref<1x128xi32, #tpu.memory_space<vmem>> -> memref<128xi32, #tpu.memory_space<vmem>>
        %dma_start3A_145 = arith.constant 0 : i32
        %dma_start3A_146 = arith.constant 0 : i32
        %dma_start3A_147 = tpu.memref_slice %arg16[%dma_start3A_145, %dma_start3A_146] : memref<10112x128xf32, #tpu.memory_space<vmem_shared>> -> memref<10112x128xf32, #tpu.memory_space<vmem_shared>>
        tpu.enqueue_indirect_dma source(%arg11 : memref<128x128xf32, #tpu.memory_space<vmem>>) target(%dma_start3A_147 : memref<10112x128xf32, #tpu.memory_space<vmem_shared>>) offsets(%dma_start3A_144 : memref<128xi32, #tpu.memory_space<vmem>>) semaphore(%run_scoped3A : memref<!tpu.dma_semaphore, #tpu.memory_space<semaphore_mem>>) {add = true}
        %dma_wait3A_148 = arith.constant 0 : i32
        %dma_wait3A_149 = tpu.memref_slice %arg7[%add3A_141, %dma_wait3A_148] : memref<120x128xi32, #tpu.memory_space<vmem>> -> memref<1x128xi32, #tpu.memory_space<vmem>>
        %dma_wait3A_150 = tpu.memref_squeeze %dma_wait3A_149 : memref<1x128xi32, #tpu.memory_space<vmem>> -> memref<128xi32, #tpu.memory_space<vmem>>
        %dma_wait3A_151 = arith.constant 0 : i32
        %dma_wait3A_152 = arith.constant 0 : i32
        %dma_wait3A_153 = tpu.memref_slice %arg16[%dma_wait3A_151, %dma_wait3A_152] : memref<10112x128xf32, #tpu.memory_space<vmem_shared>> -> memref<10112x128xf32, #tpu.memory_space<vmem_shared>>
        tpu.wait_indirect_dma semaphore(%run_scoped3A : memref<!tpu.dma_semaphore, #tpu.memory_space<semaphore_mem>>) src(%arg11 : memref<128x128xf32, #tpu.memory_space<vmem>>) dst(%dma_wait3A_153 : memref<10112x128xf32, #tpu.memory_space<vmem_shared>>)
        tpu.yield
      }) : () -> ()
    }
    %sub3A_61 = arith.constant 2 : i32
    %sub3A_62 = arith.subi %select_n3A, %sub3A_61 : i32
    %dma_wait3A_63 = arith.constant 0 : i32
    %dma_wait3A_64 = arith.constant 0 : i32
    %dma_wait3A_65 = tpu.memref_slice %arg3[%arg1, %dma_wait3A_63, %dma_wait3A_64] : memref<16x160x128xi32, #tpu.memory_space<hbm>> -> memref<1x1x128xi32, #tpu.memory_space<hbm>>
    %dma_wait3A_66 = tpu.memref_squeeze %dma_wait3A_65 : memref<1x1x128xi32, #tpu.memory_space<hbm>> -> memref<128xi32, #tpu.memory_space<hbm>>
    %dma_wait3A_67 = arith.constant 0 : i32
    %dma_wait3A_68 = tpu.memref_slice %arg3[%arg1, %dma_wait3A_63, %dma_wait3A_67] : memref<16x160x128xi32, #tpu.memory_space<hbm>> -> memref<1x1x128xi32, #tpu.memory_space<hbm>>
    %dma_wait3A_69 = tpu.memref_squeeze %dma_wait3A_68 : memref<1x1x128xi32, #tpu.memory_space<hbm>> -> memref<128xi32, #tpu.memory_space<hbm>>
    tpu.wait_dma2 semaphore(%arg13 : memref<!tpu.dma_semaphore, #tpu.memory_space<semaphore_mem>>) src(%dma_wait3A_69 : memref<128xi32, #tpu.memory_space<hbm>>) dst(%arg9 : memref<128xi32, #tpu.memory_space<vmem>>)
    %dma_wait3A_70 = arith.constant 0 : i32
    %dma_wait3A_71 = arith.constant 0 : i32
    %dma_wait3A_72 = tpu.memref_slice %arg2[%dma_wait3A_70, %dma_wait3A_71] : memref<10000x128xf32, #tpu.memory_space<hbm>> -> memref<10000x128xf32, #tpu.memory_space<hbm>>
    tpu.wait_indirect_dma semaphore(%arg14 : memref<!tpu.dma_semaphore, #tpu.memory_space<semaphore_mem>>) src(%dma_wait3A_72 : memref<10000x128xf32, #tpu.memory_space<hbm>>) dst(%arg10 : memref<128x128xf32, #tpu.memory_space<vmem>>)
    %dma_start3A_73 = arith.constant 0 : i32
    %dma_start3A_74 = arith.constant 0 : i32
    %dma_start3A_75 = tpu.memref_slice %arg2[%dma_start3A_73, %dma_start3A_74] : memref<10000x128xf32, #tpu.memory_space<hbm>> -> memref<10000x128xf32, #tpu.memory_space<hbm>>
    tpu.enqueue_indirect_dma source(%dma_start3A_75 : memref<10000x128xf32, #tpu.memory_space<hbm>>) target(%arg11 : memref<128x128xf32, #tpu.memory_space<vmem>>) offsets(%arg9 : memref<128xi32, #tpu.memory_space<vmem>>) semaphore(%arg15 : memref<!tpu.dma_semaphore, #tpu.memory_space<semaphore_mem>>)
    %add3A_76 = arith.addi %mul3A_4, %sub3A_62 : i32
    "tpu.region"() ({
      %run_scoped3A = tpu.sem_alloc : memref<!tpu.dma_semaphore, #tpu.memory_space<semaphore_mem>>
      %dma_start3A_91 = arith.constant 0 : i32
      %dma_start3A_92 = tpu.memref_slice %arg7[%add3A_76, %dma_start3A_91] : memref<120x128xi32, #tpu.memory_space<vmem>> -> memref<1x128xi32, #tpu.memory_space<vmem>>
      %dma_start3A_93 = tpu.memref_squeeze %dma_start3A_92 : memref<1x128xi32, #tpu.memory_space<vmem>> -> memref<128xi32, #tpu.memory_space<vmem>>
      %dma_start3A_94 = arith.constant 0 : i32
      %dma_start3A_95 = arith.constant 0 : i32
      %dma_start3A_96 = tpu.memref_slice %arg16[%dma_start3A_94, %dma_start3A_95] : memref<10112x128xf32, #tpu.memory_space<vmem_shared>> -> memref<10112x128xf32, #tpu.memory_space<vmem_shared>>
      tpu.enqueue_indirect_dma source(%arg10 : memref<128x128xf32, #tpu.memory_space<vmem>>) target(%dma_start3A_96 : memref<10112x128xf32, #tpu.memory_space<vmem_shared>>) offsets(%dma_start3A_93 : memref<128xi32, #tpu.memory_space<vmem>>) semaphore(%run_scoped3A : memref<!tpu.dma_semaphore, #tpu.memory_space<semaphore_mem>>) {add = true}
      %dma_wait3A_97 = arith.constant 0 : i32
      %dma_wait3A_98 = tpu.memref_slice %arg7[%add3A_76, %dma_wait3A_97] : memref<120x128xi32, #tpu.memory_space<vmem>> -> memref<1x128xi32, #tpu.memory_space<vmem>>
      %dma_wait3A_99 = tpu.memref_squeeze %dma_wait3A_98 : memref<1x128xi32, #tpu.memory_space<vmem>> -> memref<128xi32, #tpu.memory_space<vmem>>
      %dma_wait3A_100 = arith.constant 0 : i32
      %dma_wait3A_101 = arith.constant 0 : i32
      %dma_wait3A_102 = tpu.memref_slice %arg16[%dma_wait3A_100, %dma_wait3A_101] : memref<10112x128xf32, #tpu.memory_space<vmem_shared>> -> memref<10112x128xf32, #tpu.memory_space<vmem_shared>>
      tpu.wait_indirect_dma semaphore(%run_scoped3A : memref<!tpu.dma_semaphore, #tpu.memory_space<semaphore_mem>>) src(%arg10 : memref<128x128xf32, #tpu.memory_space<vmem>>) dst(%dma_wait3A_102 : memref<10112x128xf32, #tpu.memory_space<vmem_shared>>)
      tpu.yield
    }) : () -> ()
    %dma_wait3A_77 = arith.constant 0 : i32
    %dma_wait3A_78 = arith.constant 0 : i32
    %dma_wait3A_79 = tpu.memref_slice %arg2[%dma_wait3A_77, %dma_wait3A_78] : memref<10000x128xf32, #tpu.memory_space<hbm>> -> memref<10000x128xf32, #tpu.memory_space<hbm>>
    tpu.wait_indirect_dma semaphore(%arg15 : memref<!tpu.dma_semaphore, #tpu.memory_space<semaphore_mem>>) src(%dma_wait3A_79 : memref<10000x128xf32, #tpu.memory_space<hbm>>) dst(%arg11 : memref<128x128xf32, #tpu.memory_space<vmem>>)
    %add3A_80 = arith.constant 1 : i32
    %add3A_81 = arith.addi %sub3A_62, %add3A_80 : i32
    %add3A_82 = arith.addi %mul3A_4, %add3A_81 : i32
    "tpu.region"() ({
      %run_scoped3A = tpu.sem_alloc : memref<!tpu.dma_semaphore, #tpu.memory_space<semaphore_mem>>
      %dma_start3A_91 = arith.constant 0 : i32
      %dma_start3A_92 = tpu.memref_slice %arg7[%add3A_82, %dma_start3A_91] : memref<120x128xi32, #tpu.memory_space<vmem>> -> memref<1x128xi32, #tpu.memory_space<vmem>>
      %dma_start3A_93 = tpu.memref_squeeze %dma_start3A_92 : memref<1x128xi32, #tpu.memory_space<vmem>> -> memref<128xi32, #tpu.memory_space<vmem>>
      %dma_start3A_94 = arith.constant 0 : i32
      %dma_start3A_95 = arith.constant 0 : i32
      %dma_start3A_96 = tpu.memref_slice %arg16[%dma_start3A_94, %dma_start3A_95] : memref<10112x128xf32, #tpu.memory_space<vmem_shared>> -> memref<10112x128xf32, #tpu.memory_space<vmem_shared>>
      tpu.enqueue_indirect_dma source(%arg11 : memref<128x128xf32, #tpu.memory_space<vmem>>) target(%dma_start3A_96 : memref<10112x128xf32, #tpu.memory_space<vmem_shared>>) offsets(%dma_start3A_93 : memref<128xi32, #tpu.memory_space<vmem>>) semaphore(%run_scoped3A : memref<!tpu.dma_semaphore, #tpu.memory_space<semaphore_mem>>) {add = true}
      %dma_wait3A_97 = arith.constant 0 : i32
      %dma_wait3A_98 = tpu.memref_slice %arg7[%add3A_82, %dma_wait3A_97] : memref<120x128xi32, #tpu.memory_space<vmem>> -> memref<1x128xi32, #tpu.memory_space<vmem>>
      %dma_wait3A_99 = tpu.memref_squeeze %dma_wait3A_98 : memref<1x128xi32, #tpu.memory_space<vmem>> -> memref<128xi32, #tpu.memory_space<vmem>>
      %dma_wait3A_100 = arith.constant 0 : i32
      %dma_wait3A_101 = arith.constant 0 : i32
      %dma_wait3A_102 = tpu.memref_slice %arg16[%dma_wait3A_100, %dma_wait3A_101] : memref<10112x128xf32, #tpu.memory_space<vmem_shared>> -> memref<10112x128xf32, #tpu.memory_space<vmem_shared>>
      tpu.wait_indirect_dma semaphore(%run_scoped3A : memref<!tpu.dma_semaphore, #tpu.memory_space<semaphore_mem>>) src(%arg11 : memref<128x128xf32, #tpu.memory_space<vmem>>) dst(%dma_wait3A_102 : memref<10112x128xf32, #tpu.memory_space<vmem_shared>>)
      tpu.yield
    }) : () -> ()
    %barrier3A_83 = arith.constant 0 : index
    tpu.barrier barrier_id(%barrier3A_83)
    %mul3A_84 = arith.constant 632 : i32
    %mul3A_85 = arith.muli %arg1, %mul3A_84 : i32
    %mul3A_86 = arith.constant 10112 : i32
    %mul3A_87 = arith.muli %arg0, %mul3A_86 : i32
    %mul3A_88 = arith.constant 632 : i32
    %mul3A_89 = arith.muli %arg1, %mul3A_88 : i32
    %add3A_90 = arith.addi %mul3A_87, %mul3A_89 : i32
    "tpu.region"() ({
      %run_scoped3A = tpu.sem_alloc : memref<!tpu.dma_semaphore, #tpu.memory_space<semaphore_mem>>
      %dma_start3A_91 = arith.constant 0 : i32
      %dma_start3A_92 = tpu.memref_slice %arg6[%add3A_90, %dma_start3A_91] : memref<20224x128xf32, #tpu.memory_space<hbm>> -> memref<632x128xf32, #tpu.memory_space<hbm>>
      %dma_start3A_93 = arith.constant 0 : i32
      %dma_start3A_94 = tpu.memref_slice %arg16[%mul3A_85, %dma_start3A_93] : memref<10112x128xf32, #tpu.memory_space<vmem_shared>> -> memref<632x128xf32, #tpu.memory_space<vmem_shared>>
      tpu.enqueue_dma source(%dma_start3A_94 : memref<632x128xf32, #tpu.memory_space<vmem_shared>>) target(%dma_start3A_92 : memref<632x128xf32, #tpu.memory_space<hbm>>) target_semaphore(%run_scoped3A : memref<!tpu.dma_semaphore, #tpu.memory_space<semaphore_mem>>)
      %dma_wait3A_95 = arith.constant 0 : i32
      %dma_wait3A_96 = tpu.memref_slice %arg6[%add3A_90, %dma_wait3A_95] : memref<20224x128xf32, #tpu.memory_space<hbm>> -> memref<632x128xf32, #tpu.memory_space<hbm>>
      %dma_wait3A_97 = arith.constant 0 : i32
      %dma_wait3A_98 = tpu.memref_slice %arg16[%mul3A_85, %dma_wait3A_97] : memref<10112x128xf32, #tpu.memory_space<vmem_shared>> -> memref<632x128xf32, #tpu.memory_space<vmem_shared>>
      tpu.wait_dma2 semaphore(%run_scoped3A : memref<!tpu.dma_semaphore, #tpu.memory_space<semaphore_mem>>) src(%dma_wait3A_98 : memref<632x128xf32, #tpu.memory_space<vmem_shared>>) dst(%dma_wait3A_96 : memref<632x128xf32, #tpu.memory_space<hbm>>)
      tpu.yield
    }) : () -> ()
    return
  }
}

#map = affine_map<(d0, d1) -> (0, 0)>
#map1 = affine_map<(d0, d1) -> (0, 0, 0)>
module attributes {stable_mosaic.version = 14 : i64} {
  func.func @k(%arg0: i32, %arg1: i32, %arg2: memref<10000x128xf32, #tpu.memory_space<hbm>>, %arg3: memref<16x160x128xi32, #tpu.memory_space<hbm>>, %arg4: memref<16x160x128xi32, #tpu.memory_space<hbm>>, %arg5: memref<632x128xf32, #tpu.memory_space<hbm>>, %arg6: memref<20224x128xf32, #tpu.memory_space<hbm>>, %arg7: memref<120x128xi32, #tpu.memory_space<vmem>>, %arg8: memref<128xi32, #tpu.memory_space<vmem>>, %arg9: memref<128xi32, #tpu.memory_space<vmem>>, %arg10: memref<128x128xf32, #tpu.memory_space<vmem>>, %arg11: memref<128x128xf32, #tpu.memory_space<vmem>>, %arg12: memref<!tpu.dma_semaphore, #tpu.memory_space<semaphore_mem>>, %arg13: memref<!tpu.dma_semaphore, #tpu.memory_space<semaphore_mem>>, %arg14: memref<!tpu.dma_semaphore, #tpu.memory_space<semaphore_mem>>, %arg15: memref<!tpu.dma_semaphore, #tpu.memory_space<semaphore_mem>>, %arg16: memref<10112x128xf32, #tpu.memory_space<vmem_shared>>) attributes {dimension_semantics = [#tpu.dimension_semantics<core_parallel>, #tpu.dimension_semantics<subcore_parallel>], iteration_bounds = array<i64: 2, 16>, scalar_prefetch = 0 : i64, scratch_operands = 10 : i64, tpu.core_type = #tpu.core_type<sc_vector_subcore>, window_params = [{transform_indices = #map}, {transform_indices = #map1}, {transform_indices = #map1}, {transform_indices = #map}, {transform_indices = #map}]} {
    %eq3A = arith.constant 0 : i32
    %eq3A_0 = arith.cmpi eq, %arg0, %eq3A : i32
    %jit3A = arith.constant 120 : i32
    %jit3A_1 = arith.constant 40 : i32
    %select_n3A = arith.select %eq3A_0, %jit3A, %jit3A_1 : i32
    %mul3A = arith.constant 120 : i32
    %mul3A_2 = arith.muli %arg0, %mul3A : i32
    %mul3A_3 = arith.constant 80 : i32
    %mul3A_4 = arith.muli %arg0, %mul3A_3 : i32
    %mul3A_5 = arith.constant 632 : i32
    %mul3A_6 = arith.muli %arg1, %mul3A_5 : i32
    "tpu.region"() ({
      %run_scoped3A = tpu.sem_alloc : memref<!tpu.dma_semaphore, #tpu.memory_space<semaphore_mem>>
      %dma_start3A_91 = arith.constant 0 : i32
      %dma_start3A_92 = tpu.memref_slice %arg16[%mul3A_6, %dma_start3A_91] : memref<10112x128xf32, #tpu.memory_space<vmem_shared>> -> memref<632x128xf32, #tpu.memory_space<vmem_shared>>
      tpu.enqueue_dma source(%arg5 : memref<632x128xf32, #tpu.memory_space<hbm>>) target(%dma_start3A_92 : memref<632x128xf32, #tpu.memory_space<vmem_shared>>) target_semaphore(%run_scoped3A : memref<!tpu.dma_semaphore, #tpu.memory_space<semaphore_mem>>)
      %dma_wait3A_93 = arith.constant 0 : i32
      %dma_wait3A_94 = tpu.memref_slice %arg16[%mul3A_6, %dma_wait3A_93] : memref<10112x128xf32, #tpu.memory_space<vmem_shared>> -> memref<632x128xf32, #tpu.memory_space<vmem_shared>>
      tpu.wait_dma2 semaphore(%run_scoped3A : memref<!tpu.dma_semaphore, #tpu.memory_space<semaphore_mem>>) src(%arg5 : memref<632x128xf32, #tpu.memory_space<hbm>>) dst(%dma_wait3A_94 : memref<632x128xf32, #tpu.memory_space<vmem_shared>>)
      tpu.yield
    }) : () -> ()
    %mul3A_7 = arith.constant 40 : i32
    %mul3A_8 = arith.muli %arg0, %mul3A_7 : i32
    "tpu.region"() ({
      %run_scoped3A = tpu.sem_alloc : memref<!tpu.dma_semaphore, #tpu.memory_space<semaphore_mem>>
      %dma_start3A_91 = arith.constant 0 : i32
      %dma_start3A_92 = tpu.memref_slice %arg4[%arg1, %mul3A_8, %dma_start3A_91] : memref<16x160x128xi32, #tpu.memory_space<hbm>> -> memref<1x120x128xi32, #tpu.memory_space<hbm>>
      %dma_start3A_93 = tpu.memref_squeeze %dma_start3A_92 : memref<1x120x128xi32, #tpu.memory_space<hbm>> -> memref<120x128xi32, #tpu.memory_space<hbm>>
      %dma_start3A_94 = arith.constant 0 : i32
      %dma_start3A_95 = tpu.memref_slice %arg4[%arg1, %mul3A_8, %dma_start3A_94] : memref<16x160x128xi32, #tpu.memory_space<hbm>> -> memref<1x120x128xi32, #tpu.memory_space<hbm>>
      %dma_start3A_96 = tpu.memref_squeeze %dma_start3A_95 : memref<1x120x128xi32, #tpu.memory_space<hbm>> -> memref<120x128xi32, #tpu.memory_space<hbm>>
      tpu.enqueue_dma source(%dma_start3A_96 : memref<120x128xi32, #tpu.memory_space<hbm>>) target(%arg7 : memref<120x128xi32, #tpu.memory_space<vmem>>) target_semaphore(%run_scoped3A : memref<!tpu.dma_semaphore, #tpu.memory_space<semaphore_mem>>)
      %dma_wait3A_97 = arith.constant 0 : i32
      %dma_wait3A_98 = tpu.memref_slice %arg4[%arg1, %mul3A_8, %dma_wait3A_97] : memref<16x160x128xi32, #tpu.memory_space<hbm>> -> memref<1x120x128xi32, #tpu.memory_space<hbm>>
      %dma_wait3A_99 = tpu.memref_squeeze %dma_wait3A_98 : memref<1x120x128xi32, #tpu.memory_space<hbm>> -> memref<120x128xi32, #tpu.memory_space<hbm>>
      %dma_wait3A_100 = arith.constant 0 : i32
      %dma_wait3A_101 = tpu.memref_slice %arg4[%arg1, %mul3A_8, %dma_wait3A_100] : memref<16x160x128xi32, #tpu.memory_space<hbm>> -> memref<1x120x128xi32, #tpu.memory_space<hbm>>
      %dma_wait3A_102 = tpu.memref_squeeze %dma_wait3A_101 : memref<1x120x128xi32, #tpu.memory_space<hbm>> -> memref<120x128xi32, #tpu.memory_space<hbm>>
      tpu.wait_dma2 semaphore(%run_scoped3A : memref<!tpu.dma_semaphore, #tpu.memory_space<semaphore_mem>>) src(%dma_wait3A_102 : memref<120x128xi32, #tpu.memory_space<hbm>>) dst(%arg7 : memref<120x128xi32, #tpu.memory_space<vmem>>)
      tpu.yield
    }) : () -> ()
    %barrier3A = arith.constant 0 : index
    tpu.barrier barrier_id(%barrier3A)
    %add3A = arith.constant 0 : i32
    %add3A_9 = arith.addi %mul3A_2, %add3A : i32
    %dma_start3A = arith.constant 0 : i32
    %dma_start3A_10 = tpu.memref_slice %arg3[%arg1, %add3A_9, %dma_start3A] : memref<16x160x128xi32, #tpu.memory_space<hbm>> -> memref<1x1x128xi32, #tpu.memory_space<hbm>>
    %dma_start3A_11 = tpu.memref_squeeze %dma_start3A_10 : memref<1x1x128xi32, #tpu.memory_space<hbm>> -> memref<128xi32, #tpu.memory_space<hbm>>
    %dma_start3A_12 = arith.constant 0 : i32
    %dma_start3A_13 = tpu.memref_slice %arg3[%arg1, %add3A_9, %dma_start3A_12] : memref<16x160x128xi32, #tpu.memory_space<hbm>> -> memref<1x1x128xi32, #tpu.memory_space<hbm>>
    %dma_start3A_14 = tpu.memref_squeeze %dma_start3A_13 : memref<1x1x128xi32, #tpu.memory_space<hbm>> -> memref<128xi32, #tpu.memory_space<hbm>>
    tpu.enqueue_dma source(%dma_start3A_14 : memref<128xi32, #tpu.memory_space<hbm>>) target(%arg8 : memref<128xi32, #tpu.memory_space<vmem>>) target_semaphore(%arg12 : memref<!tpu.dma_semaphore, #tpu.memory_space<semaphore_mem>>)
    %add3A_15 = arith.constant 1 : i32
    %add3A_16 = arith.addi %mul3A_2, %add3A_15 : i32
    %dma_start3A_17 = arith.constant 0 : i32
    %dma_start3A_18 = tpu.memref_slice %arg3[%arg1, %add3A_16, %dma_start3A_17] : memref<16x160x128xi32, #tpu.memory_space<hbm>> -> memref<1x1x128xi32, #tpu.memory_space<hbm>>
    %dma_start3A_19 = tpu.memref_squeeze %dma_start3A_18 : memref<1x1x128xi32, #tpu.memory_space<hbm>> -> memref<128xi32, #tpu.memory_space<hbm>>
    %dma_start3A_20 = arith.constant 0 : i32
    %dma_start3A_21 = tpu.memref_slice %arg3[%arg1, %add3A_16, %dma_start3A_20] : memref<16x160x128xi32, #tpu.memory_space<hbm>> -> memref<1x1x128xi32, #tpu.memory_space<hbm>>
    %dma_start3A_22 = tpu.memref_squeeze %dma_start3A_21 : memref<1x1x128xi32, #tpu.memory_space<hbm>> -> memref<128xi32, #tpu.memory_space<hbm>>
    tpu.enqueue_dma source(%dma_start3A_22 : memref<128xi32, #tpu.memory_space<hbm>>) target(%arg9 : memref<128xi32, #tpu.memory_space<vmem>>) target_semaphore(%arg13 : memref<!tpu.dma_semaphore, #tpu.memory_space<semaphore_mem>>)
    %dma_wait3A = arith.constant 0 : i32
    %dma_wait3A_23 = arith.constant 0 : i32
    %dma_wait3A_24 = tpu.memref_slice %arg3[%arg1, %dma_wait3A, %dma_wait3A_23] : memref<16x160x128xi32, #tpu.memory_space<hbm>> -> memref<1x1x128xi32, #tpu.memory_space<hbm>>
    %dma_wait3A_25 = tpu.memref_squeeze %dma_wait3A_24 : memref<1x1x128xi32, #tpu.memory_space<hbm>> -> memref<128xi32, #tpu.memory_space<hbm>>
    %dma_wait3A_26 = arith.constant 0 : i32
    %dma_wait3A_27 = tpu.memref_slice %arg3[%arg1, %dma_wait3A, %dma_wait3A_26] : memref<16x160x128xi32, #tpu.memory_space<hbm>> -> memref<1x1x128xi32, #tpu.memory_space<hbm>>
    %dma_wait3A_28 = tpu.memref_squeeze %dma_wait3A_27 : memref<1x1x128xi32, #tpu.memory_space<hbm>> -> memref<128xi32, #tpu.memory_space<hbm>>
    tpu.wait_dma2 semaphore(%arg12 : memref<!tpu.dma_semaphore, #tpu.memory_space<semaphore_mem>>) src(%dma_wait3A_28 : memref<128xi32, #tpu.memory_space<hbm>>) dst(%arg8 : memref<128xi32, #tpu.memory_space<vmem>>)
    %dma_start3A_29 = arith.constant 0 : i32
    %dma_start3A_30 = arith.constant 0 : i32
    %dma_start3A_31 = tpu.memref_slice %arg2[%dma_start3A_29, %dma_start3A_30] : memref<10000x128xf32, #tpu.memory_space<hbm>> -> memref<10000x128xf32, #tpu.memory_space<hbm>>
    tpu.enqueue_indirect_dma source(%dma_start3A_31 : memref<10000x128xf32, #tpu.memory_space<hbm>>) target(%arg10 : memref<128x128xf32, #tpu.memory_space<vmem>>) offsets(%arg8 : memref<128xi32, #tpu.memory_space<vmem>>) semaphore(%arg14 : memref<!tpu.dma_semaphore, #tpu.memory_space<semaphore_mem>>)
    %jit3A_32 = arith.constant 2 : i32
    %div3A = arith.divsi %select_n3A, %jit3A_32 : i32
    %sign3A = arith.constant 0 : i32
    %sign3A_33 = arith.cmpi sgt, %select_n3A, %sign3A : i32
    %sign3A_34 = arith.extui %sign3A_33 : i1 to i32
    %sign3A_35 = arith.constant 0 : i32
    %sign3A_36 = arith.cmpi slt, %select_n3A, %sign3A_35 : i32
    %sign3A_37 = arith.extui %sign3A_36 : i1 to i32
    %sign3A_38 = arith.subi %sign3A_34, %sign3A_37 : i32
    %sign3A_39 = arith.constant 0 : i32
    %sign3A_40 = arith.cmpi sgt, %jit3A_32, %sign3A_39 : i32
    %sign3A_41 = arith.extui %sign3A_40 : i1 to i32
    %sign3A_42 = arith.constant 0 : i32
    %sign3A_43 = arith.cmpi slt, %jit3A_32, %sign3A_42 : i32
    %sign3A_44 = arith.extui %sign3A_43 : i1 to i32
    %sign3A_45 = arith.subi %sign3A_41, %sign3A_44 : i32
    %ne3A = arith.cmpi ne, %sign3A_38, %sign3A_45 : i32
    %rem3A = arith.remsi %select_n3A, %jit3A_32 : i32
    %ne3A_46 = arith.constant 0 : i32
    %ne3A_47 = arith.cmpi ne, %rem3A, %ne3A_46 : i32
    %and3A = arith.andi %ne3A, %ne3A_47 : i1
    %sub3A = arith.constant 1 : i32
    %sub3A_48 = arith.subi %div3A, %sub3A : i32
    %select_n3A_49 = arith.select %and3A, %sub3A_48, %div3A : i32
    %sub3A_50 = arith.constant 1 : i32
    %sub3A_51 = arith.subi %select_n3A_49, %sub3A_50 : i32
    %while3A = arith.constant 0 : i32
    %while3A_52 = arith.constant 0 : i32
    %while3A_53 = arith.subi %sub3A_51, %while3A_52 : i32
    %while3A_54 = arith.addi %while3A_52, %while3A_53 : i32
    %while3A_55 = arith.constant 1 : i32
    %while3A_56 = arith.divsi %while3A_53, %while3A_55 : i32
    %while3A_57 = arith.muli %while3A_56, %while3A_55 : i32
    %while3A_58 = arith.addi %while3A_52, %while3A_57 : i32
    %while3A_59 = arith.constant 1 : i32
    scf.for %while3A_91 = %while3A_52 to %while3A_58 step %while3A_59  : i32 {
      %mul3A_92 = arith.constant 2 : i32
      %mul3A_93 = arith.muli %mul3A_92, %while3A_91 : i32
      %dma_wait3A_94 = arith.constant 0 : i32
      %dma_wait3A_95 = arith.constant 0 : i32
      %dma_wait3A_96 = tpu.memref_slice %arg3[%arg1, %dma_wait3A_94, %dma_wait3A_95] : memref<16x160x128xi32, #tpu.memory_space<hbm>> -> memref<1x1x128xi32, #tpu.memory_space<hbm>>
      %dma_wait3A_97 = tpu.memref_squeeze %dma_wait3A_96 : memref<1x1x128xi32, #tpu.memory_space<hbm>> -> memref<128xi32, #tpu.memory_space<hbm>>
      %dma_wait3A_98 = arith.constant 0 : i32
      %dma_wait3A_99 = tpu.memref_slice %arg3[%arg1, %dma_wait3A_94, %dma_wait3A_98] : memref<16x160x128xi32, #tpu.memory_space<hbm>> -> memref<1x1x128xi32, #tpu.memory_space<hbm>>
      %dma_wait3A_100 = tpu.memref_squeeze %dma_wait3A_99 : memref<1x1x128xi32, #tpu.memory_space<hbm>> -> memref<128xi32, #tpu.memory_space<hbm>>
      tpu.wait_dma2 semaphore(%arg13 : memref<!tpu.dma_semaphore, #tpu.memory_space<semaphore_mem>>) src(%dma_wait3A_100 : memref<128xi32, #tpu.memory_space<hbm>>) dst(%arg9 : memref<128xi32, #tpu.memory_space<vmem>>)
      %dma_wait3A_101 = arith.constant 0 : i32
      %dma_wait3A_102 = arith.constant 0 : i32
      %dma_wait3A_103 = tpu.memref_slice %arg2[%dma_wait3A_101, %dma_wait3A_102] : memref<10000x128xf32, #tpu.memory_space<hbm>> -> memref<10000x128xf32, #tpu.memory_space<hbm>>
      tpu.wait_indirect_dma semaphore(%arg14 : memref<!tpu.dma_semaphore, #tpu.memory_space<semaphore_mem>>) src(%dma_wait3A_103 : memref<10000x128xf32, #tpu.memory_space<hbm>>) dst(%arg10 : memref<128x128xf32, #tpu.memory_space<vmem>>)
      %dma_start3A_104 = arith.constant 0 : i32
      %dma_start3A_105 = arith.constant 0 : i32
      %dma_start3A_106 = tpu.memref_slice %arg2[%dma_start3A_104, %dma_start3A_105] : memref<10000x128xf32, #tpu.memory_space<hbm>> -> memref<10000x128xf32, #tpu.memory_space<hbm>>
      tpu.enqueue_indirect_dma source(%dma_start3A_106 : memref<10000x128xf32, #tpu.memory_space<hbm>>) target(%arg11 : memref<128x128xf32, #tpu.memory_space<vmem>>) offsets(%arg9 : memref<128xi32, #tpu.memory_space<vmem>>) semaphore(%arg15 : memref<!tpu.dma_semaphore, #tpu.memory_space<semaphore_mem>>)
      %add3A_107 = arith.constant 2 : i32
      %add3A_108 = arith.addi %mul3A_93, %add3A_107 : i32
      %add3A_109 = arith.addi %mul3A_2, %add3A_108 : i32
      %dma_start3A_110 = arith.constant 0 : i32
      %dma_start3A_111 = tpu.memref_slice %arg3[%arg1, %add3A_109, %dma_start3A_110] : memref<16x160x128xi32, #tpu.memory_space<hbm>> -> memref<1x1x128xi32, #tpu.memory_space<hbm>>
      %dma_start3A_112 = tpu.memref_squeeze %dma_start3A_111 : memref<1x1x128xi32, #tpu.memory_space<hbm>> -> memref<128xi32, #tpu.memory_space<hbm>>
      %dma_start3A_113 = arith.constant 0 : i32
      %dma_start3A_114 = tpu.memref_slice %arg3[%arg1, %add3A_109, %dma_start3A_113] : memref<16x160x128xi32, #tpu.memory_space<hbm>> -> memref<1x1x128xi32, #tpu.memory_space<hbm>>
      %dma_start3A_115 = tpu.memref_squeeze %dma_start3A_114 : memref<1x1x128xi32, #tpu.memory_space<hbm>> -> memref<128xi32, #tpu.memory_space<hbm>>
      tpu.enqueue_dma source(%dma_start3A_115 : memref<128xi32, #tpu.memory_space<hbm>>) target(%arg8 : memref<128xi32, #tpu.memory_space<vmem>>) target_semaphore(%arg12 : memref<!tpu.dma_semaphore, #tpu.memory_space<semaphore_mem>>)
      %add3A_116 = arith.addi %mul3A_4, %mul3A_93 : i32
      "tpu.region"() ({
        %run_scoped3A = tpu.sem_alloc : memref<!tpu.dma_semaphore, #tpu.memory_space<semaphore_mem>>
        %dma_start3A_142 = arith.constant 0 : i32
        %dma_start3A_143 = tpu.memref_slice %arg7[%add3A_116, %dma_start3A_142] : memref<120x128xi32, #tpu.memory_space<vmem>> -> memref<1x128xi32, #tpu.memory_space<vmem>>
        %dma_start3A_144 = tpu.memref_squeeze %dma_start3A_143 : memref<1x128xi32, #tpu.memory_space<vmem>> -> memref<128xi32, #tpu.memory_space<vmem>>
        %dma_start3A_145 = arith.constant 0 : i32
        %dma_start3A_146 = arith.constant 0 : i32
        %dma_start3A_147 = tpu.memref_slice %arg16[%dma_start3A_145, %dma_start3A_146] : memref<10112x128xf32, #tpu.memory_space<vmem_shared>> -> memref<10112x128xf32, #tpu.memory_space<vmem_shared>>
        tpu.enqueue_indirect_dma source(%arg10 : memref<128x128xf32, #tpu.memory_space<vmem>>) target(%dma_start3A_147 : memref<10112x128xf32, #tpu.memory_space<vmem_shared>>) offsets(%dma_start3A_144 : memref<128xi32, #tpu.memory_space<vmem>>) semaphore(%run_scoped3A : memref<!tpu.dma_semaphore, #tpu.memory_space<semaphore_mem>>) {add = true}
        %dma_wait3A_148 = arith.constant 0 : i32
        %dma_wait3A_149 = tpu.memref_slice %arg7[%add3A_116, %dma_wait3A_148] : memref<120x128xi32, #tpu.memory_space<vmem>> -> memref<1x128xi32, #tpu.memory_space<vmem>>
        %dma_wait3A_150 = tpu.memref_squeeze %dma_wait3A_149 : memref<1x128xi32, #tpu.memory_space<vmem>> -> memref<128xi32, #tpu.memory_space<vmem>>
        %dma_wait3A_151 = arith.constant 0 : i32
        %dma_wait3A_152 = arith.constant 0 : i32
        %dma_wait3A_153 = tpu.memref_slice %arg16[%dma_wait3A_151, %dma_wait3A_152] : memref<10112x128xf32, #tpu.memory_space<vmem_shared>> -> memref<10112x128xf32, #tpu.memory_space<vmem_shared>>
        tpu.wait_indirect_dma semaphore(%run_scoped3A : memref<!tpu.dma_semaphore, #tpu.memory_space<semaphore_mem>>) src(%arg10 : memref<128x128xf32, #tpu.memory_space<vmem>>) dst(%dma_wait3A_153 : memref<10112x128xf32, #tpu.memory_space<vmem_shared>>)
        tpu.yield
      }) : () -> ()
      %dma_wait3A_117 = arith.constant 0 : i32
      %dma_wait3A_118 = arith.constant 0 : i32
      %dma_wait3A_119 = tpu.memref_slice %arg3[%arg1, %dma_wait3A_117, %dma_wait3A_118] : memref<16x160x128xi32, #tpu.memory_space<hbm>> -> memref<1x1x128xi32, #tpu.memory_space<hbm>>
      %dma_wait3A_120 = tpu.memref_squeeze %dma_wait3A_119 : memref<1x1x128xi32, #tpu.memory_space<hbm>> -> memref<128xi32, #tpu.memory_space<hbm>>
      %dma_wait3A_121 = arith.constant 0 : i32
      %dma_wait3A_122 = tpu.memref_slice %arg3[%arg1, %dma_wait3A_117, %dma_wait3A_121] : memref<16x160x128xi32, #tpu.memory_space<hbm>> -> memref<1x1x128xi32, #tpu.memory_space<hbm>>
      %dma_wait3A_123 = tpu.memref_squeeze %dma_wait3A_122 : memref<1x1x128xi32, #tpu.memory_space<hbm>> -> memref<128xi32, #tpu.memory_space<hbm>>
      tpu.wait_dma2 semaphore(%arg12 : memref<!tpu.dma_semaphore, #tpu.memory_space<semaphore_mem>>) src(%dma_wait3A_123 : memref<128xi32, #tpu.memory_space<hbm>>) dst(%arg8 : memref<128xi32, #tpu.memory_space<vmem>>)
      %dma_wait3A_124 = arith.constant 0 : i32
      %dma_wait3A_125 = arith.constant 0 : i32
      %dma_wait3A_126 = tpu.memref_slice %arg2[%dma_wait3A_124, %dma_wait3A_125] : memref<10000x128xf32, #tpu.memory_space<hbm>> -> memref<10000x128xf32, #tpu.memory_space<hbm>>
      tpu.wait_indirect_dma semaphore(%arg15 : memref<!tpu.dma_semaphore, #tpu.memory_space<semaphore_mem>>) src(%dma_wait3A_126 : memref<10000x128xf32, #tpu.memory_space<hbm>>) dst(%arg11 : memref<128x128xf32, #tpu.memory_space<vmem>>)
      %dma_start3A_127 = arith.constant 0 : i32
      %dma_start3A_128 = arith.constant 0 : i32
      %dma_start3A_129 = tpu.memref_slice %arg2[%dma_start3A_127, %dma_start3A_128] : memref<10000x128xf32, #tpu.memory_space<hbm>> -> memref<10000x128xf32, #tpu.memory_space<hbm>>
      tpu.enqueue_indirect_dma source(%dma_start3A_129 : memref<10000x128xf32, #tpu.memory_space<hbm>>) target(%arg10 : memref<128x128xf32, #tpu.memory_space<vmem>>) offsets(%arg8 : memref<128xi32, #tpu.memory_space<vmem>>) semaphore(%arg14 : memref<!tpu.dma_semaphore, #tpu.memory_space<semaphore_mem>>)
      %add3A_130 = arith.constant 3 : i32
      %add3A_131 = arith.addi %mul3A_93, %add3A_130 : i32
      %add3A_132 = arith.addi %mul3A_2, %add3A_131 : i32
      %dma_start3A_133 = arith.constant 0 : i32
      %dma_start3A_134 = tpu.memref_slice %arg3[%arg1, %add3A_132, %dma_start3A_133] : memref<16x160x128xi32, #tpu.memory_space<hbm>> -> memref<1x1x128xi32, #tpu.memory_space<hbm>>
      %dma_start3A_135 = tpu.memref_squeeze %dma_start3A_134 : memref<1x1x128xi32, #tpu.memory_space<hbm>> -> memref<128xi32, #tpu.memory_space<hbm>>
      %dma_start3A_136 = arith.constant 0 : i32
      %dma_start3A_137 = tpu.memref_slice %arg3[%arg1, %add3A_132, %dma_start3A_136] : memref<16x160x128xi32, #tpu.memory_space<hbm>> -> memref<1x1x128xi32, #tpu.memory_space<hbm>>
      %dma_start3A_138 = tpu.memref_squeeze %dma_start3A_137 : memref<1x1x128xi32, #tpu.memory_space<hbm>> -> memref<128xi32, #tpu.memory_space<hbm>>
      tpu.enqueue_dma source(%dma_start3A_138 : memref<128xi32, #tpu.memory_space<hbm>>) target(%arg9 : memref<128xi32, #tpu.memory_space<vmem>>) target_semaphore(%arg13 : memref<!tpu.dma_semaphore, #tpu.memory_space<semaphore_mem>>)
      %add3A_139 = arith.constant 1 : i32
      %add3A_140 = arith.addi %mul3A_93, %add3A_139 : i32
      %add3A_141 = arith.addi %mul3A_4, %add3A_140 : i32
      "tpu.region"() ({
        %run_scoped3A = tpu.sem_alloc : memref<!tpu.dma_semaphore, #tpu.memory_space<semaphore_mem>>
        %dma_start3A_142 = arith.constant 0 : i32
        %dma_start3A_143 = tpu.memref_slice %arg7[%add3A_141, %dma_start3A_142] : memref<120x128xi32, #tpu.memory_space<vmem>> -> memref<1x128xi32, #tpu.memory_space<vmem>>
        %dma_start3A_144 = tpu.memref_squeeze %dma_start3A_143 : memref<1x128xi32, #tpu.memory_space<vmem>> -> memref<128xi32, #tpu.memory_space<vmem>>
        %dma_start3A_145 = arith.constant 0 : i32
        %dma_start3A_146 = arith.constant 0 : i32
        %dma_start3A_147 = tpu.memref_slice %arg16[%dma_start3A_145, %dma_start3A_146] : memref<10112x128xf32, #tpu.memory_space<vmem_shared>> -> memref<10112x128xf32, #tpu.memory_space<vmem_shared>>
        tpu.enqueue_indirect_dma source(%arg11 : memref<128x128xf32, #tpu.memory_space<vmem>>) target(%dma_start3A_147 : memref<10112x128xf32, #tpu.memory_space<vmem_shared>>) offsets(%dma_start3A_144 : memref<128xi32, #tpu.memory_space<vmem>>) semaphore(%run_scoped3A : memref<!tpu.dma_semaphore, #tpu.memory_space<semaphore_mem>>) {add = true}
        %dma_wait3A_148 = arith.constant 0 : i32
        %dma_wait3A_149 = tpu.memref_slice %arg7[%add3A_141, %dma_wait3A_148] : memref<120x128xi32, #tpu.memory_space<vmem>> -> memref<1x128xi32, #tpu.memory_space<vmem>>
        %dma_wait3A_150 = tpu.memref_squeeze %dma_wait3A_149 : memref<1x128xi32, #tpu.memory_space<vmem>> -> memref<128xi32, #tpu.memory_space<vmem>>
        %dma_wait3A_151 = arith.constant 0 : i32
        %dma_wait3A_152 = arith.constant 0 : i32
        %dma_wait3A_153 = tpu.memref_slice %arg16[%dma_wait3A_151, %dma_wait3A_152] : memref<10112x128xf32, #tpu.memory_space<vmem_shared>> -> memref<10112x128xf32, #tpu.memory_space<vmem_shared>>
        tpu.wait_indirect_dma semaphore(%run_scoped3A : memref<!tpu.dma_semaphore, #tpu.memory_space<semaphore_mem>>) src(%arg11 : memref<128x128xf32, #tpu.memory_space<vmem>>) dst(%dma_wait3A_153 : memref<10112x128xf32, #tpu.memory_space<vmem_shared>>)
        tpu.yield
      }) : () -> ()
    }
    %while3A_60 = arith.constant 1 : i32
    scf.for %while3A_91 = %while3A_58 to %while3A_54 step %while3A_60  : i32 {
      %mul3A_92 = arith.constant 2 : i32
      %mul3A_93 = arith.muli %mul3A_92, %while3A_91 : i32
      %dma_wait3A_94 = arith.constant 0 : i32
      %dma_wait3A_95 = arith.constant 0 : i32
      %dma_wait3A_96 = tpu.memref_slice %arg3[%arg1, %dma_wait3A_94, %dma_wait3A_95] : memref<16x160x128xi32, #tpu.memory_space<hbm>> -> memref<1x1x128xi32, #tpu.memory_space<hbm>>
      %dma_wait3A_97 = tpu.memref_squeeze %dma_wait3A_96 : memref<1x1x128xi32, #tpu.memory_space<hbm>> -> memref<128xi32, #tpu.memory_space<hbm>>
      %dma_wait3A_98 = arith.constant 0 : i32
      %dma_wait3A_99 = tpu.memref_slice %arg3[%arg1, %dma_wait3A_94, %dma_wait3A_98] : memref<16x160x128xi32, #tpu.memory_space<hbm>> -> memref<1x1x128xi32, #tpu.memory_space<hbm>>
      %dma_wait3A_100 = tpu.memref_squeeze %dma_wait3A_99 : memref<1x1x128xi32, #tpu.memory_space<hbm>> -> memref<128xi32, #tpu.memory_space<hbm>>
      tpu.wait_dma2 semaphore(%arg13 : memref<!tpu.dma_semaphore, #tpu.memory_space<semaphore_mem>>) src(%dma_wait3A_100 : memref<128xi32, #tpu.memory_space<hbm>>) dst(%arg9 : memref<128xi32, #tpu.memory_space<vmem>>)
      %dma_wait3A_101 = arith.constant 0 : i32
      %dma_wait3A_102 = arith.constant 0 : i32
      %dma_wait3A_103 = tpu.memref_slice %arg2[%dma_wait3A_101, %dma_wait3A_102] : memref<10000x128xf32, #tpu.memory_space<hbm>> -> memref<10000x128xf32, #tpu.memory_space<hbm>>
      tpu.wait_indirect_dma semaphore(%arg14 : memref<!tpu.dma_semaphore, #tpu.memory_space<semaphore_mem>>) src(%dma_wait3A_103 : memref<10000x128xf32, #tpu.memory_space<hbm>>) dst(%arg10 : memref<128x128xf32, #tpu.memory_space<vmem>>)
      %dma_start3A_104 = arith.constant 0 : i32
      %dma_start3A_105 = arith.constant 0 : i32
      %dma_start3A_106 = tpu.memref_slice %arg2[%dma_start3A_104, %dma_start3A_105] : memref<10000x128xf32, #tpu.memory_space<hbm>> -> memref<10000x128xf32, #tpu.memory_space<hbm>>
      tpu.enqueue_indirect_dma source(%dma_start3A_106 : memref<10000x128xf32, #tpu.memory_space<hbm>>) target(%arg11 : memref<128x128xf32, #tpu.memory_space<vmem>>) offsets(%arg9 : memref<128xi32, #tpu.memory_space<vmem>>) semaphore(%arg15 : memref<!tpu.dma_semaphore, #tpu.memory_space<semaphore_mem>>)
      %add3A_107 = arith.constant 2 : i32
      %add3A_108 = arith.addi %mul3A_93, %add3A_107 : i32
      %add3A_109 = arith.addi %mul3A_2, %add3A_108 : i32
      %dma_start3A_110 = arith.constant 0 : i32
      %dma_start3A_111 = tpu.memref_slice %arg3[%arg1, %add3A_109, %dma_start3A_110] : memref<16x160x128xi32, #tpu.memory_space<hbm>> -> memref<1x1x128xi32, #tpu.memory_space<hbm>>
      %dma_start3A_112 = tpu.memref_squeeze %dma_start3A_111 : memref<1x1x128xi32, #tpu.memory_space<hbm>> -> memref<128xi32, #tpu.memory_space<hbm>>
      %dma_start3A_113 = arith.constant 0 : i32
      %dma_start3A_114 = tpu.memref_slice %arg3[%arg1, %add3A_109, %dma_start3A_113] : memref<16x160x128xi32, #tpu.memory_space<hbm>> -> memref<1x1x128xi32, #tpu.memory_space<hbm>>
      %dma_start3A_115 = tpu.memref_squeeze %dma_start3A_114 : memref<1x1x128xi32, #tpu.memory_space<hbm>> -> memref<128xi32, #tpu.memory_space<hbm>>
      tpu.enqueue_dma source(%dma_start3A_115 : memref<128xi32, #tpu.memory_space<hbm>>) target(%arg8 : memref<128xi32, #tpu.memory_space<vmem>>) target_semaphore(%arg12 : memref<!tpu.dma_semaphore, #tpu.memory_space<semaphore_mem>>)
      %add3A_116 = arith.addi %mul3A_4, %mul3A_93 : i32
      "tpu.region"() ({
        %run_scoped3A = tpu.sem_alloc : memref<!tpu.dma_semaphore, #tpu.memory_space<semaphore_mem>>
        %dma_start3A_142 = arith.constant 0 : i32
        %dma_start3A_143 = tpu.memref_slice %arg7[%add3A_116, %dma_start3A_142] : memref<120x128xi32, #tpu.memory_space<vmem>> -> memref<1x128xi32, #tpu.memory_space<vmem>>
        %dma_start3A_144 = tpu.memref_squeeze %dma_start3A_143 : memref<1x128xi32, #tpu.memory_space<vmem>> -> memref<128xi32, #tpu.memory_space<vmem>>
        %dma_start3A_145 = arith.constant 0 : i32
        %dma_start3A_146 = arith.constant 0 : i32
        %dma_start3A_147 = tpu.memref_slice %arg16[%dma_start3A_145, %dma_start3A_146] : memref<10112x128xf32, #tpu.memory_space<vmem_shared>> -> memref<10112x128xf32, #tpu.memory_space<vmem_shared>>
        tpu.enqueue_indirect_dma source(%arg10 : memref<128x128xf32, #tpu.memory_space<vmem>>) target(%dma_start3A_147 : memref<10112x128xf32, #tpu.memory_space<vmem_shared>>) offsets(%dma_start3A_144 : memref<128xi32, #tpu.memory_space<vmem>>) semaphore(%run_scoped3A : memref<!tpu.dma_semaphore, #tpu.memory_space<semaphore_mem>>) {add = true}
        %dma_wait3A_148 = arith.constant 0 : i32
        %dma_wait3A_149 = tpu.memref_slice %arg7[%add3A_116, %dma_wait3A_148] : memref<120x128xi32, #tpu.memory_space<vmem>> -> memref<1x128xi32, #tpu.memory_space<vmem>>
        %dma_wait3A_150 = tpu.memref_squeeze %dma_wait3A_149 : memref<1x128xi32, #tpu.memory_space<vmem>> -> memref<128xi32, #tpu.memory_space<vmem>>
        %dma_wait3A_151 = arith.constant 0 : i32
        %dma_wait3A_152 = arith.constant 0 : i32
        %dma_wait3A_153 = tpu.memref_slice %arg16[%dma_wait3A_151, %dma_wait3A_152] : memref<10112x128xf32, #tpu.memory_space<vmem_shared>> -> memref<10112x128xf32, #tpu.memory_space<vmem_shared>>
        tpu.wait_indirect_dma semaphore(%run_scoped3A : memref<!tpu.dma_semaphore, #tpu.memory_space<semaphore_mem>>) src(%arg10 : memref<128x128xf32, #tpu.memory_space<vmem>>) dst(%dma_wait3A_153 : memref<10112x128xf32, #tpu.memory_space<vmem_shared>>)
        tpu.yield
      }) : () -> ()
      %dma_wait3A_117 = arith.constant 0 : i32
      %dma_wait3A_118 = arith.constant 0 : i32
      %dma_wait3A_119 = tpu.memref_slice %arg3[%arg1, %dma_wait3A_117, %dma_wait3A_118] : memref<16x160x128xi32, #tpu.memory_space<hbm>> -> memref<1x1x128xi32, #tpu.memory_space<hbm>>
      %dma_wait3A_120 = tpu.memref_squeeze %dma_wait3A_119 : memref<1x1x128xi32, #tpu.memory_space<hbm>> -> memref<128xi32, #tpu.memory_space<hbm>>
      %dma_wait3A_121 = arith.constant 0 : i32
      %dma_wait3A_122 = tpu.memref_slice %arg3[%arg1, %dma_wait3A_117, %dma_wait3A_121] : memref<16x160x128xi32, #tpu.memory_space<hbm>> -> memref<1x1x128xi32, #tpu.memory_space<hbm>>
      %dma_wait3A_123 = tpu.memref_squeeze %dma_wait3A_122 : memref<1x1x128xi32, #tpu.memory_space<hbm>> -> memref<128xi32, #tpu.memory_space<hbm>>
      tpu.wait_dma2 semaphore(%arg12 : memref<!tpu.dma_semaphore, #tpu.memory_space<semaphore_mem>>) src(%dma_wait3A_123 : memref<128xi32, #tpu.memory_space<hbm>>) dst(%arg8 : memref<128xi32, #tpu.memory_space<vmem>>)
      %dma_wait3A_124 = arith.constant 0 : i32
      %dma_wait3A_125 = arith.constant 0 : i32
      %dma_wait3A_126 = tpu.memref_slice %arg2[%dma_wait3A_124, %dma_wait3A_125] : memref<10000x128xf32, #tpu.memory_space<hbm>> -> memref<10000x128xf32, #tpu.memory_space<hbm>>
      tpu.wait_indirect_dma semaphore(%arg15 : memref<!tpu.dma_semaphore, #tpu.memory_space<semaphore_mem>>) src(%dma_wait3A_126 : memref<10000x128xf32, #tpu.memory_space<hbm>>) dst(%arg11 : memref<128x128xf32, #tpu.memory_space<vmem>>)
      %dma_start3A_127 = arith.constant 0 : i32
      %dma_start3A_128 = arith.constant 0 : i32
      %dma_start3A_129 = tpu.memref_slice %arg2[%dma_start3A_127, %dma_start3A_128] : memref<10000x128xf32, #tpu.memory_space<hbm>> -> memref<10000x128xf32, #tpu.memory_space<hbm>>
      tpu.enqueue_indirect_dma source(%dma_start3A_129 : memref<10000x128xf32, #tpu.memory_space<hbm>>) target(%arg10 : memref<128x128xf32, #tpu.memory_space<vmem>>) offsets(%arg8 : memref<128xi32, #tpu.memory_space<vmem>>) semaphore(%arg14 : memref<!tpu.dma_semaphore, #tpu.memory_space<semaphore_mem>>)
      %add3A_130 = arith.constant 3 : i32
      %add3A_131 = arith.addi %mul3A_93, %add3A_130 : i32
      %add3A_132 = arith.addi %mul3A_2, %add3A_131 : i32
      %dma_start3A_133 = arith.constant 0 : i32
      %dma_start3A_134 = tpu.memref_slice %arg3[%arg1, %add3A_132, %dma_start3A_133] : memref<16x160x128xi32, #tpu.memory_space<hbm>> -> memref<1x1x128xi32, #tpu.memory_space<hbm>>
      %dma_start3A_135 = tpu.memref_squeeze %dma_start3A_134 : memref<1x1x128xi32, #tpu.memory_space<hbm>> -> memref<128xi32, #tpu.memory_space<hbm>>
      %dma_start3A_136 = arith.constant 0 : i32
      %dma_start3A_137 = tpu.memref_slice %arg3[%arg1, %add3A_132, %dma_start3A_136] : memref<16x160x128xi32, #tpu.memory_space<hbm>> -> memref<1x1x128xi32, #tpu.memory_space<hbm>>
      %dma_start3A_138 = tpu.memref_squeeze %dma_start3A_137 : memref<1x1x128xi32, #tpu.memory_space<hbm>> -> memref<128xi32, #tpu.memory_space<hbm>>
      tpu.enqueue_dma source(%dma_start3A_138 : memref<128xi32, #tpu.memory_space<hbm>>) target(%arg9 : memref<128xi32, #tpu.memory_space<vmem>>) target_semaphore(%arg13 : memref<!tpu.dma_semaphore, #tpu.memory_space<semaphore_mem>>)
      %add3A_139 = arith.constant 1 : i32
      %add3A_140 = arith.addi %mul3A_93, %add3A_139 : i32
      %add3A_141 = arith.addi %mul3A_4, %add3A_140 : i32
      "tpu.region"() ({
        %run_scoped3A = tpu.sem_alloc : memref<!tpu.dma_semaphore, #tpu.memory_space<semaphore_mem>>
        %dma_start3A_142 = arith.constant 0 : i32
        %dma_start3A_143 = tpu.memref_slice %arg7[%add3A_141, %dma_start3A_142] : memref<120x128xi32, #tpu.memory_space<vmem>> -> memref<1x128xi32, #tpu.memory_space<vmem>>
        %dma_start3A_144 = tpu.memref_squeeze %dma_start3A_143 : memref<1x128xi32, #tpu.memory_space<vmem>> -> memref<128xi32, #tpu.memory_space<vmem>>
        %dma_start3A_145 = arith.constant 0 : i32
        %dma_start3A_146 = arith.constant 0 : i32
        %dma_start3A_147 = tpu.memref_slice %arg16[%dma_start3A_145, %dma_start3A_146] : memref<10112x128xf32, #tpu.memory_space<vmem_shared>> -> memref<10112x128xf32, #tpu.memory_space<vmem_shared>>
        tpu.enqueue_indirect_dma source(%arg11 : memref<128x128xf32, #tpu.memory_space<vmem>>) target(%dma_start3A_147 : memref<10112x128xf32, #tpu.memory_space<vmem_shared>>) offsets(%dma_start3A_144 : memref<128xi32, #tpu.memory_space<vmem>>) semaphore(%run_scoped3A : memref<!tpu.dma_semaphore, #tpu.memory_space<semaphore_mem>>) {add = true}
        %dma_wait3A_148 = arith.constant 0 : i32
        %dma_wait3A_149 = tpu.memref_slice %arg7[%add3A_141, %dma_wait3A_148] : memref<120x128xi32, #tpu.memory_space<vmem>> -> memref<1x128xi32, #tpu.memory_space<vmem>>
        %dma_wait3A_150 = tpu.memref_squeeze %dma_wait3A_149 : memref<1x128xi32, #tpu.memory_space<vmem>> -> memref<128xi32, #tpu.memory_space<vmem>>
        %dma_wait3A_151 = arith.constant 0 : i32
        %dma_wait3A_152 = arith.constant 0 : i32
        %dma_wait3A_153 = tpu.memref_slice %arg16[%dma_wait3A_151, %dma_wait3A_152] : memref<10112x128xf32, #tpu.memory_space<vmem_shared>> -> memref<10112x128xf32, #tpu.memory_space<vmem_shared>>
        tpu.wait_indirect_dma semaphore(%run_scoped3A : memref<!tpu.dma_semaphore, #tpu.memory_space<semaphore_mem>>) src(%arg11 : memref<128x128xf32, #tpu.memory_space<vmem>>) dst(%dma_wait3A_153 : memref<10112x128xf32, #tpu.memory_space<vmem_shared>>)
        tpu.yield
      }) : () -> ()
    }
    %sub3A_61 = arith.constant 2 : i32
    %sub3A_62 = arith.subi %select_n3A, %sub3A_61 : i32
    %dma_wait3A_63 = arith.constant 0 : i32
    %dma_wait3A_64 = arith.constant 0 : i32
    %dma_wait3A_65 = tpu.memref_slice %arg3[%arg1, %dma_wait3A_63, %dma_wait3A_64] : memref<16x160x128xi32, #tpu.memory_space<hbm>> -> memref<1x1x128xi32, #tpu.memory_space<hbm>>
    %dma_wait3A_66 = tpu.memref_squeeze %dma_wait3A_65 : memref<1x1x128xi32, #tpu.memory_space<hbm>> -> memref<128xi32, #tpu.memory_space<hbm>>
    %dma_wait3A_67 = arith.constant 0 : i32
    %dma_wait3A_68 = tpu.memref_slice %arg3[%arg1, %dma_wait3A_63, %dma_wait3A_67] : memref<16x160x128xi32, #tpu.memory_space<hbm>> -> memref<1x1x128xi32, #tpu.memory_space<hbm>>
    %dma_wait3A_69 = tpu.memref_squeeze %dma_wait3A_68 : memref<1x1x128xi32, #tpu.memory_space<hbm>> -> memref<128xi32, #tpu.memory_space<hbm>>
    tpu.wait_dma2 semaphore(%arg13 : memref<!tpu.dma_semaphore, #tpu.memory_space<semaphore_mem>>) src(%dma_wait3A_69 : memref<128xi32, #tpu.memory_space<hbm>>) dst(%arg9 : memref<128xi32, #tpu.memory_space<vmem>>)
    %dma_wait3A_70 = arith.constant 0 : i32
    %dma_wait3A_71 = arith.constant 0 : i32
    %dma_wait3A_72 = tpu.memref_slice %arg2[%dma_wait3A_70, %dma_wait3A_71] : memref<10000x128xf32, #tpu.memory_space<hbm>> -> memref<10000x128xf32, #tpu.memory_space<hbm>>
    tpu.wait_indirect_dma semaphore(%arg14 : memref<!tpu.dma_semaphore, #tpu.memory_space<semaphore_mem>>) src(%dma_wait3A_72 : memref<10000x128xf32, #tpu.memory_space<hbm>>) dst(%arg10 : memref<128x128xf32, #tpu.memory_space<vmem>>)
    %dma_start3A_73 = arith.constant 0 : i32
    %dma_start3A_74 = arith.constant 0 : i32
    %dma_start3A_75 = tpu.memref_slice %arg2[%dma_start3A_73, %dma_start3A_74] : memref<10000x128xf32, #tpu.memory_space<hbm>> -> memref<10000x128xf32, #tpu.memory_space<hbm>>
    tpu.enqueue_indirect_dma source(%dma_start3A_75 : memref<10000x128xf32, #tpu.memory_space<hbm>>) target(%arg11 : memref<128x128xf32, #tpu.memory_space<vmem>>) offsets(%arg9 : memref<128xi32, #tpu.memory_space<vmem>>) semaphore(%arg15 : memref<!tpu.dma_semaphore, #tpu.memory_space<semaphore_mem>>)
    %add3A_76 = arith.addi %mul3A_4, %sub3A_62 : i32
    "tpu.region"() ({
      %run_scoped3A = tpu.sem_alloc : memref<!tpu.dma_semaphore, #tpu.memory_space<semaphore_mem>>
      %dma_start3A_91 = arith.constant 0 : i32
      %dma_start3A_92 = tpu.memref_slice %arg7[%add3A_76, %dma_start3A_91] : memref<120x128xi32, #tpu.memory_space<vmem>> -> memref<1x128xi32, #tpu.memory_space<vmem>>
      %dma_start3A_93 = tpu.memref_squeeze %dma_start3A_92 : memref<1x128xi32, #tpu.memory_space<vmem>> -> memref<128xi32, #tpu.memory_space<vmem>>
      %dma_start3A_94 = arith.constant 0 : i32
      %dma_start3A_95 = arith.constant 0 : i32
      %dma_start3A_96 = tpu.memref_slice %arg16[%dma_start3A_94, %dma_start3A_95] : memref<10112x128xf32, #tpu.memory_space<vmem_shared>> -> memref<10112x128xf32, #tpu.memory_space<vmem_shared>>
      tpu.enqueue_indirect_dma source(%arg10 : memref<128x128xf32, #tpu.memory_space<vmem>>) target(%dma_start3A_96 : memref<10112x128xf32, #tpu.memory_space<vmem_shared>>) offsets(%dma_start3A_93 : memref<128xi32, #tpu.memory_space<vmem>>) semaphore(%run_scoped3A : memref<!tpu.dma_semaphore, #tpu.memory_space<semaphore_mem>>) {add = true}
      %dma_wait3A_97 = arith.constant 0 : i32
      %dma_wait3A_98 = tpu.memref_slice %arg7[%add3A_76, %dma_wait3A_97] : memref<120x128xi32, #tpu.memory_space<vmem>> -> memref<1x128xi32, #tpu.memory_space<vmem>>
      %dma_wait3A_99 = tpu.memref_squeeze %dma_wait3A_98 : memref<1x128xi32, #tpu.memory_space<vmem>> -> memref<128xi32, #tpu.memory_space<vmem>>
      %dma_wait3A_100 = arith.constant 0 : i32
      %dma_wait3A_101 = arith.constant 0 : i32
      %dma_wait3A_102 = tpu.memref_slice %arg16[%dma_wait3A_100, %dma_wait3A_101] : memref<10112x128xf32, #tpu.memory_space<vmem_shared>> -> memref<10112x128xf32, #tpu.memory_space<vmem_shared>>
      tpu.wait_indirect_dma semaphore(%run_scoped3A : memref<!tpu.dma_semaphore, #tpu.memory_space<semaphore_mem>>) src(%arg10 : memref<128x128xf32, #tpu.memory_space<vmem>>) dst(%dma_wait3A_102 : memref<10112x128xf32, #tpu.memory_space<vmem_shared>>)
      tpu.yield
    }) : () -> ()
    %dma_wait3A_77 = arith.constant 0 : i32
    %dma_wait3A_78 = arith.constant 0 : i32
    %dma_wait3A_79 = tpu.memref_slice %arg2[%dma_wait3A_77, %dma_wait3A_78] : memref<10000x128xf32, #tpu.memory_space<hbm>> -> memref<10000x128xf32, #tpu.memory_space<hbm>>
    tpu.wait_indirect_dma semaphore(%arg15 : memref<!tpu.dma_semaphore, #tpu.memory_space<semaphore_mem>>) src(%dma_wait3A_79 : memref<10000x128xf32, #tpu.memory_space<hbm>>) dst(%arg11 : memref<128x128xf32, #tpu.memory_space<vmem>>)
    %add3A_80 = arith.constant 1 : i32
    %add3A_81 = arith.addi %sub3A_62, %add3A_80 : i32
    %add3A_82 = arith.addi %mul3A_4, %add3A_81 : i32
    "tpu.region"() ({
      %run_scoped3A = tpu.sem_alloc : memref<!tpu.dma_semaphore, #tpu.memory_space<semaphore_mem>>
      %dma_start3A_91 = arith.constant 0 : i32
      %dma_start3A_92 = tpu.memref_slice %arg7[%add3A_82, %dma_start3A_91] : memref<120x128xi32, #tpu.memory_space<vmem>> -> memref<1x128xi32, #tpu.memory_space<vmem>>
      %dma_start3A_93 = tpu.memref_squeeze %dma_start3A_92 : memref<1x128xi32, #tpu.memory_space<vmem>> -> memref<128xi32, #tpu.memory_space<vmem>>
      %dma_start3A_94 = arith.constant 0 : i32
      %dma_start3A_95 = arith.constant 0 : i32
      %dma_start3A_96 = tpu.memref_slice %arg16[%dma_start3A_94, %dma_start3A_95] : memref<10112x128xf32, #tpu.memory_space<vmem_shared>> -> memref<10112x128xf32, #tpu.memory_space<vmem_shared>>
      tpu.enqueue_indirect_dma source(%arg11 : memref<128x128xf32, #tpu.memory_space<vmem>>) target(%dma_start3A_96 : memref<10112x128xf32, #tpu.memory_space<vmem_shared>>) offsets(%dma_start3A_93 : memref<128xi32, #tpu.memory_space<vmem>>) semaphore(%run_scoped3A : memref<!tpu.dma_semaphore, #tpu.memory_space<semaphore_mem>>) {add = true}
      %dma_wait3A_97 = arith.constant 0 : i32
      %dma_wait3A_98 = tpu.memref_slice %arg7[%add3A_82, %dma_wait3A_97] : memref<120x128xi32, #tpu.memory_space<vmem>> -> memref<1x128xi32, #tpu.memory_space<vmem>>
      %dma_wait3A_99 = tpu.memref_squeeze %dma_wait3A_98 : memref<1x128xi32, #tpu.memory_space<vmem>> -> memref<128xi32, #tpu.memory_space<vmem>>
      %dma_wait3A_100 = arith.constant 0 : i32
      %dma_wait3A_101 = arith.constant 0 : i32
      %dma_wait3A_102 = tpu.memref_slice %arg16[%dma_wait3A_100, %dma_wait3A_101] : memref<10112x128xf32, #tpu.memory_space<vmem_shared>> -> memref<10112x128xf32, #tpu.memory_space<vmem_shared>>
      tpu.wait_indirect_dma semaphore(%run_scoped3A : memref<!tpu.dma_semaphore, #tpu.memory_space<semaphore_mem>>) src(%arg11 : memref<128x128xf32, #tpu.memory_space<vmem>>) dst(%dma_wait3A_102 : memref<10112x128xf32, #tpu.memory_space<vmem_shared>>)
      tpu.yield
    }) : () -> ()
    %barrier3A_83 = arith.constant 0 : index
    tpu.barrier barrier_id(%barrier3A_83)
    %mul3A_84 = arith.constant 632 : i32
    %mul3A_85 = arith.muli %arg1, %mul3A_84 : i32
    %mul3A_86 = arith.constant 10112 : i32
    %mul3A_87 = arith.muli %arg0, %mul3A_86 : i32
    %mul3A_88 = arith.constant 632 : i32
    %mul3A_89 = arith.muli %arg1, %mul3A_88 : i32
    %add3A_90 = arith.addi %mul3A_87, %mul3A_89 : i32
    "tpu.region"() ({
      %run_scoped3A = tpu.sem_alloc : memref<!tpu.dma_semaphore, #tpu.memory_space<semaphore_mem>>
      %dma_start3A_91 = arith.constant 0 : i32
      %dma_start3A_92 = tpu.memref_slice %arg6[%add3A_90, %dma_start3A_91] : memref<20224x128xf32, #tpu.memory_space<hbm>> -> memref<632x128xf32, #tpu.memory_space<hbm>>
      %dma_start3A_93 = arith.constant 0 : i32
      %dma_start3A_94 = tpu.memref_slice %arg16[%mul3A_85, %dma_start3A_93] : memref<10112x128xf32, #tpu.memory_space<vmem_shared>> -> memref<632x128xf32, #tpu.memory_space<vmem_shared>>
      tpu.enqueue_dma source(%dma_start3A_94 : memref<632x128xf32, #tpu.memory_space<vmem_shared>>) target(%dma_start3A_92 : memref<632x128xf32, #tpu.memory_space<hbm>>) target_semaphore(%run_scoped3A : memref<!tpu.dma_semaphore, #tpu.memory_space<semaphore_mem>>)
      %dma_wait3A_95 = arith.constant 0 : i32
      %dma_wait3A_96 = tpu.memref_slice %arg6[%add3A_90, %dma_wait3A_95] : memref<20224x128xf32, #tpu.memory_space<hbm>> -> memref<632x128xf32, #tpu.memory_space<hbm>>
      %dma_wait3A_97 = arith.constant 0 : i32
      %dma_wait3A_98 = tpu.memref_slice %arg16[%mul3A_85, %dma_wait3A_97] : memref<10112x128xf32, #tpu.memory_space<vmem_shared>> -> memref<632x128xf32, #tpu.memory_space<vmem_shared>>
      tpu.wait_dma2 semaphore(%run_scoped3A : memref<!tpu.dma_semaphore, #tpu.memory_space<semaphore_mem>>) src(%dma_wait3A_98 : memref<632x128xf32, #tpu.memory_space<vmem_shared>>) dst(%dma_wait3A_96 : memref<632x128xf32, #tpu.memory_space<hbm>>)
      tpu.yield
    }) : () -> ()
    return
  }
}

module attributes {stable_mosaic.version = 14 : i64} {
  func.func @_first_body(%arg0: memref<10000x128xf32, #tpu.memory_space<vmem>>, %arg1: memref<128x128xf32, #tpu.memory_space<vmem>>, %arg2: memref<10000x128xf32, #tpu.memory_space<vmem>>, %arg3: memref<10000x128xf32, #tpu.memory_space<vmem>>) attributes {dimension_semantics = [], scalar_prefetch = 0 : i64, scratch_operands = 0 : i64, tpu.core_type = #tpu.core_type<tc>} {
    %get3A = arith.constant 0 : index
    %get3A_0 = arith.constant 0 : index
    %get3A_1 = vector.load %arg2[%get3A, %get3A_0] : memref<10000x128xf32, #tpu.memory_space<vmem>>, vector<10000x1xf32>
    %max3A = arith.constant 1.000000e+00 : f32
    %max3A_2 = vector.broadcast %max3A : f32 to vector<10000x1xf32>
    %max3A_3 = arith.maximumf %get3A_1, %max3A_2 : vector<10000x1xf32>
    %rsqrt3A = math.rsqrt %max3A_3 : vector<10000x1xf32>
    %get3A_4 = arith.constant 0 : index
    %get3A_5 = arith.constant 0 : index
    %get3A_6 = vector.load %arg0[%get3A_4, %get3A_5] : memref<10000x128xf32, #tpu.memory_space<vmem>>, vector<10000x128xf32>
    %get3A_7 = arith.constant 0 : index
    %get3A_8 = arith.constant 0 : index
    %get3A_9 = vector.load %arg1[%get3A_7, %get3A_8] : memref<128x128xf32, #tpu.memory_space<vmem>>, vector<128x128xf32>
    %dot_general3A = arith.constant dense<0.000000e+00> : vector<10000x128xf32>
    %dot_general3A_10 = tpu.matmul %get3A_6, %get3A_9, %dot_general3A {dimension_numbers = #tpu.dot_dimension_numbers<[1], [0], [0], [1], [0, 0, 1, 1], [], []>, transpose_lhs_hint = false} : vector<10000x128xf32>, vector<128x128xf32>, vector<10000x128xf32> -> vector<10000x128xf32>
    %mul3A = vector.broadcast %rsqrt3A : vector<10000x1xf32> to vector<10000x128xf32>
    %mul3A_11 = arith.mulf %dot_general3A_10, %mul3A : vector<10000x128xf32>
    %swap3A = arith.constant 0 : index
    %swap3A_12 = arith.constant 0 : index
    %swap3A_13 = vector.load %arg3[%swap3A, %swap3A_12] : memref<10000x128xf32, #tpu.memory_space<vmem>>, vector<10000x128xf32>
    tpu.vector_store %arg3[%swap3A, %swap3A_12], %mul3A_11 {strides = array<i32>} : memref<10000x128xf32, #tpu.memory_space<vmem>>, vector<10000x128xf32>,
    return
  }
}

module attributes {stable_mosaic.version = 14 : i64} {
  func.func @_mid_body(%arg0: memref<10000x128xf32, #tpu.memory_space<vmem>>, %arg1: memref<10000x128xf32, #tpu.memory_space<vmem>>, %arg2: memref<10000x128xf32, #tpu.memory_space<vmem>>, %arg3: memref<10000x128xf32, #tpu.memory_space<vmem>>, %arg4: memref<1x128xf32, #tpu.memory_space<vmem>>, %arg5: memref<128x128xf32, #tpu.memory_space<vmem>>, %arg6: memref<10000x128xf32, #tpu.memory_space<vmem>>) attributes {dimension_semantics = [], scalar_prefetch = 0 : i64, scratch_operands = 0 : i64, tpu.core_type = #tpu.core_type<tc>} {
    %get3A = arith.constant 0 : index
    %get3A_0 = arith.constant 0 : index
    %get3A_1 = vector.load %arg2[%get3A, %get3A_0] : memref<10000x128xf32, #tpu.memory_space<vmem>>, vector<10000x1xf32>
    %max3A = arith.constant 1.000000e+00 : f32
    %max3A_2 = vector.broadcast %max3A : f32 to vector<10000x1xf32>
    %max3A_3 = arith.maximumf %get3A_1, %max3A_2 : vector<10000x1xf32>
    %rsqrt3A = math.rsqrt %max3A_3 : vector<10000x1xf32>
    %get3A_4 = arith.constant 0 : index
    %get3A_5 = arith.constant 0 : index
    %get3A_6 = vector.load %arg0[%get3A_4, %get3A_5] : memref<10000x128xf32, #tpu.memory_space<vmem>>, vector<10000x128xf32>
    %get3A_7 = arith.constant 0 : index
    %get3A_8 = arith.constant 0 : index
    %get3A_9 = vector.load %arg1[%get3A_7, %get3A_8] : memref<10000x128xf32, #tpu.memory_space<vmem>>, vector<10000x128xf32>
    %add3A = arith.addf %get3A_6, %get3A_9 : vector<10000x128xf32>
    %mul3A = vector.broadcast %rsqrt3A : vector<10000x1xf32> to vector<10000x128xf32>
    %mul3A_10 = arith.mulf %add3A, %mul3A : vector<10000x128xf32>
    %get3A_11 = arith.constant 0 : index
    %get3A_12 = arith.constant 0 : index
    %get3A_13 = vector.load %arg4[%get3A_11, %get3A_12] : memref<1x128xf32, #tpu.memory_space<vmem>>, vector<1x128xf32>
    %add3A_14 = vector.broadcast %get3A_13 : vector<1x128xf32> to vector<10000x128xf32>
    %add3A_15 = arith.addf %mul3A_10, %add3A_14 : vector<10000x128xf32>
    %max3A_16 = arith.constant 0.000000e+00 : f32
    %max3A_17 = vector.broadcast %max3A_16 : f32 to vector<10000x128xf32>
    %max3A_18 = arith.maximumf %add3A_15, %max3A_17 : vector<10000x128xf32>
    %get3A_19 = arith.constant 0 : index
    %get3A_20 = arith.constant 0 : index
    %get3A_21 = vector.load %arg3[%get3A_19, %get3A_20] : memref<10000x128xf32, #tpu.memory_space<vmem>>, vector<10000x1xf32>
    %max3A_22 = arith.constant 1.000000e+00 : f32
    %max3A_23 = vector.broadcast %max3A_22 : f32 to vector<10000x1xf32>
    %max3A_24 = arith.maximumf %get3A_21, %max3A_23 : vector<10000x1xf32>
    %rsqrt3A_25 = math.rsqrt %max3A_24 : vector<10000x1xf32>
    %get3A_26 = arith.constant 0 : index
    %get3A_27 = arith.constant 0 : index
    %get3A_28 = vector.load %arg5[%get3A_26, %get3A_27] : memref<128x128xf32, #tpu.memory_space<vmem>>, vector<128x128xf32>
    %dot_general3A = arith.constant dense<0.000000e+00> : vector<10000x128xf32>
    %dot_general3A_29 = tpu.matmul %max3A_18, %get3A_28, %dot_general3A {dimension_numbers = #tpu.dot_dimension_numbers<[1], [0], [0], [1], [0, 0, 1, 1], [], []>, transpose_lhs_hint = false} : vector<10000x128xf32>, vector<128x128xf32>, vector<10000x128xf32> -> vector<10000x128xf32>
    %mul3A_30 = vector.broadcast %rsqrt3A_25 : vector<10000x1xf32> to vector<10000x128xf32>
    %mul3A_31 = arith.mulf %dot_general3A_29, %mul3A_30 : vector<10000x128xf32>
    %swap3A = arith.constant 0 : index
    %swap3A_32 = arith.constant 0 : index
    %swap3A_33 = vector.load %arg6[%swap3A, %swap3A_32] : memref<10000x128xf32, #tpu.memory_space<vmem>>, vector<10000x128xf32>
    tpu.vector_store %arg6[%swap3A, %swap3A_32], %mul3A_31 {strides = array<i32>} : memref<10000x128xf32, #tpu.memory_space<vmem>>, vector<10000x128xf32>,
    return
  }
}

module attributes {stable_mosaic.version = 14 : i64} {
  func.func @_final_body(%arg0: memref<10000x128xf32, #tpu.memory_space<vmem>>, %arg1: memref<10000x128xf32, #tpu.memory_space<vmem>>, %arg2: memref<10000x128xf32, #tpu.memory_space<vmem>>, %arg3: memref<1x128xf32, #tpu.memory_space<vmem>>, %arg4: memref<1x1xf32, #tpu.memory_space<vmem>>, %arg5: memref<1x1xf32, #tpu.memory_space<vmem>>, %arg6: memref<1x128xf32, #tpu.memory_space<vmem>>) attributes {dimension_semantics = [], scalar_prefetch = 0 : i64, scratch_operands = 0 : i64, tpu.core_type = #tpu.core_type<tc>} {
    %get3A = arith.constant 0 : index
    %get3A_0 = arith.constant 0 : index
    %get3A_1 = vector.load %arg2[%get3A, %get3A_0] : memref<10000x128xf32, #tpu.memory_space<vmem>>, vector<10000x1xf32>
    %max3A = arith.constant 1.000000e+00 : f32
    %max3A_2 = vector.broadcast %max3A : f32 to vector<10000x1xf32>
    %max3A_3 = arith.maximumf %get3A_1, %max3A_2 : vector<10000x1xf32>
    %rsqrt3A = math.rsqrt %max3A_3 : vector<10000x1xf32>
    %get3A_4 = arith.constant 0 : index
    %get3A_5 = arith.constant 0 : index
    %get3A_6 = vector.load %arg0[%get3A_4, %get3A_5] : memref<10000x128xf32, #tpu.memory_space<vmem>>, vector<10000x128xf32>
    %get3A_7 = arith.constant 0 : index
    %get3A_8 = arith.constant 0 : index
    %get3A_9 = vector.load %arg1[%get3A_7, %get3A_8] : memref<10000x128xf32, #tpu.memory_space<vmem>>, vector<10000x128xf32>
    %add3A = arith.addf %get3A_6, %get3A_9 : vector<10000x128xf32>
    %mul3A = vector.broadcast %rsqrt3A : vector<10000x1xf32> to vector<10000x128xf32>
    %mul3A_10 = arith.mulf %add3A, %mul3A : vector<10000x128xf32>
    %get3A_11 = arith.constant 0 : index
    %get3A_12 = arith.constant 0 : index
    %get3A_13 = vector.load %arg3[%get3A_11, %get3A_12] : memref<1x128xf32, #tpu.memory_space<vmem>>, vector<1x128xf32>
    %add3A_14 = vector.broadcast %get3A_13 : vector<1x128xf32> to vector<10000x128xf32>
    %add3A_15 = arith.addf %mul3A_10, %add3A_14 : vector<10000x128xf32>
    %max3A_16 = arith.constant 0.000000e+00 : f32
    %max3A_17 = vector.broadcast %max3A_16 : f32 to vector<10000x128xf32>
    %max3A_18 = arith.maximumf %add3A_15, %max3A_17 : vector<10000x128xf32>
    %reduce_max3A = arith.constant dense<0xFF800000> : vector<128xf32>
    %reduce_max3A_19 = vector.multi_reduction <maximumf>, %max3A_18, %reduce_max3A [0] : vector<10000x128xf32> to vector<128xf32>
    %broadcast_in_dim3A = vector.shape_cast %reduce_max3A_19 : vector<128xf32> to vector<1x128xf32>
    %reduce_sum3A = arith.constant dense<0.000000e+00> : vector<128xf32>
    %reduce_sum3A_20 = vector.multi_reduction <add>, %max3A_18, %reduce_sum3A [0] : vector<10000x128xf32> to vector<128xf32>
    %broadcast_in_dim3A_21 = vector.shape_cast %reduce_sum3A_20 : vector<128xf32> to vector<1x128xf32>
    %get3A_22 = arith.constant 0 : index
    %get3A_23 = arith.constant 0 : index
    %get3A_24 = vector.load %arg4[%get3A_22, %get3A_23] : memref<1x1xf32, #tpu.memory_space<vmem>>, vector<1x1xf32>
    %mul3A_25 = vector.broadcast %get3A_24 : vector<1x1xf32> to vector<1x128xf32>
    %mul3A_26 = arith.mulf %mul3A_25, %broadcast_in_dim3A : vector<1x128xf32>
    %get3A_27 = arith.constant 0 : index
    %get3A_28 = arith.constant 0 : index
    %get3A_29 = vector.load %arg5[%get3A_27, %get3A_28] : memref<1x1xf32, #tpu.memory_space<vmem>>, vector<1x1xf32>
    %div3A = arith.constant 1.000000e+04 : f32
    %div3A_30 = vector.broadcast %div3A : f32 to vector<1x1xf32>
    %div3A_31 = arith.divf %get3A_29, %div3A_30 : vector<1x1xf32>
    %mul3A_32 = vector.broadcast %div3A_31 : vector<1x1xf32> to vector<1x128xf32>
    %mul3A_33 = arith.mulf %mul3A_32, %broadcast_in_dim3A_21 : vector<1x128xf32>
    %add3A_34 = arith.addf %mul3A_26, %mul3A_33 : vector<1x128xf32>
    %swap3A = arith.constant 0 : index
    %swap3A_35 = arith.constant 0 : index
    %swap3A_36 = vector.load %arg6[%swap3A, %swap3A_35] : memref<1x128xf32, #tpu.memory_space<vmem>>, vector<1x128xf32>
    tpu.vector_store %arg6[%swap3A, %swap3A_35], %add3A_34 {strides = array<i32>} : memref<1x128xf32, #tpu.memory_space<vmem>>, vector<1x128xf32>,
    return
  }
}

</mosaic_0001>

<sc_bundles>
// kernel: kernel.10.cloned.1.call-start
scs
__scs_entry_jumppad:
0x0: {  	(pc) =	sbr.rel $0x88, $3  }
0x1: {  	(tag) =	ssettag $0x0;
	lr =	simm.s32 $0x1  }
0x2: {  	[smem:$0x3F98] =	sst lr;
	_ =	strace $0xD0000000  }
0x3: {  	_ = 	snop  }
0x4: {  	_ = 	snop  }
0x5: {  	_ = 	snop  }
0x6: {  	_ = 	snop  }
0x7: {  	_ = 	snop  }
__scs_overlays_trampoline_lowered:
0x8: {  	[smem:$0x3FA7] =	sst s0  }
0x9: {  	[smem:$0x3FA8] =	sst s1  }
0xa: {  	[smem:$0x3FA9] =	sst s2  }
0xb: {  	[smem:$0x3FAA] =	sst s3  }
0xc: {  	[smem:$0x3FAB] =	sst s4  }
0xd: {  	[smem:$0x3FAC] =	sst s5  }
0xe: {  	[smem:$0x3FAD] =	sst s6  }
0xf: {  	[smem:$0x3FAE] =	sst s7  }
0x10: {  	[smem:$0x3FAF] =	sst s8  }
0x11: {  	[smem:$0x3FB0] =	sst s9;
	s0 =	simm.s32 @!p0 $0x0  }
0x12: {  	s1 =	sld [smem:$0x3F96];
	s0 =	simm.s32 @p0 $0x1  }
0x13: {  	[smem:$0x3FB1] =	sst s0;
	s0 =	simm.s32 @!p1 $0x0  }
0x14: {  	s2 =	sld [smem:$0x3F95];
	s0 =	simm.s32 @p1 $0x1  }
0x15: {  	[smem:$0x3FB2] =	sst s0;
	s0 =	simm.s32 @!p2 $0x0  }
0x16: {  	s3 =	sld [smem:$0x3FDB];
	s0 =	simm.s32 @p2 $0x1  }
0x17: {  	s4 =	simm.s32 $0x1BF5;
	[smem:$0x3FB4] =	sst s0  }
0x18: {  	s0 =	sld [smem:$0x3F97];
	_ =	swait.ge [sflag:s4], $0x0  }
0x19: {  	s7 =	sld [smem:$0x3F98]  }
0x1a: {  	s8 =	sadd.s32 $0xFFFFE003, lr  }
0x1b: {  	s9 =	sadd.s32 $0xFFFFFEF7, lr;
	s5 =	simm.s32 $0xFFFFFFFF;
	p2 =	slt.u32 s8, $0xFFFFF086  }
0x1c: {  	p1 =	slt.u32 s9, $0xF7A;
	s5 =	simm.s32 @!p2 $0x0  }
0x1d: {  	s5 =	simm.s32 @p1 $0x1;
	p0 =	seq.s32 s7, s2  }
0x1e: {  	s7 =	smul.u32 @!p0 $0xF7A, s2;
	p2 =	seq.s32 @!p0 s5, $0x0  }
0x1f: {  	s9 =	smul.u32 $0xF7A, s1;
	s8 =	simm.s32 @!p0 $0x1BF5;
	p2 =	por !p2, p0  }
0x20: {  	[sflag:s8] =	ssyncset.s32 @!p0 $0xFFFFF086;
	s6 =	sadd.s32 @!p0 s3, s7;
	s7 =	simm.s32 @!p0 $0x108  }
0x21: {  	s3 =	sadd.s32 s3, s9;
	s6 =	sadd.s32 @!p0 $0x88, s6;
	s7 =	simm.s32 @p2 $0x1082  }
0x22: {  	[simem:s7], [sflag:s8] =	dma.local @!p0 [hbm:s6], $0xF7A  }
0x23: {  	s9 =	sor.u32 $0xD0000000, s2;
	s6 =	simm.s32 $0x108;
	_ =	swait.ge @!p0 [sflag:s8], $0x0  }
0x24: {  	s3 =	sadd.s32 $0x88, s3;
	s6 =	simm.s32 @!p1 $0x1082;
	[sflag:s4] =	ssyncset.s32 $0xFFFFF086  }
0x25: {  	[simem:s6], [sflag:s4] =	dma.local [hbm:s3], $0xF7A  }
0x26: {  	[smem:$0x3F98] =	sst s1;
	(tag) =	ssettag s2;
	_ =	strace s9  }
0x27: {  	s1 =	sld [smem:$0x3FA8]  }
0x28: {  	s2 =	sld [smem:$0x3FA9]  }
0x29: {  	s4 =	sld [smem:$0x3FAB]  }
0x2a: {  	p0 =	seq.s32 s5, $0x0;
	s5 =	sld [smem:$0x3FAC]  }
0x2b: {  	s6 =	sld [smem:$0x3FAD]  }
0x2c: {  	s7 =	sld [smem:$0x3FAE]  }
0x2d: {  	s3 =	simm.s32 $0x108;
	s8 =	sld [smem:$0x3FAF]  }
0x2e: {  	s3 =	simm.s32 @!p0 $0x1082;
	s9 =	sld [smem:$0x3FB0]  }
0x2f: {  	lr =	sadd.s32 s0, s3;
	s0 =	sld [smem:$0x3FA7]  }
0x30: {  	s3 =	sld [smem:$0x3FAA]  }
0x31: {  	[smem:$0x3FB3] =	sst s10  }
0x32: {  	s10 =	sld [smem:$0x3FB1];
	_ =	sdelay $0x3  }
0x33: {  	p0 =	seq.s32 s10, $0x1;
	s10 =	sld [smem:$0x3FB3];
	_ =	sdelay $0x3  }
0x34: {  	[smem:$0x3FB3] =	sst s10  }
0x35: {  	s10 =	sld [smem:$0x3FB2];
	_ =	sdelay $0x3  }
0x36: {  	p1 =	seq.s32 s10, $0x1;
	s10 =	sld [smem:$0x3FB3];
	_ =	sdelay $0x3  }
0x37: {  	[smem:$0x3FB3] =	sst s10  }
0x38: {  	s10 =	sld [smem:$0x3FB4]  }
0x39: {  	_ = 	snop;
	(pc) =	sbr.ind lr, $3  }
0x3a: {  	_ = 	snop  }
0x3b: {  	_ = 	snop  }
0x3c: {  	p2 =	seq.s32 s10, $0x1;
	s10 =	sld [smem:$0x3FB3]  }
0x3d: {  	_ =	shalt  }
0x3e: {  	_ =	shalt  }
0x3f: {  	_ =	shalt  }
0x40: {  	_ =	shalt  }
0x41: {  	_ =	shalt  }
0x42: {  	_ =	shalt  }
0x43: {  	_ =	shalt  }
0x44: {  	_ =	shalt  }
0x45: {  	_ =	shalt  }
0x46: {  	_ =	shalt  }
0x47: {  	_ =	shalt  }
0x48: {  	_ =	shalt  }
0x49: {  	_ =	shalt  }
0x4a: {  	_ =	shalt  }
0x4b: {  	_ =	shalt  }
0x4c: {  	_ =	shalt  }
0x4d: {  	_ =	shalt  }
0x4e: {  	_ =	shalt  }
0x4f: {  	_ =	shalt  }
0x50: {  	_ =	shalt  }
0x51: {  	_ =	shalt  }
0x52: {  	_ =	shalt  }
0x53: {  	_ =	shalt  }
0x54: {  	_ =	shalt  }
0x55: {  	_ =	shalt  }
0x56: {  	_ =	shalt  }
0x57: {  	_ =	shalt  }
0x58: {  	_ =	shalt  }
0x59: {  	_ =	shalt  }
0x5a: {  	_ =	shalt  }
0x5b: {  	_ =	shalt  }
0x5c: {  	_ =	shalt  }
0x5d: {  	_ =	shalt  }
0x5e: {  	_ =	shalt  }
0x5f: {  	_ =	shalt  }
0x60: {  	_ =	shalt  }
0x61: {  	_ =	shalt  }
0x62: {  	_ =	shalt  }
0x63: {  	_ =	shalt  }
0x64: {  	_ =	shalt  }
0x65: {  	_ =	shalt  }
0x66: {  	_ =	shalt  }
0x67: {  	_ =	shalt  }
0x68: {  	_ =	shalt  }
0x69: {  	_ =	shalt  }
0x6a: {  	_ =	shalt  }
0x6b: {  	_ =	shalt  }
0x6c: {  	_ =	shalt  }
0x6d: {  	_ =	shalt  }
0x6e: {  	_ =	shalt  }
0x6f: {  	_ =	shalt  }
0x70: {  	_ =	shalt  }
0x71: {  	_ =	shalt  }
0x72: {  	_ =	shalt  }
0x73: {  	_ =	shalt  }
0x74: {  	_ =	shalt  }
0x75: {  	_ =	shalt  }
0x76: {  	_ =	shalt  }
0x77: {  	_ =	shalt  }
0x78: {  	_ =	shalt  }
0x79: {  	_ =	shalt  }
0x7a: {  	_ =	shalt  }
0x7b: {  	_ =	shalt  }
0x7c: {  	_ =	shalt  }
0x7d: {  	_ =	shalt  }
0x7e: {  	_ =	shalt  }
0x7f: {  	_ =	shalt  }
0x80: {  	_ =	shalt  }
0x81: {  	_ =	shalt  }
0x82: {  	_ =	shalt  }
0x83: {  	_ =	shalt  }
0x84: {  	_ =	shalt  }
0x85: {  	_ =	shalt  }
0x86: {  	_ =	shalt  }
0x87: {  	_ =	shalt  }
.Lfunc_end0:
.L_simem_size_0:
called_computation_lowered:
.L_overlay_start_0:
0x88: {  	s2 =	sld [smem:$0x3FD9]  }
0x89: {  	s3 =	sld [smem:$0x3FFE];
	_ =	sdelay $0x1  }
0x8a: {  	s1 =	srdreg.scid  }
0x8b: {  	s0 =	sand.u32 $0x1, s1  }
0x8c: {  	s16 =	sshll.u32 s0, $0xA;
	s2 =	sadd.s32 s3, s2  }
0x8d: {  	s2 =	sadd.s32 s2, s16  }
0x8e: {  	[smem:$0x3FBF] =	sst s2  }
0x8f: {  	_ = 	snop  }
0x90: {  	(tm) =	ssettm $0x1  }
0x91: {  	s17 =	sld [smem:$0x3FFB];
	_ =	sdelay $0x3  }
0x92: {  	_ =	strace s17  }
0x93: {  	s2 =	sld [smem:$0x3FFC];
	_ =	sdelay $0x3  }
0x94: {  	_ =	strace s2  }
0x95: {  	s2 =	sld [smem:$0x3FFD];
	_ =	sdelay $0x3  }
0x96: {  	_ =	strace s2  }
0x97: {  	_ =	strace $0x8FFFFFFF  }
0x98: {  	s18 =	sld [smem:$0x3FDB];
	_ =	sdelay $0x1  }
0x99: {  	s19 =	simm.s32 $_scs_section_size  }
0x9a: {  	s4 =	simm.s32 $_size__tile_overlayer_lowered;
	s5 =	simm.s32 $_tile_overlayer_lowered  }
0x9b: {  	s22 =	simm.s32 $0x1BFF;
	s21 =	sshll.u32 s5, $0x1;
	s2 =	sadd.s32 s19, s18  }
0x9c: {  	s6 =	simm.s32 $0x0;
	s20 =	sshll.u32 s4, $0x1;
	s4 =	sadd.s32 s21, s2  }
0x9d: {  	[timem:s6], [sflag:s22] =	dma.local [hbm:s4], s20  }
0x9e: {  	_ =	swait.ge [sflag:s22], s20  }
0x9f: {  	s3 =	ssub.s32 $0x0, s20;
	[sflag:s22] =	ssyncset.done $0x0  }
0xa0: {  	[sflag:s22] =	ssyncadd.s32 s3;
	_ =	sdelay $0x1  }
0xa1: {  	s23 =	simm.s32 $0x1B8B  }
0xa2: {  	_ =	swait.ge [sflag:s23], $0x1  }
0xa3: {  	[sflag:s23] =	ssyncset.done $0x0  }
0xa4: {  	s25 =	simm.s32 $0x1B8E;
	s24 =	sld [smem:$0x3FFE];
	[sflag:s23] =	ssyncadd.s32 $0xFFFFFFFF  }
0xa5: {  	s26 =	simm.s32 $execute0_lowered;
	[smem:$0x3FD2] =	sst s25  }
0xa6: {  	s4 =	sshll.u32 s26, $0x1;
	_ =	strace $0x80000046;
	[dreg:$0x1] =	wrdreg $0xFFFFFFFF  }
0xa7: {  	s28 =	simm.s32 $_size_execute0_lowered;
	s2 =	sadd.s32 s2, s4;
	[dreg:$0x0] =	wrdreg $0x0  }
0xa8: {  	s4 =	sshll.u32 s28, $0x1;
	[dreg:$0x2] =	wrdreg s2  }
0xa9: {  	[dreg:$0x3] =	wrdreg s4  }
0xaa: {  	[dreg:$0x4] =	wrdreg $0xC0  }
0xab: {  	_ =	task [dreg:s6], $0x5FFFF  }
0xac: {  	[dreg:$0x1] =	wrdreg $0xFFFFFFFF  }
0xad: {  	[dreg:$0x0] =	wrdreg $0x60  }
0xae: {  	[dreg:$0x2] =	wrdreg s24  }
0xaf: {  	[dreg:$0x3] =	wrdreg $0x90000  }
0xb0: {  	[dreg:$0x4] =	wrdreg $0x9  }
0xb1: {  	_ =	task.clear_ibuf [dreg:s6], $0x5FFFF;
	_ =	strace $0x90000046  }
0xb2: {  	s29 =	simm.s32 $0x9;
	_ =	strace $0x80000048  }
0xb3: {  	_ =	swait.ge [sflag:s29], $0x1  }
0xb4: {  	[sflag:s29] =	ssyncadd.s32 $0xFFFFFFFF  }
0xb5: {  	_ =	strace $0x90000048  }
0xb6: {  	_ =	sfence  }
0xb7: {  	s30 =	sld [smem:$0x0];
	_ =	sdelay $0x2  }
0xb8: {  	s31 =	sshll.u32 s1, $0xD;
	s1 =	sshrl.u32 s1, $0x2  }
0xb9: {  	s3 =	sand.u32 $0x4000, s31;
	s1 =	sadd.s32 s1, s30  }
0xba: {  	s0 =	sor.u32 s3, s0;
	s1 =	sshll.u32 s1, $0x11  }
0xbb: {  	s0 =	sor.u32 s1, s0  }
0xbc: {  	s0 =	sadd.s32 $0x8F2B, s0  }
0xbd: {  	[sflag:s0] =	ssyncadd.remote.s32 $0x1  }
0xbe: {  	_ =	sfence.sel $0xFFFF  }
0xbf: {  	[dreg:$0x0] =	wrdreg $0xFFFFFFFF;
	(pc) =	sbr.abs _section_cstart, $3  }
0xc0: {  	[dreg:$0x1] =	wrdreg $0xFFFFFFFF  }
0xc1: {  	_ =	task.clear_ibuf [dreg:s6], $0x2FFFF;
	_ =	strace $0x9FFFFFFF  }
0xc2: {  	(tm) =	ssettm $0x7FFFFFFF  }
0xc3: {  	_ =	shalt  }
tec
execute0_lowered:
.L_overlay_start_1:
0x0: {  	(tag) =	ssettag $0x1  }
0x1: {  	s0 =	srdreg.scid;
	s7 =	rddreg [dreg:$0x0]  }
0x2: {  	s2 =	rddreg [dreg:$0x1];
	s6 =	sand.u32 $0x1, s0;
	s0 =	stileid.u32  }
0x3: {  	s3 =	simm.s32 $0x0;
	s13 =	simm.s32 $0x80;
	s8 =	smul.u32 $0x2780, s0  }
0x4: {  	s14 =	simm.s32 $0x0;
	[smem:$0x7FF] =	sst s3;
	s9 =	smul.u32 $0x27800, s6  }
0x5: {  	s5 =	sadd.s32 $0x18C00, s7;
	s1 =	sshll.u32 s6, $0x4;
	s11 =	smul.u32 $0x4F000, s0  }
0x6: {  	s6 =	ssub.s32 $0x2, s6;
	s31 =	sshll.u32 s0, $0x6;
	s4 =	sor.u32 s0, s1  }
0x7: {  	s1 =	rddreg [dreg:$0x2];
	_ =	strace $0x80000047;
	s28 =	sshrl.u32 s6, $0x1  }
0x8: {  	s4 =	smul.u32 $0xA00, s4;
	s8 =	sadd.s32 s8, s9;
	s29 =	sshrl.u32 s11, $0x2  }
0x9: {  	s30 =	ssub.s32 s6, s28;
	s6 =	sor.u32 $0x1C01, s31;
	s11 =	simm.s32 $0x1  }
0xa: {  	s8 =	sadd.s32 s8, s7;
	s12 =	sadd.s32 s29, s2;
	s9 =	smax.u32 s30, $0x1  }
0xb: {  	s10 =	sadd.s32 s4, s7;
	s4 =	sadd.s32 $0x16400, s7;
	s8 =	sadd.s32 $0x19400, s8  }
0xc: {  	s7 =	sadd.s32 $0x2400, s10;
	s10 =	sshrl.u32 s12, $0x3;
	s12 =	simm.s32 $0x5000  }
.LBB2_1:
0xd: {  	[spmem:s10], [sflag:s6] =	dma.local [hbm:s4], $0x2780  }
0xe: {  	_ =	swait.ge [sflag:s11], $0x2780  }
0xf: {  	[sflag:s11] =	ssyncset.done $0x0  }
0x10: {  	[sflag:s11] =	ssyncadd.s32 $0xFFFFD880  }
0x11: {  	[tilespmem:s12], [sflag:$0x1] =	stream.linear.gather [hbm4b:s5+s3], $0x4000, $0x38;
	[tilespmem:$0x1CC00] =	vst v63  }
0x12: {  	_ =	swait.ge [sflag:s11], $0x4000  }
0x13: {  	[sflag:s11] =	ssyncset.done $0x0  }
0x14: {  	[sflag:s11] =	ssyncadd.s32 $0xFFFFC000  }
0x15: {  	[tilespmem:s3], [sflag:$0x1] =	stream.linear.gather [hbm4b:s7+s3], $0x5000, $0x38;
	[tilespmem:$0x1CC00] =	vst v63  }
0x16: {  	_ =	swait.ge [sflag:s11], $0x5000  }
0x17: {  	[sflag:s11] =	ssyncset.done $0x0  }
0x18: {  	[sflag:s11] =	ssyncadd.s32 $0xFFFFB000  }
0x19: {  	s15 =	simm.s32 $0x0;
	[bflag:$0x0] =	sbarrier.arrive $0xFFFF  }
0x1a: {  	[spmem:s2] =	stream.indirect.scatter.add.f32 [tilespmem:s12], [sflag:$0x1], $0x80, s15, s13, $0xb8;
	[tilespmem:$0x1CC00] =	vst v63  }
0x1b: {  	_ =	swait.ge [sflag:s11], $0x4000  }
0x1c: {  	s15 =	simm.s32 $0x200;
	[sflag:s11] =	ssyncset.done $0x0  }
.LBB2_2:
0x1d: {  	s16 =	sshra.s32 s15, $0x2;
	[sflag:s11] =	ssyncadd.s32 $0xFFFFC000;
	p0 =	sne.s32 s15, $0x13E00  }
0x1e: {  	[spmem:s2] =	stream.indirect.scatter.add.f32 [tilespmem:s12], [sflag:$0x1], $0x80, s16, s13, $0xb8;
	[tilespmem:$0x1CC00] =	vst v63  }
.Ltmp0:
0x1f: {  	_ = 	snop;
	(pc) =	sbr.rel @p0 .LBB2_2-.Ltmp0, $4  }
0x20: {  	_ = 	snop  }
0x21: {  	s15 =	sadd.s32 $0x200, s15  }
0x22: {  	_ =	swait.ge [sflag:s11], $0x4000  }
0x23: {  	[sflag:s11] =	ssyncset.done $0x0  }
0x24: {  	s14 =	sadd.s32 $0x1, s14  }
0x25: {  	[sflag:s11] =	ssyncadd.s32 $0xFFFFC000;
	p0 =	sne.s32 s14, s9  }
.Ltmp1:
0x26: {  	[bflag:$0x0] =	sbarrier.arrive $0xFFFF;
	(pc) =	sbr.rel @p0 .LBB2_1-.Ltmp1, $4  }
0x27: {  	[hbm:s8], [sflag:s6] =	dma.local [spmem:s10], $0x2780  }
0x28: {  	_ =	swait.ge [sflag:s11], $0x2780  }
0x29: {  	[sflag:s11] =	ssyncset.done $0x0  }
0x2a: {  	[sflag:s11] =	ssyncadd.s32 $0xFFFFD880  }
0x2b: {  	_ =	sfence.sel $0x180000  }
0x2c: {  	[bflag:$0x0] =	sbarrier.arrive $0xFFFF  }
0x2d: {  	p0 =	sne.s32 s0, $0x0;
	_ =	strace $0x90000047  }
0x2e: {  	s0 =	sadd.s32 @!p0 $0x100000, s1;
	[bflag:$0x2] =	sbarrier.arrive $0xFFFF  }
0x2f: {  	[sflag:s0] =	ssyncadd.tile.s32 @!p0 $0x1;
	_ =	shalt  }
.Lfunc_end2:
_tile_overlayer_lowered:
.L_overlay_start_2:
0x30: {  	(tag) =	ssettag $0x2  }
0x31: {  	s0 =	rddreg [dreg:$0x0];
	s2 =	stileid.u32  }
0x32: {  	s1 =	rddreg [dreg:$0x1];
	p0 =	sne.s32 s2, $0x0  }
0x33: {  	s3 =	rddreg [dreg:$0x2];
	[bflag:$0x3] =	sbarrier.arrive $0xFFFF;
	s2 =	simm.s32 @!p0 $0x1C01  }
0x34: {  	[timem:s3], [sflag:s2] =	dma.local @!p0 [hbm:s0], s1  }
0x35: {  	s0 =	simm.s32 @!p0 $0x1  }
0x36: {  	_ =	swait.ge @!p0 [sflag:s0], s1  }
0x37: {  	s1 =	ssub.s32 @!p0 $0x0, s1;
	[sflag:s0] =	ssyncset.done @!p0 $0x0  }
0x38: {  	[sflag:s0] =	ssyncadd.s32 @!p0 s1  }
0x39: {  	[bflag:$0x3] =	sbarrier.arrive $0xFFFF  }
0x3a: {  	_ =	shalt  }

// kernel: kernel.13.cloned.1.call-start
scs
__scs_entry_jumppad:
0x0: {  	(pc) =	sbr.rel $0x88, $3  }
0x1: {  	(tag) =	ssettag $0x0;
	lr =	simm.s32 $0x1  }
0x2: {  	[smem:$0x3F98] =	sst lr;
	_ =	strace $0xD0000000  }
0x3: {  	_ = 	snop  }
0x4: {  	_ = 	snop  }
0x5: {  	_ = 	snop  }
0x6: {  	_ = 	snop  }
0x7: {  	_ = 	snop  }
__scs_overlays_trampoline_lowered:
0x8: {  	[smem:$0x3FA7] =	sst s0  }
0x9: {  	[smem:$0x3FA8] =	sst s1  }
0xa: {  	[smem:$0x3FA9] =	sst s2  }
0xb: {  	[smem:$0x3FAA] =	sst s3  }
0xc: {  	[smem:$0x3FAB] =	sst s4  }
0xd: {  	[smem:$0x3FAC] =	sst s5  }
0xe: {  	[smem:$0x3FAD] =	sst s6  }
0xf: {  	[smem:$0x3FAE] =	sst s7  }
0x10: {  	[smem:$0x3FAF] =	sst s8  }
0x11: {  	[smem:$0x3FB0] =	sst s9;
	s0 =	simm.s32 @!p0 $0x0  }
0x12: {  	s1 =	sld [smem:$0x3F96];
	s0 =	simm.s32 @p0 $0x1  }
0x13: {  	[smem:$0x3FB1] =	sst s0;
	s0 =	simm.s32 @!p1 $0x0  }
0x14: {  	s2 =	sld [smem:$0x3F95];
	s0 =	simm.s32 @p1 $0x1  }
0x15: {  	[smem:$0x3FB2] =	sst s0;
	s0 =	simm.s32 @!p2 $0x0  }
0x16: {  	s3 =	sld [smem:$0x3FDB];
	s0 =	simm.s32 @p2 $0x1  }
0x17: {  	s4 =	simm.s32 $0x1BF5;
	[smem:$0x3FB4] =	sst s0  }
0x18: {  	s0 =	sld [smem:$0x3F97];
	_ =	swait.ge [sflag:s4], $0x0  }
0x19: {  	s7 =	sld [smem:$0x3F98]  }
0x1a: {  	s8 =	sadd.s32 $0xFFFFE003, lr  }
0x1b: {  	s9 =	sadd.s32 $0xFFFFFEF7, lr;
	s5 =	simm.s32 $0xFFFFFFFF;
	p2 =	slt.u32 s8, $0xFFFFF086  }
0x1c: {  	p1 =	slt.u32 s9, $0xF7A;
	s5 =	simm.s32 @!p2 $0x0  }
0x1d: {  	s5 =	simm.s32 @p1 $0x1;
	p0 =	seq.s32 s7, s2  }
0x1e: {  	s7 =	smul.u32 @!p0 $0xF7A, s2;
	p2 =	seq.s32 @!p0 s5, $0x0  }
0x1f: {  	s9 =	smul.u32 $0xF7A, s1;
	s8 =	simm.s32 @!p0 $0x1BF5;
	p2 =	por !p2, p0  }
0x20: {  	[sflag:s8] =	ssyncset.s32 @!p0 $0xFFFFF086;
	s6 =	sadd.s32 @!p0 s3, s7;
	s7 =	simm.s32 @!p0 $0x108  }
0x21: {  	s3 =	sadd.s32 s3, s9;
	s6 =	sadd.s32 @!p0 $0x88, s6;
	s7 =	simm.s32 @p2 $0x1082  }
0x22: {  	[simem:s7], [sflag:s8] =	dma.local @!p0 [hbm:s6], $0xF7A  }
0x23: {  	s9 =	sor.u32 $0xD0000000, s2;
	s6 =	simm.s32 $0x108;
	_ =	swait.ge @!p0 [sflag:s8], $0x0  }
0x24: {  	s3 =	sadd.s32 $0x88, s3;
	s6 =	simm.s32 @!p1 $0x1082;
	[sflag:s4] =	ssyncset.s32 $0xFFFFF086  }
0x25: {  	[simem:s6], [sflag:s4] =	dma.local [hbm:s3], $0xF7A  }
0x26: {  	[smem:$0x3F98] =	sst s1;
	(tag) =	ssettag s2;
	_ =	strace s9  }
0x27: {  	s1 =	sld [smem:$0x3FA8]  }
0x28: {  	s2 =	sld [smem:$0x3FA9]  }
0x29: {  	s4 =	sld [smem:$0x3FAB]  }
0x2a: {  	p0 =	seq.s32 s5, $0x0;
	s5 =	sld [smem:$0x3FAC]  }
0x2b: {  	s6 =	sld [smem:$0x3FAD]  }
0x2c: {  	s7 =	sld [smem:$0x3FAE]  }
0x2d: {  	s3 =	simm.s32 $0x108;
	s8 =	sld [smem:$0x3FAF]  }
0x2e: {  	s3 =	simm.s32 @!p0 $0x1082;
	s9 =	sld [smem:$0x3FB0]  }
0x2f: {  	lr =	sadd.s32 s0, s3;
	s0 =	sld [smem:$0x3FA7]  }
0x30: {  	s3 =	sld [smem:$0x3FAA]  }
0x31: {  	[smem:$0x3FB3] =	sst s10  }
0x32: {  	s10 =	sld [smem:$0x3FB1];
	_ =	sdelay $0x3  }
0x33: {  	p0 =	seq.s32 s10, $0x1;
	s10 =	sld [smem:$0x3FB3];
	_ =	sdelay $0x3  }
0x34: {  	[smem:$0x3FB3] =	sst s10  }
0x35: {  	s10 =	sld [smem:$0x3FB2];
	_ =	sdelay $0x3  }
0x36: {  	p1 =	seq.s32 s10, $0x1;
	s10 =	sld [smem:$0x3FB3];
	_ =	sdelay $0x3  }
0x37: {  	[smem:$0x3FB3] =	sst s10  }
0x38: {  	s10 =	sld [smem:$0x3FB4]  }
0x39: {  	_ = 	snop;
	(pc) =	sbr.ind lr, $3  }
0x3a: {  	_ = 	snop  }
0x3b: {  	_ = 	snop  }
0x3c: {  	p2 =	seq.s32 s10, $0x1;
	s10 =	sld [smem:$0x3FB3]  }
0x3d: {  	_ =	shalt  }
0x3e: {  	_ =	shalt  }
0x3f: {  	_ =	shalt  }
0x40: {  	_ =	shalt  }
0x41: {  	_ =	shalt  }
0x42: {  	_ =	shalt  }
0x43: {  	_ =	shalt  }
0x44: {  	_ =	shalt  }
0x45: {  	_ =	shalt  }
0x46: {  	_ =	shalt  }
0x47: {  	_ =	shalt  }
0x48: {  	_ =	shalt  }
0x49: {  	_ =	shalt  }
0x4a: {  	_ =	shalt  }
0x4b: {  	_ =	shalt  }
0x4c: {  	_ =	shalt  }
0x4d: {  	_ =	shalt  }
0x4e: {  	_ =	shalt  }
0x4f: {  	_ =	shalt  }
0x50: {  	_ =	shalt  }
0x51: {  	_ =	shalt  }
0x52: {  	_ =	shalt  }
0x53: {  	_ =	shalt  }
0x54: {  	_ =	shalt  }
0x55: {  	_ =	shalt  }
0x56: {  	_ =	shalt  }
0x57: {  	_ =	shalt  }
0x58: {  	_ =	shalt  }
0x59: {  	_ =	shalt  }
0x5a: {  	_ =	shalt  }
0x5b: {  	_ =	shalt  }
0x5c: {  	_ =	shalt  }
0x5d: {  	_ =	shalt  }
0x5e: {  	_ =	shalt  }
0x5f: {  	_ =	shalt  }
0x60: {  	_ =	shalt  }
0x61: {  	_ =	shalt  }
0x62: {  	_ =	shalt  }
0x63: {  	_ =	shalt  }
0x64: {  	_ =	shalt  }
0x65: {  	_ =	shalt  }
0x66: {  	_ =	shalt  }
0x67: {  	_ =	shalt  }
0x68: {  	_ =	shalt  }
0x69: {  	_ =	shalt  }
0x6a: {  	_ =	shalt  }
0x6b: {  	_ =	shalt  }
0x6c: {  	_ =	shalt  }
0x6d: {  	_ =	shalt  }
0x6e: {  	_ =	shalt  }
0x6f: {  	_ =	shalt  }
0x70: {  	_ =	shalt  }
0x71: {  	_ =	shalt  }
0x72: {  	_ =	shalt  }
0x73: {  	_ =	shalt  }
0x74: {  	_ =	shalt  }
0x75: {  	_ =	shalt  }
0x76: {  	_ =	shalt  }
0x77: {  	_ =	shalt  }
0x78: {  	_ =	shalt  }
0x79: {  	_ =	shalt  }
0x7a: {  	_ =	shalt  }
0x7b: {  	_ =	shalt  }
0x7c: {  	_ =	shalt  }
0x7d: {  	_ =	shalt  }
0x7e: {  	_ =	shalt  }
0x7f: {  	_ =	shalt  }
0x80: {  	_ =	shalt  }
0x81: {  	_ =	shalt  }
0x82: {  	_ =	shalt  }
0x83: {  	_ =	shalt  }
0x84: {  	_ =	shalt  }
0x85: {  	_ =	shalt  }
0x86: {  	_ =	shalt  }
0x87: {  	_ =	shalt  }
.Lfunc_end0:
.L_simem_size_0:
called_computation.1_lowered:
.L_overlay_start_0:
0x88: {  	s2 =	sld [smem:$0x3FD9]  }
0x89: {  	s3 =	sld [smem:$0x3FFE];
	_ =	sdelay $0x1  }
0x8a: {  	s1 =	srdreg.scid  }
0x8b: {  	s0 =	sand.u32 $0x1, s1  }
0x8c: {  	s16 =	sshll.u32 s0, $0xA;
	s2 =	sadd.s32 s3, s2  }
0x8d: {  	s2 =	sadd.s32 s2, s16  }
0x8e: {  	[smem:$0x3FBF] =	sst s2  }
0x8f: {  	_ = 	snop  }
0x90: {  	(tm) =	ssettm $0x1  }
0x91: {  	s17 =	sld [smem:$0x3FFB];
	_ =	sdelay $0x3  }
0x92: {  	_ =	strace s17  }
0x93: {  	s2 =	sld [smem:$0x3FFC];
	_ =	sdelay $0x3  }
0x94: {  	_ =	strace s2  }
0x95: {  	s2 =	sld [smem:$0x3FFD];
	_ =	sdelay $0x3  }
0x96: {  	_ =	strace s2  }
0x97: {  	_ =	strace $0x8FFFFFFF  }
0x98: {  	s18 =	sld [smem:$0x3FDB];
	_ =	sdelay $0x1  }
0x99: {  	s19 =	simm.s32 $_scs_section_size  }
0x9a: {  	s4 =	simm.s32 $_size__tile_overlayer_lowered;
	s5 =	simm.s32 $_tile_overlayer_lowered  }
0x9b: {  	s22 =	simm.s32 $0x1BFF;
	s21 =	sshll.u32 s5, $0x1;
	s2 =	sadd.s32 s19, s18  }
0x9c: {  	s6 =	simm.s32 $0x0;
	s20 =	sshll.u32 s4, $0x1;
	s4 =	sadd.s32 s21, s2  }
0x9d: {  	[timem:s6], [sflag:s22] =	dma.local [hbm:s4], s20  }
0x9e: {  	_ =	swait.ge [sflag:s22], s20  }
0x9f: {  	s3 =	ssub.s32 $0x0, s20;
	[sflag:s22] =	ssyncset.done $0x0  }
0xa0: {  	[sflag:s22] =	ssyncadd.s32 s3;
	_ =	sdelay $0x1  }
0xa1: {  	s23 =	simm.s32 $0x1B8B  }
0xa2: {  	_ =	swait.ge [sflag:s23], $0x1  }
0xa3: {  	[sflag:s23] =	ssyncset.done $0x0  }
0xa4: {  	s25 =	simm.s32 $0x1B8E;
	s24 =	sld [smem:$0x3FFE];
	[sflag:s23] =	ssyncadd.s32 $0xFFFFFFFF  }
0xa5: {  	s26 =	simm.s32 $execute0_lowered;
	[smem:$0x3FD2] =	sst s25  }
0xa6: {  	s4 =	sshll.u32 s26, $0x1;
	_ =	strace $0x80000049;
	[dreg:$0x1] =	wrdreg $0xFFFFFFFF  }
0xa7: {  	s28 =	simm.s32 $_size_execute0_lowered;
	s2 =	sadd.s32 s2, s4;
	[dreg:$0x0] =	wrdreg $0x0  }
0xa8: {  	s4 =	sshll.u32 s28, $0x1;
	[dreg:$0x2] =	wrdreg s2  }
0xa9: {  	[dreg:$0x3] =	wrdreg s4  }
0xaa: {  	[dreg:$0x4] =	wrdreg $0xC0  }
0xab: {  	_ =	task [dreg:s6], $0x5FFFF  }
0xac: {  	[dreg:$0x1] =	wrdreg $0xFFFFFFFF  }
0xad: {  	[dreg:$0x0] =	wrdreg $0x60  }
0xae: {  	[dreg:$0x2] =	wrdreg s24  }
0xaf: {  	[dreg:$0x3] =	wrdreg $0xBD000  }
0xb0: {  	[dreg:$0x4] =	wrdreg $0x9  }
0xb1: {  	_ =	task.clear_ibuf [dreg:s6], $0x5FFFF;
	_ =	strace $0x90000049  }
0xb2: {  	s29 =	simm.s32 $0x9;
	_ =	strace $0x8000004B  }
0xb3: {  	_ =	swait.ge [sflag:s29], $0x1  }
0xb4: {  	[sflag:s29] =	ssyncadd.s32 $0xFFFFFFFF  }
0xb5: {  	_ =	strace $0x9000004B  }
0xb6: {  	_ =	sfence  }
0xb7: {  	s30 =	sld [smem:$0x0];
	_ =	sdelay $0x2  }
0xb8: {  	s31 =	sshll.u32 s1, $0xD;
	s1 =	sshrl.u32 s1, $0x2  }
0xb9: {  	s3 =	sand.u32 $0x4000, s31;
	s1 =	sadd.s32 s1, s30  }
0xba: {  	s0 =	sor.u32 s3, s0;
	s1 =	sshll.u32 s1, $0x11  }
0xbb: {  	s0 =	sor.u32 s1, s0  }
0xbc: {  	s0 =	sadd.s32 $0x8F2B, s0  }
0xbd: {  	[sflag:s0] =	ssyncadd.remote.s32 $0x1  }
0xbe: {  	_ =	sfence.sel $0xFFFF  }
0xbf: {  	[dreg:$0x0] =	wrdreg $0xFFFFFFFF;
	(pc) =	sbr.abs _section_cstart, $3  }
0xc0: {  	[dreg:$0x1] =	wrdreg $0xFFFFFFFF  }
0xc1: {  	_ =	task.clear_ibuf [dreg:s6], $0x2FFFF;
	_ =	strace $0x9FFFFFFF  }
0xc2: {  	(tm) =	ssettm $0x7FFFFFFF  }
0xc3: {  	_ =	shalt  }
tec
execute0_lowered:
.L_overlay_start_1:
0x0: {  	(tag) =	ssettag $0x1  }
0x1: {  	s1 =	rddreg [dreg:$0x0]  }
0x2: {  	s3 =	srdreg.scid;
	s0 =	stileid.u32  }
0x3: {  	s2 =	rddreg [dreg:$0x1];
	s4 =	simm.s32 $0x0;
	s16 =	simm.s32 $0x78  }
0x4: {  	s28 =	simm.s32 $0x7D00;
	s12 =	sand.u32 $0x1, s3;
	s3 =	smul.u32 $0x5000, s0  }
0x5: {  	s29 =	simm.s32 $0x4;
	s30 =	simm.s32 $0x0;
	s7 =	smul.u32 $0x2780, s0  }
0x6: {  	[smem:$0x7FF] =	sst s4;
	s6 =	sadd.s32 $0x72400, s1;
	s11 =	smul.u32 $0x4F000, s0  }
0x7: {  	s21 =	sadd.s32 $0x16400, s1;
	s24 =	sshll.u32 s0, $0x6;
	s5 =	smul.u32 $0x1400, s12  }
0x8: {  	_ =	strace $0x8000004A;
	s9 =	smul.u32 $0x27800, s12;
	s20 =	ssub.s32 $0x2, s12  }
0x9: {  	[dreg:$0x4] =	wrdreg s21;
	p0 =	seq.s32 s12, $0x0;
	s13 =	smul.u32 $0x50, s12  }
0xa: {  	s21 =	simm.s32 $0x3C80;
	s22 =	sshrl.u32 s20, $0x1;
	s16 =	simm.s32 @!p0 $0x28  }
0xb: {  	s23 =	sshrl.u32 s11, $0x2;
	s8 =	sadd.s32 s5, s3;
	s5 =	sadd.s32 $0x3FE00, s1  }
0xc: {  	s19 =	sadd.s32 s7, s9;
	s17 =	ssub.s32 s20, s22;
	s18 =	sadd.s32 s23, s2  }
0xd: {  	s9 =	sor.u32 $0x1C05, s24;
	s13 =	sadd.s32 s13, s16;
	s31 =	sshll.u32 s16, $0x7  }
0xe: {  	s20 =	simm.s32 $0x3C00;
	s22 =	simm.s32 $0x1;
	s23 =	simm.s32 $0x80  }
0xf: {  	s24 =	simm.s32 $0x3D00;
	s8 =	sshrl.u32 s8, $0x3;
	s14 =	sshll.u32 s13, $0x7  }
0x10: {  	s16 =	smax.u32 s17, $0x1;
	[dreg:$0x3] =	wrdreg s31;
	s18 =	sshrl.u32 s18, $0x3  }
0x11: {  	s10 =	sadd.s32 s8, s1;
	s1 =	sadd.s32 s19, s1;
	s8 =	smul.u32 $0x3C00, s12  }
0x12: {  	s19 =	smul.u32 $0xA000, s12;
	s13 =	sadd.s32 $0xFFFFFF00, s14;
	s14 =	sadd.s32 $0xFFFFFF80, s14  }
0x13: {  	s26 =	sadd.s32 $0x68400, s10;
	s15 =	sadd.s32 $0x7C400, s1;
	s25 =	sadd.s32 s8, s3  }
0x14: {  	[dreg:$0x5] =	wrdreg s26;
	s19 =	sshrl.u32 s19, $0x2;
	s11 =	sshrl.u32 s25, $0x3  }
0x15: {  	s26 =	simm.s32 $0x3;
	s1 =	sor.u32 $0x80, s19;
	s11 =	sadd.s32 s6, s11  }
0x16: {  	s19 =	simm.s32 $0x5;
	s25 =	simm.s32 $0x2;
	s12 =	sadd.s32 $0x10, s11  }
.LBB2_1:
0x17: {  	s0 =	rddreg [dreg:$0x4]  }
0x18: {  	[spmem:s18], [sflag:s9] =	dma.local [hbm:s0], $0x2780  }
0x19: {  	_ =	swait.ge [sflag:s19], $0x2780  }
0x1a: {  	[sflag:s19] =	ssyncset.done $0x0  }
0x1b: {  	s17 =	rddreg [dreg:$0x5];
	[sflag:s19] =	ssyncadd.s32 $0xFFFFD880  }
0x1c: {  	[tilespmem:s4], [sflag:$0x5] =	stream.linear.gather [hbm4b:s17+s4], $0x3C00, $0x38;
	[tilespmem:$0x1F900] =	vst v63  }
0x1d: {  	_ =	swait.ge [sflag:s19], $0x3C00  }
0x1e: {  	[sflag:s19] =	ssyncset.done $0x0  }
0x1f: {  	[sflag:s19] =	ssyncadd.s32 $0xFFFFC400  }
0x20: {  	[bflag:$0x0] =	sbarrier.arrive $0xFFFF  }
0x21: {  	[tilespmem:s20], [sflag:$0x1] =	stream.linear.gather [hbm4b:s11+s4], $0x80, $0x38;
	[tilespmem:$0x1F900] =	vst v63  }
0x22: {  	_ = 	snop  }
0x23: {  	[tilespmem:s21], [sflag:$0x2] =	stream.linear.gather [hbm4b:s12+s4], $0x80, $0x38;
	[tilespmem:$0x1F900] =	vst v63  }
0x24: {  	_ =	swait.ge [sflag:s22], $0x80  }
0x25: {  	[sflag:s22] =	ssyncset.done $0x0  }
0x26: {  	s31 =	simm.s32 $0x100;
	s17 =	smov.u32 s1;
	[sflag:s22] =	ssyncadd.s32 $0xFFFFFF80  }
0x27: {  	[tilespmem:s24], [sflag:$0x3] =	stream.indirect.gather [hbm4b:s5+s23], $0x80, s20, s23, $0xb8;
	[tilespmem:$0x1F900] =	vst v63  }
.LBB2_2:
0x28: {  	_ =	swait.ge [sflag:s25], $0x80  }
0x29: {  	s0 =	sadd.s32 s31, s8;
	[sflag:s25] =	ssyncset.done $0x0  }
0x2a: {  	s7 =	sand.u32 $0xFFFFFC00, s0;
	[sflag:s25] =	ssyncadd.s32 $0xFFFFFF80  }
0x2b: {  	s10 =	sand.u32 $0x300, s31;
	s7 =	sadd.s32 s3, s7;
	_ =	swait.ge [sflag:s26], $0x4000  }
0x2c: {  	s7 =	sor.u32 s10, s7;
	[sflag:s26] =	ssyncset.done $0x0  }
0x2d: {  	s7 =	sshrl.u32 s7, $0x3;
	[sflag:s26] =	ssyncadd.s32 $0xFFFFC000  }
0x2e: {  	[tilespmem:s28], [sflag:$0x4] =	stream.indirect.gather [hbm4b:s5+s23], $0x80, s21, s23, $0xb8;
	[tilespmem:$0x1F900] =	vst v63  }
0x2f: {  	s7 =	sadd.s32 s6, s7  }
0x30: {  	[tilespmem:s20], [sflag:$0x1] =	stream.linear.gather [hbm4b:s7+s4], $0x80, $0x38;
	[tilespmem:$0x1F900] =	vst v63  }
0x31: {  	s10 =	sadd.s32 $0xFFFFFF80, s17  }
0x32: {  	[spmem:s2] =	stream.indirect.scatter.add.f32 [tilespmem:s24], [sflag:$0x5], $0x80, s10, s23, $0xb8;
	[tilespmem:$0x1F900] =	vst v63  }
0x33: {  	_ =	swait.ge [sflag:s19], $0x4000  }
0x34: {  	[sflag:s19] =	ssyncset.done $0x0  }
0x35: {  	[sflag:s19] =	ssyncadd.s32 $0xFFFFC000  }
0x36: {  	_ =	swait.ge [sflag:s22], $0x80  }
0x37: {  	s0 =	sadd.s32 $0x80, s0;
	[sflag:s22] =	ssyncset.done $0x0  }
0x38: {  	s0 =	sand.u32 $0xFFFFFC00, s0;
	s10 =	sadd.s32 $0x80, s31;
	[sflag:s22] =	ssyncadd.s32 $0xFFFFFF80  }
0x39: {  	s0 =	sadd.s32 s3, s0;
	s7 =	sand.u32 $0x380, s10;
	_ =	swait.ge [sflag:s29], $0x4000  }
0x3a: {  	s0 =	sor.u32 s7, s0;
	[sflag:s29] =	ssyncset.done $0x0  }
0x3b: {  	s0 =	sshrl.u32 s0, $0x3;
	[sflag:s29] =	ssyncadd.s32 $0xFFFFC000  }
0x3c: {  	[tilespmem:s24], [sflag:$0x3] =	stream.indirect.gather [hbm4b:s5+s23], $0x80, s20, s23, $0xb8;
	[tilespmem:$0x1F900] =	vst v63  }
0x3d: {  	s0 =	sadd.s32 s6, s0  }
0x3e: {  	[tilespmem:s21], [sflag:$0x2] =	stream.linear.gather [hbm4b:s0+s4], $0x80, $0x38;
	[tilespmem:$0x1F900] =	vst v63  }
0x3f: {  	_ = 	snop  }
0x40: {  	[spmem:s2] =	stream.indirect.scatter.add.f32 [tilespmem:s28], [sflag:$0x5], $0x80, s17, s23, $0xb8;
	[tilespmem:$0x1F900] =	vst v63  }
0x41: {  	_ =	swait.ge [sflag:s19], $0x4000  }
0x42: {  	s31 =	sadd.s32 $0x100, s31;
	s10 =	rddreg [dreg:$0x3]  }
0x43: {  	p0 =	sne.s32 s10, s31  }
.Ltmp0:
0x44: {  	_ = 	snop;
	(pc) =	sbr.rel @p0 .LBB2_2-.Ltmp0, $3  }
0x45: {  	_ =	sdelay $0x1  }
0x46: {  	[sflag:s19] =	ssyncset.done $0x0  }
0x47: {  	s17 =	sadd.s32 $0x100, s17;
	[sflag:s19] =	ssyncadd.s32 $0xFFFFC000  }
0x48: {  	_ =	swait.ge [sflag:s25], $0x80  }
0x49: {  	[sflag:s25] =	ssyncset.done $0x0  }
0x4a: {  	[sflag:s25] =	ssyncadd.s32 $0xFFFFFF80  }
0x4b: {  	_ =	swait.ge [sflag:s26], $0x4000  }
0x4c: {  	[sflag:s26] =	ssyncset.done $0x0  }
0x4d: {  	[sflag:s26] =	ssyncadd.s32 $0xFFFFC000  }
0x4e: {  	[tilespmem:s28], [sflag:$0x4] =	stream.indirect.gather [hbm4b:s5+s23], $0x80, s21, s23, $0xb8;
	[tilespmem:$0x1F900] =	vst v63  }
0x4f: {  	_ = 	snop  }
0x50: {  	[spmem:s2] =	stream.indirect.scatter.add.f32 [tilespmem:s24], [sflag:$0x5], $0x80, s13, s23, $0xb8;
	[tilespmem:$0x1F900] =	vst v63  }
0x51: {  	_ =	swait.ge [sflag:s19], $0x4000  }
0x52: {  	[sflag:s19] =	ssyncset.done $0x0  }
0x53: {  	[sflag:s19] =	ssyncadd.s32 $0xFFFFC000  }
0x54: {  	_ =	swait.ge [sflag:s29], $0x4000  }
0x55: {  	[sflag:s29] =	ssyncset.done $0x0  }
0x56: {  	[sflag:s29] =	ssyncadd.s32 $0xFFFFC000  }
0x57: {  	[spmem:s2] =	stream.indirect.scatter.add.f32 [tilespmem:s28], [sflag:$0x5], $0x80, s14, s23, $0xb8;
	[tilespmem:$0x1F900] =	vst v63  }
0x58: {  	_ =	swait.ge [sflag:s19], $0x4000  }
0x59: {  	s30 =	sadd.s32 $0x1, s30;
	[sflag:s19] =	ssyncset.done $0x0  }
0x5a: {  	p0 =	sne.s32 s30, s16;
	[sflag:s19] =	ssyncadd.s32 $0xFFFFC000  }
.Ltmp1:
0x5b: {  	[bflag:$0x0] =	sbarrier.arrive $0xFFFF;
	(pc) =	sbr.rel @p0 .LBB2_1-.Ltmp1, $4  }
0x5c: {  	[hbm:s15], [sflag:s9] =	dma.local [spmem:s18], $0x2780  }
0x5d: {  	_ =	swait.ge [sflag:s19], $0x2780  }
0x5e: {  	[sflag:s19] =	ssyncset.done $0x0  }
0x5f: {  	[sflag:s19] =	ssyncadd.s32 $0xFFFFD880  }
0x60: {  	_ =	sfence.sel $0x180000  }
0x61: {  	[bflag:$0x0] =	sbarrier.arrive $0xFFFF  }
0x62: {  	_ =	strace $0x9000004A  }
0x63: {  	s0 =	stileid.u32;
	[bflag:$0x2] =	sbarrier.arrive $0xFFFF  }
0x64: {  	p0 =	sne.s32 s0, $0x0;
	s0 =	rddreg [dreg:$0x2]  }
0x65: {  	s0 =	sadd.s32 @!p0 $0x100000, s0  }
0x66: {  	[sflag:s0] =	ssyncadd.tile.s32 @!p0 $0x1;
	_ =	shalt  }
.Lfunc_end2:
_tile_overlayer_lowered:
.L_overlay_start_2:
0x67: {  	(tag) =	ssettag $0x2  }
0x68: {  	s0 =	rddreg [dreg:$0x0];
	s2 =	stileid.u32  }
0x69: {  	s1 =	rddreg [dreg:$0x1];
	p0 =	sne.s32 s2, $0x0  }
0x6a: {  	s3 =	rddreg [dreg:$0x2];
	[bflag:$0x3] =	sbarrier.arrive $0xFFFF;
	s2 =	simm.s32 @!p0 $0x1C05  }
0x6b: {  	[timem:s3], [sflag:s2] =	dma.local @!p0 [hbm:s0], s1  }
0x6c: {  	s0 =	simm.s32 @!p0 $0x5  }
0x6d: {  	_ =	swait.ge @!p0 [sflag:s0], s1  }
0x6e: {  	s1 =	ssub.s32 @!p0 $0x0, s1;
	[sflag:s0] =	ssyncset.done @!p0 $0x0  }
0x6f: {  	[sflag:s0] =	ssyncadd.s32 @!p0 s1  }
0x70: {  	[bflag:$0x3] =	sbarrier.arrive $0xFFFF  }
0x71: {  	_ =	shalt  }

// kernel: kernel.16.cloned.1.call-start
scs
__scs_entry_jumppad:
0x0: {  	(pc) =	sbr.rel $0x88, $3  }
0x1: {  	(tag) =	ssettag $0x0;
	lr =	simm.s32 $0x1  }
0x2: {  	[smem:$0x3F98] =	sst lr;
	_ =	strace $0xD0000000  }
0x3: {  	_ = 	snop  }
0x4: {  	_ = 	snop  }
0x5: {  	_ = 	snop  }
0x6: {  	_ = 	snop  }
0x7: {  	_ = 	snop  }
__scs_overlays_trampoline_lowered:
0x8: {  	[smem:$0x3FA7] =	sst s0  }
0x9: {  	[smem:$0x3FA8] =	sst s1  }
0xa: {  	[smem:$0x3FA9] =	sst s2  }
0xb: {  	[smem:$0x3FAA] =	sst s3  }
0xc: {  	[smem:$0x3FAB] =	sst s4  }
0xd: {  	[smem:$0x3FAC] =	sst s5  }
0xe: {  	[smem:$0x3FAD] =	sst s6  }
0xf: {  	[smem:$0x3FAE] =	sst s7  }
0x10: {  	[smem:$0x3FAF] =	sst s8  }
0x11: {  	[smem:$0x3FB0] =	sst s9;
	s0 =	simm.s32 @!p0 $0x0  }
0x12: {  	s1 =	sld [smem:$0x3F96];
	s0 =	simm.s32 @p0 $0x1  }
0x13: {  	[smem:$0x3FB1] =	sst s0;
	s0 =	simm.s32 @!p1 $0x0  }
0x14: {  	s2 =	sld [smem:$0x3F95];
	s0 =	simm.s32 @p1 $0x1  }
0x15: {  	[smem:$0x3FB2] =	sst s0;
	s0 =	simm.s32 @!p2 $0x0  }
0x16: {  	s3 =	sld [smem:$0x3FDB];
	s0 =	simm.s32 @p2 $0x1  }
0x17: {  	s4 =	simm.s32 $0x1BF5;
	[smem:$0x3FB4] =	sst s0  }
0x18: {  	s0 =	sld [smem:$0x3F97];
	_ =	swait.ge [sflag:s4], $0x0  }
0x19: {  	s7 =	sld [smem:$0x3F98]  }
0x1a: {  	s8 =	sadd.s32 $0xFFFFE003, lr  }
0x1b: {  	s9 =	sadd.s32 $0xFFFFFEF7, lr;
	s5 =	simm.s32 $0xFFFFFFFF;
	p2 =	slt.u32 s8, $0xFFFFF086  }
0x1c: {  	p1 =	slt.u32 s9, $0xF7A;
	s5 =	simm.s32 @!p2 $0x0  }
0x1d: {  	s5 =	simm.s32 @p1 $0x1;
	p0 =	seq.s32 s7, s2  }
0x1e: {  	s7 =	smul.u32 @!p0 $0xF7A, s2;
	p2 =	seq.s32 @!p0 s5, $0x0  }
0x1f: {  	s9 =	smul.u32 $0xF7A, s1;
	s8 =	simm.s32 @!p0 $0x1BF5;
	p2 =	por !p2, p0  }
0x20: {  	[sflag:s8] =	ssyncset.s32 @!p0 $0xFFFFF086;
	s6 =	sadd.s32 @!p0 s3, s7;
	s7 =	simm.s32 @!p0 $0x108  }
0x21: {  	s3 =	sadd.s32 s3, s9;
	s6 =	sadd.s32 @!p0 $0x88, s6;
	s7 =	simm.s32 @p2 $0x1082  }
0x22: {  	[simem:s7], [sflag:s8] =	dma.local @!p0 [hbm:s6], $0xF7A  }
0x23: {  	s9 =	sor.u32 $0xD0000000, s2;
	s6 =	simm.s32 $0x108;
	_ =	swait.ge @!p0 [sflag:s8], $0x0  }
0x24: {  	s3 =	sadd.s32 $0x88, s3;
	s6 =	simm.s32 @!p1 $0x1082;
	[sflag:s4] =	ssyncset.s32 $0xFFFFF086  }
0x25: {  	[simem:s6], [sflag:s4] =	dma.local [hbm:s3], $0xF7A  }
0x26: {  	[smem:$0x3F98] =	sst s1;
	(tag) =	ssettag s2;
	_ =	strace s9  }
0x27: {  	s1 =	sld [smem:$0x3FA8]  }
0x28: {  	s2 =	sld [smem:$0x3FA9]  }
0x29: {  	s4 =	sld [smem:$0x3FAB]  }
0x2a: {  	p0 =	seq.s32 s5, $0x0;
	s5 =	sld [smem:$0x3FAC]  }
0x2b: {  	s6 =	sld [smem:$0x3FAD]  }
0x2c: {  	s7 =	sld [smem:$0x3FAE]  }
0x2d: {  	s3 =	simm.s32 $0x108;
	s8 =	sld [smem:$0x3FAF]  }
0x2e: {  	s3 =	simm.s32 @!p0 $0x1082;
	s9 =	sld [smem:$0x3FB0]  }
0x2f: {  	lr =	sadd.s32 s0, s3;
	s0 =	sld [smem:$0x3FA7]  }
0x30: {  	s3 =	sld [smem:$0x3FAA]  }
0x31: {  	[smem:$0x3FB3] =	sst s10  }
0x32: {  	s10 =	sld [smem:$0x3FB1];
	_ =	sdelay $0x3  }
0x33: {  	p0 =	seq.s32 s10, $0x1;
	s10 =	sld [smem:$0x3FB3];
	_ =	sdelay $0x3  }
0x34: {  	[smem:$0x3FB3] =	sst s10  }
0x35: {  	s10 =	sld [smem:$0x3FB2];
	_ =	sdelay $0x3  }
0x36: {  	p1 =	seq.s32 s10, $0x1;
	s10 =	sld [smem:$0x3FB3];
	_ =	sdelay $0x3  }
0x37: {  	[smem:$0x3FB3] =	sst s10  }
0x38: {  	s10 =	sld [smem:$0x3FB4]  }
0x39: {  	_ = 	snop;
	(pc) =	sbr.ind lr, $3  }
0x3a: {  	_ = 	snop  }
0x3b: {  	_ = 	snop  }
0x3c: {  	p2 =	seq.s32 s10, $0x1;
	s10 =	sld [smem:$0x3FB3]  }
0x3d: {  	_ =	shalt  }
0x3e: {  	_ =	shalt  }
0x3f: {  	_ =	shalt  }
0x40: {  	_ =	shalt  }
0x41: {  	_ =	shalt  }
0x42: {  	_ =	shalt  }
0x43: {  	_ =	shalt  }
0x44: {  	_ =	shalt  }
0x45: {  	_ =	shalt  }
0x46: {  	_ =	shalt  }
0x47: {  	_ =	shalt  }
0x48: {  	_ =	shalt  }
0x49: {  	_ =	shalt  }
0x4a: {  	_ =	shalt  }
0x4b: {  	_ =	shalt  }
0x4c: {  	_ =	shalt  }
0x4d: {  	_ =	shalt  }
0x4e: {  	_ =	shalt  }
0x4f: {  	_ =	shalt  }
0x50: {  	_ =	shalt  }
0x51: {  	_ =	shalt  }
0x52: {  	_ =	shalt  }
0x53: {  	_ =	shalt  }
0x54: {  	_ =	shalt  }
0x55: {  	_ =	shalt  }
0x56: {  	_ =	shalt  }
0x57: {  	_ =	shalt  }
0x58: {  	_ =	shalt  }
0x59: {  	_ =	shalt  }
0x5a: {  	_ =	shalt  }
0x5b: {  	_ =	shalt  }
0x5c: {  	_ =	shalt  }
0x5d: {  	_ =	shalt  }
0x5e: {  	_ =	shalt  }
0x5f: {  	_ =	shalt  }
0x60: {  	_ =	shalt  }
0x61: {  	_ =	shalt  }
0x62: {  	_ =	shalt  }
0x63: {  	_ =	shalt  }
0x64: {  	_ =	shalt  }
0x65: {  	_ =	shalt  }
0x66: {  	_ =	shalt  }
0x67: {  	_ =	shalt  }
0x68: {  	_ =	shalt  }
0x69: {  	_ =	shalt  }
0x6a: {  	_ =	shalt  }
0x6b: {  	_ =	shalt  }
0x6c: {  	_ =	shalt  }
0x6d: {  	_ =	shalt  }
0x6e: {  	_ =	shalt  }
0x6f: {  	_ =	shalt  }
0x70: {  	_ =	shalt  }
0x71: {  	_ =	shalt  }
0x72: {  	_ =	shalt  }
0x73: {  	_ =	shalt  }
0x74: {  	_ =	shalt  }
0x75: {  	_ =	shalt  }
0x76: {  	_ =	shalt  }
0x77: {  	_ =	shalt  }
0x78: {  	_ =	shalt  }
0x79: {  	_ =	shalt  }
0x7a: {  	_ =	shalt  }
0x7b: {  	_ =	shalt  }
0x7c: {  	_ =	shalt  }
0x7d: {  	_ =	shalt  }
0x7e: {  	_ =	shalt  }
0x7f: {  	_ =	shalt  }
0x80: {  	_ =	shalt  }
0x81: {  	_ =	shalt  }
0x82: {  	_ =	shalt  }
0x83: {  	_ =	shalt  }
0x84: {  	_ =	shalt  }
0x85: {  	_ =	shalt  }
0x86: {  	_ =	shalt  }
0x87: {  	_ =	shalt  }
.Lfunc_end0:
.L_simem_size_0:
called_computation.2_lowered:
.L_overlay_start_0:
0x88: {  	s2 =	sld [smem:$0x3FD9]  }
0x89: {  	s3 =	sld [smem:$0x3FFE];
	_ =	sdelay $0x1  }
0x8a: {  	s1 =	srdreg.scid  }
0x8b: {  	s0 =	sand.u32 $0x1, s1  }
0x8c: {  	s16 =	sshll.u32 s0, $0xA;
	s2 =	sadd.s32 s3, s2  }
0x8d: {  	s2 =	sadd.s32 s2, s16  }
0x8e: {  	[smem:$0x3FBF] =	sst s2  }
0x8f: {  	_ = 	snop  }
0x90: {  	(tm) =	ssettm $0x1  }
0x91: {  	s17 =	sld [smem:$0x3FFB];
	_ =	sdelay $0x3  }
0x92: {  	_ =	strace s17  }
0x93: {  	s2 =	sld [smem:$0x3FFC];
	_ =	sdelay $0x3  }
0x94: {  	_ =	strace s2  }
0x95: {  	s2 =	sld [smem:$0x3FFD];
	_ =	sdelay $0x3  }
0x96: {  	_ =	strace s2  }
0x97: {  	_ =	strace $0x8FFFFFFF  }
0x98: {  	s18 =	sld [smem:$0x3FDB];
	_ =	sdelay $0x1  }
0x99: {  	s19 =	simm.s32 $_scs_section_size  }
0x9a: {  	s4 =	simm.s32 $_size__tile_overlayer_lowered;
	s5 =	simm.s32 $_tile_overlayer_lowered  }
0x9b: {  	s22 =	simm.s32 $0x1BFF;
	s21 =	sshll.u32 s5, $0x1;
	s2 =	sadd.s32 s19, s18  }
0x9c: {  	s6 =	simm.s32 $0x0;
	s20 =	sshll.u32 s4, $0x1;
	s4 =	sadd.s32 s21, s2  }
0x9d: {  	[timem:s6], [sflag:s22] =	dma.local [hbm:s4], s20  }
0x9e: {  	_ =	swait.ge [sflag:s22], s20  }
0x9f: {  	s3 =	ssub.s32 $0x0, s20;
	[sflag:s22] =	ssyncset.done $0x0  }
0xa0: {  	[sflag:s22] =	ssyncadd.s32 s3;
	_ =	sdelay $0x1  }
0xa1: {  	s23 =	simm.s32 $0x1B8B  }
0xa2: {  	_ =	swait.ge [sflag:s23], $0x1  }
0xa3: {  	[sflag:s23] =	ssyncset.done $0x0  }
0xa4: {  	s25 =	simm.s32 $0x1B8E;
	s24 =	sld [smem:$0x3FFE];
	[sflag:s23] =	ssyncadd.s32 $0xFFFFFFFF  }
0xa5: {  	s26 =	simm.s32 $execute0_lowered;
	[smem:$0x3FD2] =	sst s25  }
0xa6: {  	s4 =	sshll.u32 s26, $0x1;
	_ =	strace $0x8000004C;
	[dreg:$0x1] =	wrdreg $0xFFFFFFFF  }
0xa7: {  	s28 =	simm.s32 $_size_execute0_lowered;
	s2 =	sadd.s32 s2, s4;
	[dreg:$0x0] =	wrdreg $0x0  }
0xa8: {  	s4 =	sshll.u32 s28, $0x1;
	[dreg:$0x2] =	wrdreg s2  }
0xa9: {  	[dreg:$0x3] =	wrdreg s4  }
0xaa: {  	[dreg:$0x4] =	wrdreg $0xC0  }
0xab: {  	_ =	task [dreg:s6], $0x5FFFF  }
0xac: {  	[dreg:$0x1] =	wrdreg $0xFFFFFFFF  }
0xad: {  	[dreg:$0x0] =	wrdreg $0x60  }
0xae: {  	[dreg:$0x2] =	wrdreg s24  }
0xaf: {  	[dreg:$0x3] =	wrdreg $0xBD000  }
0xb0: {  	[dreg:$0x4] =	wrdreg $0x9  }
0xb1: {  	_ =	task.clear_ibuf [dreg:s6], $0x5FFFF;
	_ =	strace $0x9000004C  }
0xb2: {  	s29 =	simm.s32 $0x9;
	_ =	strace $0x8000004E  }
0xb3: {  	_ =	swait.ge [sflag:s29], $0x1  }
0xb4: {  	[sflag:s29] =	ssyncadd.s32 $0xFFFFFFFF  }
0xb5: {  	_ =	strace $0x9000004E  }
0xb6: {  	_ =	sfence  }
0xb7: {  	s30 =	sld [smem:$0x0];
	_ =	sdelay $0x2  }
0xb8: {  	s31 =	sshll.u32 s1, $0xD;
	s1 =	sshrl.u32 s1, $0x2  }
0xb9: {  	s3 =	sand.u32 $0x4000, s31;
	s1 =	sadd.s32 s1, s30  }
0xba: {  	s0 =	sor.u32 s3, s0;
	s1 =	sshll.u32 s1, $0x11  }
0xbb: {  	s0 =	sor.u32 s1, s0  }
0xbc: {  	s0 =	sadd.s32 $0x8F2B, s0  }
0xbd: {  	[sflag:s0] =	ssyncadd.remote.s32 $0x1  }
0xbe: {  	_ =	sfence.sel $0xFFFF  }
0xbf: {  	[dreg:$0x0] =	wrdreg $0xFFFFFFFF;
	(pc) =	sbr.abs _section_cstart, $3  }
0xc0: {  	[dreg:$0x1] =	wrdreg $0xFFFFFFFF  }
0xc1: {  	_ =	task.clear_ibuf [dreg:s6], $0x2FFFF;
	_ =	strace $0x9FFFFFFF  }
0xc2: {  	(tm) =	ssettm $0x7FFFFFFF  }
0xc3: {  	_ =	shalt  }
tec
execute0_lowered:
.L_overlay_start_1:
0x0: {  	(tag) =	ssettag $0x1  }
0x1: {  	s1 =	rddreg [dreg:$0x0]  }
0x2: {  	s3 =	srdreg.scid;
	s0 =	stileid.u32  }
0x3: {  	s2 =	rddreg [dreg:$0x1];
	s4 =	simm.s32 $0x0;
	s16 =	simm.s32 $0x78  }
0x4: {  	s28 =	simm.s32 $0x7D00;
	s12 =	sand.u32 $0x1, s3;
	s3 =	smul.u32 $0x5000, s0  }
0x5: {  	s29 =	simm.s32 $0x4;
	s30 =	simm.s32 $0x0;
	s7 =	smul.u32 $0x2780, s0  }
0x6: {  	[smem:$0x7FF] =	sst s4;
	s6 =	sadd.s32 $0x72400, s1;
	s11 =	smul.u32 $0x4F000, s0  }
0x7: {  	s21 =	sadd.s32 $0x16400, s1;
	s24 =	sshll.u32 s0, $0x6;
	s5 =	smul.u32 $0x1400, s12  }
0x8: {  	_ =	strace $0x8000004D;
	s9 =	smul.u32 $0x27800, s12;
	s20 =	ssub.s32 $0x2, s12  }
0x9: {  	[dreg:$0x4] =	wrdreg s21;
	p0 =	seq.s32 s12, $0x0;
	s13 =	smul.u32 $0x50, s12  }
0xa: {  	s21 =	simm.s32 $0x3C80;
	s22 =	sshrl.u32 s20, $0x1;
	s16 =	simm.s32 @!p0 $0x28  }
0xb: {  	s23 =	sshrl.u32 s11, $0x2;
	s8 =	sadd.s32 s5, s3;
	s5 =	sadd.s32 $0x3FE00, s1  }
0xc: {  	s19 =	sadd.s32 s7, s9;
	s17 =	ssub.s32 s20, s22;
	s18 =	sadd.s32 s23, s2  }
0xd: {  	s9 =	sor.u32 $0x1C05, s24;
	s13 =	sadd.s32 s13, s16;
	s31 =	sshll.u32 s16, $0x7  }
0xe: {  	s20 =	simm.s32 $0x3C00;
	s22 =	simm.s32 $0x1;
	s23 =	simm.s32 $0x80  }
0xf: {  	s24 =	simm.s32 $0x3D00;
	s8 =	sshrl.u32 s8, $0x3;
	s14 =	sshll.u32 s13, $0x7  }
0x10: {  	s16 =	smax.u32 s17, $0x1;
	[dreg:$0x3] =	wrdreg s31;
	s18 =	sshrl.u32 s18, $0x3  }
0x11: {  	s10 =	sadd.s32 s8, s1;
	s1 =	sadd.s32 s19, s1;
	s8 =	smul.u32 $0x3C00, s12  }
0x12: {  	s19 =	smul.u32 $0xA000, s12;
	s13 =	sadd.s32 $0xFFFFFF00, s14;
	s14 =	sadd.s32 $0xFFFFFF80, s14  }
0x13: {  	s26 =	sadd.s32 $0x68400, s10;
	s15 =	sadd.s32 $0x7C400, s1;
	s25 =	sadd.s32 s8, s3  }
0x14: {  	[dreg:$0x5] =	wrdreg s26;
	s19 =	sshrl.u32 s19, $0x2;
	s11 =	sshrl.u32 s25, $0x3  }
0x15: {  	s26 =	simm.s32 $0x3;
	s1 =	sor.u32 $0x80, s19;
	s11 =	sadd.s32 s6, s11  }
0x16: {  	s19 =	simm.s32 $0x5;
	s25 =	simm.s32 $0x2;
	s12 =	sadd.s32 $0x10, s11  }
.LBB2_1:
0x17: {  	s0 =	rddreg [dreg:$0x4]  }
0x18: {  	[spmem:s18], [sflag:s9] =	dma.local [hbm:s0], $0x2780  }
0x19: {  	_ =	swait.ge [sflag:s19], $0x2780  }
0x1a: {  	[sflag:s19] =	ssyncset.done $0x0  }
0x1b: {  	s17 =	rddreg [dreg:$0x5];
	[sflag:s19] =	ssyncadd.s32 $0xFFFFD880  }
0x1c: {  	[tilespmem:s4], [sflag:$0x5] =	stream.linear.gather [hbm4b:s17+s4], $0x3C00, $0x38;
	[tilespmem:$0x1F900] =	vst v63  }
0x1d: {  	_ =	swait.ge [sflag:s19], $0x3C00  }
0x1e: {  	[sflag:s19] =	ssyncset.done $0x0  }
0x1f: {  	[sflag:s19] =	ssyncadd.s32 $0xFFFFC400  }
0x20: {  	[bflag:$0x0] =	sbarrier.arrive $0xFFFF  }
0x21: {  	[tilespmem:s20], [sflag:$0x1] =	stream.linear.gather [hbm4b:s11+s4], $0x80, $0x38;
	[tilespmem:$0x1F900] =	vst v63  }
0x22: {  	_ = 	snop  }
0x23: {  	[tilespmem:s21], [sflag:$0x2] =	stream.linear.gather [hbm4b:s12+s4], $0x80, $0x38;
	[tilespmem:$0x1F900] =	vst v63  }
0x24: {  	_ =	swait.ge [sflag:s22], $0x80  }
0x25: {  	[sflag:s22] =	ssyncset.done $0x0  }
0x26: {  	s31 =	simm.s32 $0x100;
	s17 =	smov.u32 s1;
	[sflag:s22] =	ssyncadd.s32 $0xFFFFFF80  }
0x27: {  	[tilespmem:s24], [sflag:$0x3] =	stream.indirect.gather [hbm4b:s5+s23], $0x80, s20, s23, $0xb8;
	[tilespmem:$0x1F900] =	vst v63  }
.LBB2_2:
0x28: {  	_ =	swait.ge [sflag:s25], $0x80  }
0x29: {  	s0 =	sadd.s32 s31, s8;
	[sflag:s25] =	ssyncset.done $0x0  }
0x2a: {  	s7 =	sand.u32 $0xFFFFFC00, s0;
	[sflag:s25] =	ssyncadd.s32 $0xFFFFFF80  }
0x2b: {  	s10 =	sand.u32 $0x300, s31;
	s7 =	sadd.s32 s3, s7;
	_ =	swait.ge [sflag:s26], $0x4000  }
0x2c: {  	s7 =	sor.u32 s10, s7;
	[sflag:s26] =	ssyncset.done $0x0  }
0x2d: {  	s7 =	sshrl.u32 s7, $0x3;
	[sflag:s26] =	ssyncadd.s32 $0xFFFFC000  }
0x2e: {  	[tilespmem:s28], [sflag:$0x4] =	stream.indirect.gather [hbm4b:s5+s23], $0x80, s21, s23, $0xb8;
	[tilespmem:$0x1F900] =	vst v63  }
0x2f: {  	s7 =	sadd.s32 s6, s7  }
0x30: {  	[tilespmem:s20], [sflag:$0x1] =	stream.linear.gather [hbm4b:s7+s4], $0x80, $0x38;
	[tilespmem:$0x1F900] =	vst v63  }
0x31: {  	s10 =	sadd.s32 $0xFFFFFF80, s17  }
0x32: {  	[spmem:s2] =	stream.indirect.scatter.add.f32 [tilespmem:s24], [sflag:$0x5], $0x80, s10, s23, $0xb8;
	[tilespmem:$0x1F900] =	vst v63  }
0x33: {  	_ =	swait.ge [sflag:s19], $0x4000  }
0x34: {  	[sflag:s19] =	ssyncset.done $0x0  }
0x35: {  	[sflag:s19] =	ssyncadd.s32 $0xFFFFC000  }
0x36: {  	_ =	swait.ge [sflag:s22], $0x80  }
0x37: {  	s0 =	sadd.s32 $0x80, s0;
	[sflag:s22] =	ssyncset.done $0x0  }
0x38: {  	s0 =	sand.u32 $0xFFFFFC00, s0;
	s10 =	sadd.s32 $0x80, s31;
	[sflag:s22] =	ssyncadd.s32 $0xFFFFFF80  }
0x39: {  	s0 =	sadd.s32 s3, s0;
	s7 =	sand.u32 $0x380, s10;
	_ =	swait.ge [sflag:s29], $0x4000  }
0x3a: {  	s0 =	sor.u32 s7, s0;
	[sflag:s29] =	ssyncset.done $0x0  }
0x3b: {  	s0 =	sshrl.u32 s0, $0x3;
	[sflag:s29] =	ssyncadd.s32 $0xFFFFC000  }
0x3c: {  	[tilespmem:s24], [sflag:$0x3] =	stream.indirect.gather [hbm4b:s5+s23], $0x80, s20, s23, $0xb8;
	[tilespmem:$0x1F900] =	vst v63  }
0x3d: {  	s0 =	sadd.s32 s6, s0  }
0x3e: {  	[tilespmem:s21], [sflag:$0x2] =	stream.linear.gather [hbm4b:s0+s4], $0x80, $0x38;
	[tilespmem:$0x1F900] =	vst v63  }
0x3f: {  	_ = 	snop  }
0x40: {  	[spmem:s2] =	stream.indirect.scatter.add.f32 [tilespmem:s28], [sflag:$0x5], $0x80, s17, s23, $0xb8;
	[tilespmem:$0x1F900] =	vst v63  }
0x41: {  	_ =	swait.ge [sflag:s19], $0x4000  }
0x42: {  	s31 =	sadd.s32 $0x100, s31;
	s10 =	rddreg [dreg:$0x3]  }
0x43: {  	p0 =	sne.s32 s10, s31  }
.Ltmp0:
0x44: {  	_ = 	snop;
	(pc) =	sbr.rel @p0 .LBB2_2-.Ltmp0, $3  }
0x45: {  	_ =	sdelay $0x1  }
0x46: {  	[sflag:s19] =	ssyncset.done $0x0  }
0x47: {  	s17 =	sadd.s32 $0x100, s17;
	[sflag:s19] =	ssyncadd.s32 $0xFFFFC000  }
0x48: {  	_ =	swait.ge [sflag:s25], $0x80  }
0x49: {  	[sflag:s25] =	ssyncset.done $0x0  }
0x4a: {  	[sflag:s25] =	ssyncadd.s32 $0xFFFFFF80  }
0x4b: {  	_ =	swait.ge [sflag:s26], $0x4000  }
0x4c: {  	[sflag:s26] =	ssyncset.done $0x0  }
0x4d: {  	[sflag:s26] =	ssyncadd.s32 $0xFFFFC000  }
0x4e: {  	[tilespmem:s28], [sflag:$0x4] =	stream.indirect.gather [hbm4b:s5+s23], $0x80, s21, s23, $0xb8;
	[tilespmem:$0x1F900] =	vst v63  }
0x4f: {  	_ = 	snop  }
0x50: {  	[spmem:s2] =	stream.indirect.scatter.add.f32 [tilespmem:s24], [sflag:$0x5], $0x80, s13, s23, $0xb8;
	[tilespmem:$0x1F900] =	vst v63  }
0x51: {  	_ =	swait.ge [sflag:s19], $0x4000  }
0x52: {  	[sflag:s19] =	ssyncset.done $0x0  }
0x53: {  	[sflag:s19] =	ssyncadd.s32 $0xFFFFC000  }
0x54: {  	_ =	swait.ge [sflag:s29], $0x4000  }
0x55: {  	[sflag:s29] =	ssyncset.done $0x0  }
0x56: {  	[sflag:s29] =	ssyncadd.s32 $0xFFFFC000  }
0x57: {  	[spmem:s2] =	stream.indirect.scatter.add.f32 [tilespmem:s28], [sflag:$0x5], $0x80, s14, s23, $0xb8;
	[tilespmem:$0x1F900] =	vst v63  }
0x58: {  	_ =	swait.ge [sflag:s19], $0x4000  }
0x59: {  	s30 =	sadd.s32 $0x1, s30;
	[sflag:s19] =	ssyncset.done $0x0  }
0x5a: {  	p0 =	sne.s32 s30, s16;
	[sflag:s19] =	ssyncadd.s32 $0xFFFFC000  }
.Ltmp1:
0x5b: {  	[bflag:$0x0] =	sbarrier.arrive $0xFFFF;
	(pc) =	sbr.rel @p0 .LBB2_1-.Ltmp1, $4  }
0x5c: {  	[hbm:s15], [sflag:s9] =	dma.local [spmem:s18], $0x2780  }
0x5d: {  	_ =	swait.ge [sflag:s19], $0x2780  }
0x5e: {  	[sflag:s19] =	ssyncset.done $0x0  }
0x5f: {  	[sflag:s19] =	ssyncadd.s32 $0xFFFFD880  }
0x60: {  	_ =	sfence.sel $0x180000  }
0x61: {  	[bflag:$0x0] =	sbarrier.arrive $0xFFFF  }
0x62: {  	_ =	strace $0x9000004D  }
0x63: {  	s0 =	stileid.u32;
	[bflag:$0x2] =	sbarrier.arrive $0xFFFF  }
0x64: {  	p0 =	sne.s32 s0, $0x0;
	s0 =	rddreg [dreg:$0x2]  }
0x65: {  	s0 =	sadd.s32 @!p0 $0x100000, s0  }
0x66: {  	[sflag:s0] =	ssyncadd.tile.s32 @!p0 $0x1;
	_ =	shalt  }
.Lfunc_end2:
_tile_overlayer_lowered:
.L_overlay_start_2:
0x67: {  	(tag) =	ssettag $0x2  }
0x68: {  	s0 =	rddreg [dreg:$0x0];
	s2 =	stileid.u32  }
0x69: {  	s1 =	rddreg [dreg:$0x1];
	p0 =	sne.s32 s2, $0x0  }
0x6a: {  	s3 =	rddreg [dreg:$0x2];
	[bflag:$0x3] =	sbarrier.arrive $0xFFFF;
	s2 =	simm.s32 @!p0 $0x1C05  }
0x6b: {  	[timem:s3], [sflag:s2] =	dma.local @!p0 [hbm:s0], s1  }
0x6c: {  	s0 =	simm.s32 @!p0 $0x5  }
0x6d: {  	_ =	swait.ge @!p0 [sflag:s0], s1  }
0x6e: {  	s1 =	ssub.s32 @!p0 $0x0, s1;
	[sflag:s0] =	ssyncset.done @!p0 $0x0  }
0x6f: {  	[sflag:s0] =	ssyncadd.s32 @!p0 s1  }
0x70: {  	[bflag:$0x3] =	sbarrier.arrive $0xFFFF  }
0x71: {  	_ =	shalt  }

// kernel: kernel.19.cloned.1.call-start
scs
__scs_entry_jumppad:
0x0: {  	(pc) =	sbr.rel $0x88, $3  }
0x1: {  	(tag) =	ssettag $0x0;
	lr =	simm.s32 $0x1  }
0x2: {  	[smem:$0x3F98] =	sst lr;
	_ =	strace $0xD0000000  }
0x3: {  	_ = 	snop  }
0x4: {  	_ = 	snop  }
0x5: {  	_ = 	snop  }
0x6: {  	_ = 	snop  }
0x7: {  	_ = 	snop  }
__scs_overlays_trampoline_lowered:
0x8: {  	[smem:$0x3FA7] =	sst s0  }
0x9: {  	[smem:$0x3FA8] =	sst s1  }
0xa: {  	[smem:$0x3FA9] =	sst s2  }
0xb: {  	[smem:$0x3FAA] =	sst s3  }
0xc: {  	[smem:$0x3FAB] =	sst s4  }
0xd: {  	[smem:$0x3FAC] =	sst s5  }
0xe: {  	[smem:$0x3FAD] =	sst s6  }
0xf: {  	[smem:$0x3FAE] =	sst s7  }
0x10: {  	[smem:$0x3FAF] =	sst s8  }
0x11: {  	[smem:$0x3FB0] =	sst s9;
	s0 =	simm.s32 @!p0 $0x0  }
0x12: {  	s1 =	sld [smem:$0x3F96];
	s0 =	simm.s32 @p0 $0x1  }
0x13: {  	[smem:$0x3FB1] =	sst s0;
	s0 =	simm.s32 @!p1 $0x0  }
0x14: {  	s2 =	sld [smem:$0x3F95];
	s0 =	simm.s32 @p1 $0x1  }
0x15: {  	[smem:$0x3FB2] =	sst s0;
	s0 =	simm.s32 @!p2 $0x0  }
0x16: {  	s3 =	sld [smem:$0x3FDB];
	s0 =	simm.s32 @p2 $0x1  }
0x17: {  	s4 =	simm.s32 $0x1BF5;
	[smem:$0x3FB4] =	sst s0  }
0x18: {  	s0 =	sld [smem:$0x3F97];
	_ =	swait.ge [sflag:s4], $0x0  }
0x19: {  	s7 =	sld [smem:$0x3F98]  }
0x1a: {  	s8 =	sadd.s32 $0xFFFFE003, lr  }
0x1b: {  	s9 =	sadd.s32 $0xFFFFFEF7, lr;
	s5 =	simm.s32 $0xFFFFFFFF;
	p2 =	slt.u32 s8, $0xFFFFF086  }
0x1c: {  	p1 =	slt.u32 s9, $0xF7A;
	s5 =	simm.s32 @!p2 $0x0  }
0x1d: {  	s5 =	simm.s32 @p1 $0x1;
	p0 =	seq.s32 s7, s2  }
0x1e: {  	s7 =	smul.u32 @!p0 $0xF7A, s2;
	p2 =	seq.s32 @!p0 s5, $0x0  }
0x1f: {  	s9 =	smul.u32 $0xF7A, s1;
	s8 =	simm.s32 @!p0 $0x1BF5;
	p2 =	por !p2, p0  }
0x20: {  	[sflag:s8] =	ssyncset.s32 @!p0 $0xFFFFF086;
	s6 =	sadd.s32 @!p0 s3, s7;
	s7 =	simm.s32 @!p0 $0x108  }
0x21: {  	s3 =	sadd.s32 s3, s9;
	s6 =	sadd.s32 @!p0 $0x88, s6;
	s7 =	simm.s32 @p2 $0x1082  }
0x22: {  	[simem:s7], [sflag:s8] =	dma.local @!p0 [hbm:s6], $0xF7A  }
0x23: {  	s9 =	sor.u32 $0xD0000000, s2;
	s6 =	simm.s32 $0x108;
	_ =	swait.ge @!p0 [sflag:s8], $0x0  }
0x24: {  	s3 =	sadd.s32 $0x88, s3;
	s6 =	simm.s32 @!p1 $0x1082;
	[sflag:s4] =	ssyncset.s32 $0xFFFFF086  }
0x25: {  	[simem:s6], [sflag:s4] =	dma.local [hbm:s3], $0xF7A  }
0x26: {  	[smem:$0x3F98] =	sst s1;
	(tag) =	ssettag s2;
	_ =	strace s9  }
0x27: {  	s1 =	sld [smem:$0x3FA8]  }
0x28: {  	s2 =	sld [smem:$0x3FA9]  }
0x29: {  	s4 =	sld [smem:$0x3FAB]  }
0x2a: {  	p0 =	seq.s32 s5, $0x0;
	s5 =	sld [smem:$0x3FAC]  }
0x2b: {  	s6 =	sld [smem:$0x3FAD]  }
0x2c: {  	s7 =	sld [smem:$0x3FAE]  }
0x2d: {  	s3 =	simm.s32 $0x108;
	s8 =	sld [smem:$0x3FAF]  }
0x2e: {  	s3 =	simm.s32 @!p0 $0x1082;
	s9 =	sld [smem:$0x3FB0]  }
0x2f: {  	lr =	sadd.s32 s0, s3;
	s0 =	sld [smem:$0x3FA7]  }
0x30: {  	s3 =	sld [smem:$0x3FAA]  }
0x31: {  	[smem:$0x3FB3] =	sst s10  }
0x32: {  	s10 =	sld [smem:$0x3FB1];
	_ =	sdelay $0x3  }
0x33: {  	p0 =	seq.s32 s10, $0x1;
	s10 =	sld [smem:$0x3FB3];
	_ =	sdelay $0x3  }
0x34: {  	[smem:$0x3FB3] =	sst s10  }
0x35: {  	s10 =	sld [smem:$0x3FB2];
	_ =	sdelay $0x3  }
0x36: {  	p1 =	seq.s32 s10, $0x1;
	s10 =	sld [smem:$0x3FB3];
	_ =	sdelay $0x3  }
0x37: {  	[smem:$0x3FB3] =	sst s10  }
0x38: {  	s10 =	sld [smem:$0x3FB4]  }
0x39: {  	_ = 	snop;
	(pc) =	sbr.ind lr, $3  }
0x3a: {  	_ = 	snop  }
0x3b: {  	_ = 	snop  }
0x3c: {  	p2 =	seq.s32 s10, $0x1;
	s10 =	sld [smem:$0x3FB3]  }
0x3d: {  	_ =	shalt  }
0x3e: {  	_ =	shalt  }
0x3f: {  	_ =	shalt  }
0x40: {  	_ =	shalt  }
0x41: {  	_ =	shalt  }
0x42: {  	_ =	shalt  }
0x43: {  	_ =	shalt  }
0x44: {  	_ =	shalt  }
0x45: {  	_ =	shalt  }
0x46: {  	_ =	shalt  }
0x47: {  	_ =	shalt  }
0x48: {  	_ =	shalt  }
0x49: {  	_ =	shalt  }
0x4a: {  	_ =	shalt  }
0x4b: {  	_ =	shalt  }
0x4c: {  	_ =	shalt  }
0x4d: {  	_ =	shalt  }
0x4e: {  	_ =	shalt  }
0x4f: {  	_ =	shalt  }
0x50: {  	_ =	shalt  }
0x51: {  	_ =	shalt  }
0x52: {  	_ =	shalt  }
0x53: {  	_ =	shalt  }
0x54: {  	_ =	shalt  }
0x55: {  	_ =	shalt  }
0x56: {  	_ =	shalt  }
0x57: {  	_ =	shalt  }
0x58: {  	_ =	shalt  }
0x59: {  	_ =	shalt  }
0x5a: {  	_ =	shalt  }
0x5b: {  	_ =	shalt  }
0x5c: {  	_ =	shalt  }
0x5d: {  	_ =	shalt  }
0x5e: {  	_ =	shalt  }
0x5f: {  	_ =	shalt  }
0x60: {  	_ =	shalt  }
0x61: {  	_ =	shalt  }
0x62: {  	_ =	shalt  }
0x63: {  	_ =	shalt  }
0x64: {  	_ =	shalt  }
0x65: {  	_ =	shalt  }
0x66: {  	_ =	shalt  }
0x67: {  	_ =	shalt  }
0x68: {  	_ =	shalt  }
0x69: {  	_ =	shalt  }
0x6a: {  	_ =	shalt  }
0x6b: {  	_ =	shalt  }
0x6c: {  	_ =	shalt  }
0x6d: {  	_ =	shalt  }
0x6e: {  	_ =	shalt  }
0x6f: {  	_ =	shalt  }
0x70: {  	_ =	shalt  }
0x71: {  	_ =	shalt  }
0x72: {  	_ =	shalt  }
0x73: {  	_ =	shalt  }
0x74: {  	_ =	shalt  }
0x75: {  	_ =	shalt  }
0x76: {  	_ =	shalt  }
0x77: {  	_ =	shalt  }
0x78: {  	_ =	shalt  }
0x79: {  	_ =	shalt  }
0x7a: {  	_ =	shalt  }
0x7b: {  	_ =	shalt  }
0x7c: {  	_ =	shalt  }
0x7d: {  	_ =	shalt  }
0x7e: {  	_ =	shalt  }
0x7f: {  	_ =	shalt  }
0x80: {  	_ =	shalt  }
0x81: {  	_ =	shalt  }
0x82: {  	_ =	shalt  }
0x83: {  	_ =	shalt  }
0x84: {  	_ =	shalt  }
0x85: {  	_ =	shalt  }
0x86: {  	_ =	shalt  }
0x87: {  	_ =	shalt  }
.Lfunc_end0:
.L_simem_size_0:
called_computation.3_lowered:
.L_overlay_start_0:
0x88: {  	s2 =	sld [smem:$0x3FD9]  }
0x89: {  	s3 =	sld [smem:$0x3FFE];
	_ =	sdelay $0x1  }
0x8a: {  	s1 =	srdreg.scid  }
0x8b: {  	s0 =	sand.u32 $0x1, s1  }
0x8c: {  	s16 =	sshll.u32 s0, $0xA;
	s2 =	sadd.s32 s3, s2  }
0x8d: {  	s2 =	sadd.s32 s2, s16  }
0x8e: {  	[smem:$0x3FBF] =	sst s2  }
0x8f: {  	_ = 	snop  }
0x90: {  	(tm) =	ssettm $0x1  }
0x91: {  	s17 =	sld [smem:$0x3FFB];
	_ =	sdelay $0x3  }
0x92: {  	_ =	strace s17  }
0x93: {  	s2 =	sld [smem:$0x3FFC];
	_ =	sdelay $0x3  }
0x94: {  	_ =	strace s2  }
0x95: {  	s2 =	sld [smem:$0x3FFD];
	_ =	sdelay $0x3  }
0x96: {  	_ =	strace s2  }
0x97: {  	_ =	strace $0x8FFFFFFF  }
0x98: {  	s18 =	sld [smem:$0x3FDB];
	_ =	sdelay $0x1  }
0x99: {  	s19 =	simm.s32 $_scs_section_size  }
0x9a: {  	s4 =	simm.s32 $_size__tile_overlayer_lowered;
	s5 =	simm.s32 $_tile_overlayer_lowered  }
0x9b: {  	s22 =	simm.s32 $0x1BFF;
	s21 =	sshll.u32 s5, $0x1;
	s2 =	sadd.s32 s19, s18  }
0x9c: {  	s6 =	simm.s32 $0x0;
	s20 =	sshll.u32 s4, $0x1;
	s4 =	sadd.s32 s21, s2  }
0x9d: {  	[timem:s6], [sflag:s22] =	dma.local [hbm:s4], s20  }
0x9e: {  	_ =	swait.ge [sflag:s22], s20  }
0x9f: {  	s3 =	ssub.s32 $0x0, s20;
	[sflag:s22] =	ssyncset.done $0x0  }
0xa0: {  	[sflag:s22] =	ssyncadd.s32 s3;
	_ =	sdelay $0x1  }
0xa1: {  	s23 =	simm.s32 $0x1B8B  }
0xa2: {  	_ =	swait.ge [sflag:s23], $0x1  }
0xa3: {  	[sflag:s23] =	ssyncset.done $0x0  }
0xa4: {  	s25 =	simm.s32 $0x1B8E;
	s24 =	sld [smem:$0x3FFE];
	[sflag:s23] =	ssyncadd.s32 $0xFFFFFFFF  }
0xa5: {  	s26 =	simm.s32 $execute0_lowered;
	[smem:$0x3FD2] =	sst s25  }
0xa6: {  	s4 =	sshll.u32 s26, $0x1;
	_ =	strace $0x8000004F;
	[dreg:$0x1] =	wrdreg $0xFFFFFFFF  }
0xa7: {  	s28 =	simm.s32 $_size_execute0_lowered;
	s2 =	sadd.s32 s2, s4;
	[dreg:$0x0] =	wrdreg $0x0  }
0xa8: {  	s4 =	sshll.u32 s28, $0x1;
	[dreg:$0x2] =	wrdreg s2  }
0xa9: {  	[dreg:$0x3] =	wrdreg s4  }
0xaa: {  	[dreg:$0x4] =	wrdreg $0xC0  }
0xab: {  	_ =	task [dreg:s6], $0x5FFFF  }
0xac: {  	[dreg:$0x1] =	wrdreg $0xFFFFFFFF  }
0xad: {  	[dreg:$0x0] =	wrdreg $0x60  }
0xae: {  	[dreg:$0x2] =	wrdreg s24  }
0xaf: {  	[dreg:$0x3] =	wrdreg $0xBD000  }
0xb0: {  	[dreg:$0x4] =	wrdreg $0x9  }
0xb1: {  	_ =	task.clear_ibuf [dreg:s6], $0x5FFFF;
	_ =	strace $0x9000004F  }
0xb2: {  	s29 =	simm.s32 $0x9;
	_ =	strace $0x80000051  }
0xb3: {  	_ =	swait.ge [sflag:s29], $0x1  }
0xb4: {  	[sflag:s29] =	ssyncadd.s32 $0xFFFFFFFF  }
0xb5: {  	_ =	strace $0x90000051  }
0xb6: {  	_ =	sfence  }
0xb7: {  	s30 =	sld [smem:$0x0];
	_ =	sdelay $0x2  }
0xb8: {  	s31 =	sshll.u32 s1, $0xD;
	s1 =	sshrl.u32 s1, $0x2  }
0xb9: {  	s3 =	sand.u32 $0x4000, s31;
	s1 =	sadd.s32 s1, s30  }
0xba: {  	s0 =	sor.u32 s3, s0;
	s1 =	sshll.u32 s1, $0x11  }
0xbb: {  	s0 =	sor.u32 s1, s0  }
0xbc: {  	s0 =	sadd.s32 $0x8F2B, s0  }
0xbd: {  	[sflag:s0] =	ssyncadd.remote.s32 $0x1  }
0xbe: {  	_ =	sfence.sel $0xFFFF  }
0xbf: {  	[dreg:$0x0] =	wrdreg $0xFFFFFFFF;
	(pc) =	sbr.abs _section_cstart, $3  }
0xc0: {  	[dreg:$0x1] =	wrdreg $0xFFFFFFFF  }
0xc1: {  	_ =	task.clear_ibuf [dreg:s6], $0x2FFFF;
	_ =	strace $0x9FFFFFFF  }
0xc2: {  	(tm) =	ssettm $0x7FFFFFFF  }
0xc3: {  	_ =	shalt  }
tec
execute0_lowered:
.L_overlay_start_1:
0x0: {  	(tag) =	ssettag $0x1  }
0x1: {  	s1 =	rddreg [dreg:$0x0]  }
0x2: {  	s3 =	srdreg.scid;
	s0 =	stileid.u32  }
0x3: {  	s2 =	rddreg [dreg:$0x1];
	s4 =	simm.s32 $0x0;
	s16 =	simm.s32 $0x78  }
0x4: {  	s28 =	simm.s32 $0x7D00;
	s12 =	sand.u32 $0x1, s3;
	s3 =	smul.u32 $0x5000, s0  }
0x5: {  	s29 =	simm.s32 $0x4;
	s30 =	simm.s32 $0x0;
	s7 =	smul.u32 $0x2780, s0  }
0x6: {  	[smem:$0x7FF] =	sst s4;
	s6 =	sadd.s32 $0x72400, s1;
	s11 =	smul.u32 $0x4F000, s0  }
0x7: {  	s21 =	sadd.s32 $0x16400, s1;
	s24 =	sshll.u32 s0, $0x6;
	s5 =	smul.u32 $0x1400, s12  }
0x8: {  	_ =	strace $0x80000050;
	s9 =	smul.u32 $0x27800, s12;
	s20 =	ssub.s32 $0x2, s12  }
0x9: {  	[dreg:$0x4] =	wrdreg s21;
	p0 =	seq.s32 s12, $0x0;
	s13 =	smul.u32 $0x50, s12  }
0xa: {  	s21 =	simm.s32 $0x3C80;
	s22 =	sshrl.u32 s20, $0x1;
	s16 =	simm.s32 @!p0 $0x28  }
0xb: {  	s23 =	sshrl.u32 s11, $0x2;
	s8 =	sadd.s32 s5, s3;
	s5 =	sadd.s32 $0x18C00, s1  }
0xc: {  	s19 =	sadd.s32 s7, s9;
	s17 =	ssub.s32 s20, s22;
	s18 =	sadd.s32 s23, s2  }
0xd: {  	s9 =	sor.u32 $0x1C05, s24;
	s13 =	sadd.s32 s13, s16;
	s31 =	sshll.u32 s16, $0x7  }
0xe: {  	s20 =	simm.s32 $0x3C00;
	s22 =	simm.s32 $0x1;
	s23 =	simm.s32 $0x80  }
0xf: {  	s24 =	simm.s32 $0x3D00;
	s8 =	sshrl.u32 s8, $0x3;
	s14 =	sshll.u32 s13, $0x7  }
0x10: {  	s16 =	smax.u32 s17, $0x1;
	[dreg:$0x3] =	wrdreg s31;
	s18 =	sshrl.u32 s18, $0x3  }
0x11: {  	s10 =	sadd.s32 s8, s1;
	s1 =	sadd.s32 s19, s1;
	s8 =	smul.u32 $0x3C00, s12  }
0x12: {  	s19 =	smul.u32 $0xA000, s12;
	s13 =	sadd.s32 $0xFFFFFF00, s14;
	s14 =	sadd.s32 $0xFFFFFF80, s14  }
0x13: {  	s26 =	sadd.s32 $0x68400, s10;
	s15 =	sadd.s32 $0x7C400, s1;
	s25 =	sadd.s32 s8, s3  }
0x14: {  	[dreg:$0x5] =	wrdreg s26;
	s19 =	sshrl.u32 s19, $0x2;
	s11 =	sshrl.u32 s25, $0x3  }
0x15: {  	s26 =	simm.s32 $0x3;
	s1 =	sor.u32 $0x80, s19;
	s11 =	sadd.s32 s6, s11  }
0x16: {  	s19 =	simm.s32 $0x5;
	s25 =	simm.s32 $0x2;
	s12 =	sadd.s32 $0x10, s11  }
.LBB2_1:
0x17: {  	s0 =	rddreg [dreg:$0x4]  }
0x18: {  	[spmem:s18], [sflag:s9] =	dma.local [hbm:s0], $0x2780  }
0x19: {  	_ =	swait.ge [sflag:s19], $0x2780  }
0x1a: {  	[sflag:s19] =	ssyncset.done $0x0  }
0x1b: {  	s17 =	rddreg [dreg:$0x5];
	[sflag:s19] =	ssyncadd.s32 $0xFFFFD880  }
0x1c: {  	[tilespmem:s4], [sflag:$0x5] =	stream.linear.gather [hbm4b:s17+s4], $0x3C00, $0x38;
	[tilespmem:$0x1F900] =	vst v63  }
0x1d: {  	_ =	swait.ge [sflag:s19], $0x3C00  }
0x1e: {  	[sflag:s19] =	ssyncset.done $0x0  }
0x1f: {  	[sflag:s19] =	ssyncadd.s32 $0xFFFFC400  }
0x20: {  	[bflag:$0x0] =	sbarrier.arrive $0xFFFF  }
0x21: {  	[tilespmem:s20], [sflag:$0x1] =	stream.linear.gather [hbm4b:s11+s4], $0x80, $0x38;
	[tilespmem:$0x1F900] =	vst v63  }
0x22: {  	_ = 	snop  }
0x23: {  	[tilespmem:s21], [sflag:$0x2] =	stream.linear.gather [hbm4b:s12+s4], $0x80, $0x38;
	[tilespmem:$0x1F900] =	vst v63  }
0x24: {  	_ =	swait.ge [sflag:s22], $0x80  }
0x25: {  	[sflag:s22] =	ssyncset.done $0x0  }
0x26: {  	s31 =	simm.s32 $0x100;
	s17 =	smov.u32 s1;
	[sflag:s22] =	ssyncadd.s32 $0xFFFFFF80  }
0x27: {  	[tilespmem:s24], [sflag:$0x3] =	stream.indirect.gather [hbm4b:s5+s23], $0x80, s20, s23, $0xb8;
	[tilespmem:$0x1F900] =	vst v63  }
.LBB2_2:
0x28: {  	_ =	swait.ge [sflag:s25], $0x80  }
0x29: {  	s0 =	sadd.s32 s31, s8;
	[sflag:s25] =	ssyncset.done $0x0  }
0x2a: {  	s7 =	sand.u32 $0xFFFFFC00, s0;
	[sflag:s25] =	ssyncadd.s32 $0xFFFFFF80  }
0x2b: {  	s10 =	sand.u32 $0x300, s31;
	s7 =	sadd.s32 s3, s7;
	_ =	swait.ge [sflag:s26], $0x4000  }
0x2c: {  	s7 =	sor.u32 s10, s7;
	[sflag:s26] =	ssyncset.done $0x0  }
0x2d: {  	s7 =	sshrl.u32 s7, $0x3;
	[sflag:s26] =	ssyncadd.s32 $0xFFFFC000  }
0x2e: {  	[tilespmem:s28], [sflag:$0x4] =	stream.indirect.gather [hbm4b:s5+s23], $0x80, s21, s23, $0xb8;
	[tilespmem:$0x1F900] =	vst v63  }
0x2f: {  	s7 =	sadd.s32 s6, s7  }
0x30: {  	[tilespmem:s20], [sflag:$0x1] =	stream.linear.gather [hbm4b:s7+s4], $0x80, $0x38;
	[tilespmem:$0x1F900] =	vst v63  }
0x31: {  	s10 =	sadd.s32 $0xFFFFFF80, s17  }
0x32: {  	[spmem:s2] =	stream.indirect.scatter.add.f32 [tilespmem:s24], [sflag:$0x5], $0x80, s10, s23, $0xb8;
	[tilespmem:$0x1F900] =	vst v63  }
0x33: {  	_ =	swait.ge [sflag:s19], $0x4000  }
0x34: {  	[sflag:s19] =	ssyncset.done $0x0  }
0x35: {  	[sflag:s19] =	ssyncadd.s32 $0xFFFFC000  }
0x36: {  	_ =	swait.ge [sflag:s22], $0x80  }
0x37: {  	s0 =	sadd.s32 $0x80, s0;
	[sflag:s22] =	ssyncset.done $0x0  }
0x38: {  	s0 =	sand.u32 $0xFFFFFC00, s0;
	s10 =	sadd.s32 $0x80, s31;
	[sflag:s22] =	ssyncadd.s32 $0xFFFFFF80  }
0x39: {  	s0 =	sadd.s32 s3, s0;
	s7 =	sand.u32 $0x380, s10;
	_ =	swait.ge [sflag:s29], $0x4000  }
0x3a: {  	s0 =	sor.u32 s7, s0;
	[sflag:s29] =	ssyncset.done $0x0  }
0x3b: {  	s0 =	sshrl.u32 s0, $0x3;
	[sflag:s29] =	ssyncadd.s32 $0xFFFFC000  }
0x3c: {  	[tilespmem:s24], [sflag:$0x3] =	stream.indirect.gather [hbm4b:s5+s23], $0x80, s20, s23, $0xb8;
	[tilespmem:$0x1F900] =	vst v63  }
0x3d: {  	s0 =	sadd.s32 s6, s0  }
0x3e: {  	[tilespmem:s21], [sflag:$0x2] =	stream.linear.gather [hbm4b:s0+s4], $0x80, $0x38;
	[tilespmem:$0x1F900] =	vst v63  }
0x3f: {  	_ = 	snop  }
0x40: {  	[spmem:s2] =	stream.indirect.scatter.add.f32 [tilespmem:s28], [sflag:$0x5], $0x80, s17, s23, $0xb8;
	[tilespmem:$0x1F900] =	vst v63  }
0x41: {  	_ =	swait.ge [sflag:s19], $0x4000  }
0x42: {  	s31 =	sadd.s32 $0x100, s31;
	s10 =	rddreg [dreg:$0x3]  }
0x43: {  	p0 =	sne.s32 s10, s31  }
.Ltmp0:
0x44: {  	_ = 	snop;
	(pc) =	sbr.rel @p0 .LBB2_2-.Ltmp0, $3  }
0x45: {  	_ =	sdelay $0x1  }
0x46: {  	[sflag:s19] =	ssyncset.done $0x0  }
0x47: {  	s17 =	sadd.s32 $0x100, s17;
	[sflag:s19] =	ssyncadd.s32 $0xFFFFC000  }
0x48: {  	_ =	swait.ge [sflag:s25], $0x80  }
0x49: {  	[sflag:s25] =	ssyncset.done $0x0  }
0x4a: {  	[sflag:s25] =	ssyncadd.s32 $0xFFFFFF80  }
0x4b: {  	_ =	swait.ge [sflag:s26], $0x4000  }
0x4c: {  	[sflag:s26] =	ssyncset.done $0x0  }
0x4d: {  	[sflag:s26] =	ssyncadd.s32 $0xFFFFC000  }
0x4e: {  	[tilespmem:s28], [sflag:$0x4] =	stream.indirect.gather [hbm4b:s5+s23], $0x80, s21, s23, $0xb8;
	[tilespmem:$0x1F900] =	vst v63  }
0x4f: {  	_ = 	snop  }
0x50: {  	[spmem:s2] =	stream.indirect.scatter.add.f32 [tilespmem:s24], [sflag:$0x5], $0x80, s13, s23, $0xb8;
	[tilespmem:$0x1F900] =	vst v63  }
0x51: {  	_ =	swait.ge [sflag:s19], $0x4000  }
0x52: {  	[sflag:s19] =	ssyncset.done $0x0  }
0x53: {  	[sflag:s19] =	ssyncadd.s32 $0xFFFFC000  }
0x54: {  	_ =	swait.ge [sflag:s29], $0x4000  }
0x55: {  	[sflag:s29] =	ssyncset.done $0x0  }
0x56: {  	[sflag:s29] =	ssyncadd.s32 $0xFFFFC000  }
0x57: {  	[spmem:s2] =	stream.indirect.scatter.add.f32 [tilespmem:s28], [sflag:$0x5], $0x80, s14, s23, $0xb8;
	[tilespmem:$0x1F900] =	vst v63  }
0x58: {  	_ =	swait.ge [sflag:s19], $0x4000  }
0x59: {  	s30 =	sadd.s32 $0x1, s30;
	[sflag:s19] =	ssyncset.done $0x0  }
0x5a: {  	p0 =	sne.s32 s30, s16;
	[sflag:s19] =	ssyncadd.s32 $0xFFFFC000  }
.Ltmp1:
0x5b: {  	[bflag:$0x0] =	sbarrier.arrive $0xFFFF;
	(pc) =	sbr.rel @p0 .LBB2_1-.Ltmp1, $4  }
0x5c: {  	[hbm:s15], [sflag:s9] =	dma.local [spmem:s18], $0x2780  }
0x5d: {  	_ =	swait.ge [sflag:s19], $0x2780  }
0x5e: {  	[sflag:s19] =	ssyncset.done $0x0  }
0x5f: {  	[sflag:s19] =	ssyncadd.s32 $0xFFFFD880  }
0x60: {  	_ =	sfence.sel $0x180000  }
0x61: {  	[bflag:$0x0] =	sbarrier.arrive $0xFFFF  }
0x62: {  	_ =	strace $0x90000050  }
0x63: {  	s0 =	stileid.u32;
	[bflag:$0x2] =	sbarrier.arrive $0xFFFF  }
0x64: {  	p0 =	sne.s32 s0, $0x0;
	s0 =	rddreg [dreg:$0x2]  }
0x65: {  	s0 =	sadd.s32 @!p0 $0x100000, s0  }
0x66: {  	[sflag:s0] =	ssyncadd.tile.s32 @!p0 $0x1;
	_ =	shalt  }
.Lfunc_end2:
_tile_overlayer_lowered:
.L_overlay_start_2:
0x67: {  	(tag) =	ssettag $0x2  }
0x68: {  	s0 =	rddreg [dreg:$0x0];
	s2 =	stileid.u32  }
0x69: {  	s1 =	rddreg [dreg:$0x1];
	p0 =	sne.s32 s2, $0x0  }
0x6a: {  	s3 =	rddreg [dreg:$0x2];
	[bflag:$0x3] =	sbarrier.arrive $0xFFFF;
	s2 =	simm.s32 @!p0 $0x1C05  }
0x6b: {  	[timem:s3], [sflag:s2] =	dma.local @!p0 [hbm:s0], s1  }
0x6c: {  	s0 =	simm.s32 @!p0 $0x5  }
0x6d: {  	_ =	swait.ge @!p0 [sflag:s0], s1  }
0x6e: {  	s1 =	ssub.s32 @!p0 $0x0, s1;
	[sflag:s0] =	ssyncset.done @!p0 $0x0  }
0x6f: {  	[sflag:s0] =	ssyncadd.s32 @!p0 s1  }
0x70: {  	[bflag:$0x3] =	sbarrier.arrive $0xFFFF  }
0x71: {  	_ =	shalt  }

</sc_bundles>
